<compile_context>
chip_gen: v7x
topology: tpu7x:2x2x1
jax: 0.10.2.dev20260603
libtpu: 0.0.44.dev20260713+nightly
codegen_flags: <defaults>
</compile_context>

<pallas_src>
import functools

import jax
import jax.numpy as jnp
from jax import lax
from jax.experimental import pallas as pl
from jax.experimental.pallas import tpu as pltpu
from jax.experimental.pallas import tpu_sc as plsc

GAMMA = 12.0
BATCH = 16384
EMB_DIM = 64

NUM_CORES = 2
NUM_SUBCORES = 16
NW = NUM_CORES * NUM_SUBCORES
ROWS_PER_W = BATCH // NW
CHUNK = 128
NCHUNK = ROWS_PER_W // CHUNK


def _sc_kernel(hidx_hbm, ridx_hbm, tidx_hbm, ent_hbm, rel_hbm, out_hbm,
               hidx_v, ridx_v, tidx_v, h_rows, r_rows, t_rows, out_v, sem):
    wid = lax.axis_index("s") * NUM_CORES + lax.axis_index("c")
    base = wid * ROWS_PER_W

    pltpu.sync_copy(hidx_hbm.at[wid], hidx_v)
    pltpu.sync_copy(ridx_hbm.at[wid], ridx_v)
    pltpu.sync_copy(tidx_hbm.at[wid], tidx_v)

    copies = []
    for c in range(NCHUNK):
        dst = pl.ds(c * CHUNK, CHUNK)
        copies.append(pltpu.async_copy(ent_hbm.at[hidx_v.at[c]], h_rows.at[dst, :], sem))
        copies.append(pltpu.async_copy(rel_hbm.at[ridx_v.at[c]], r_rows.at[dst, :], sem))
        copies.append(pltpu.async_copy(ent_hbm.at[tidx_v.at[c]], t_rows.at[dst, :], sem))
    for cp in copies:
        cp.wait()

    lanes = lax.iota(jnp.int32, 16)

    def body(g, _):
        scores = jnp.zeros((16,), jnp.float32)
        for i in range(16):
            b = g * 16 + i
            acc = jnp.zeros((16,), jnp.float32)
            for j in range(EMB_DIM // 16):
                sl = pl.ds(j * 16, 16)
                acc = acc + jnp.abs(h_rows[b, sl] + r_rows[b, sl] - t_rows[b, sl])
            tot = jnp.sum(acc)
            scores = jnp.where(lanes == i, tot, scores)
        out_v[pl.ds(g * 16, 16)] = GAMMA - scores
        return 0

    lax.fori_loop(0, ROWS_PER_W // 16, body, 0)

    pltpu.sync_copy(out_v, out_hbm.at[pl.ds(base, ROWS_PER_W)])


def kernel(sample, ent_emb, relation_embedding):
    sample_t = sample.T.astype(jnp.int32)
    hidx = sample_t[0].reshape(NW, NCHUNK, CHUNK)
    ridx = sample_t[1].reshape(NW, NCHUNK, CHUNK)
    tidx = sample_t[2].reshape(NW, NCHUNK, CHUNK)

    mesh = plsc.VectorSubcoreMesh(core_axis_name="c", subcore_axis_name="s")
    run = functools.partial(
        pl.kernel,
        mesh=mesh,
        compiler_params=pltpu.CompilerParams(
            needs_layout_passes=False, use_tc_tiling_on_sc=False),
        out_type=jax.ShapeDtypeStruct((BATCH,), jnp.float32),
        scratch_types=[
            pltpu.VMEM((NCHUNK, CHUNK), jnp.int32),
            pltpu.VMEM((NCHUNK, CHUNK), jnp.int32),
            pltpu.VMEM((NCHUNK, CHUNK), jnp.int32),
            pltpu.VMEM((ROWS_PER_W, EMB_DIM), jnp.float32),
            pltpu.VMEM((ROWS_PER_W, EMB_DIM), jnp.float32),
            pltpu.VMEM((ROWS_PER_W, EMB_DIM), jnp.float32),
            pltpu.VMEM((ROWS_PER_W,), jnp.float32),
            pltpu.SemaphoreType.DMA,
        ],
    )(_sc_kernel)
    score = run(hidx, ridx, tidx, ent_emb, relation_embedding)
    return score.reshape(BATCH, 1)

# --- scband reference (transcript-rebuilt; emitter-appended) ---
"""Pipeline reference for scband-kgemodel-32555852103701 (READ-ONLY COPY).

The authoritative reference and input builder live on the scoring server;
editing this copy changes nothing except your own understanding.
"""

import jax, jax.numpy as jnp
import numpy as np

NUM_ENT = 100000
NUM_REL = 100000
EMB_DIM = 64
REL_DIM = 64
GAMMA = 12.0
EPSILON = 2.0
EMB_RANGE = (GAMMA + EPSILON) / EMB_DIM
BATCH = 16384


def setup_inputs(seed: int = 0) -> dict:
    key = jax.random.key(seed)
    k1, k2, k3 = jax.random.split(key, 3)
    sample = jax.random.randint(k1, (BATCH, 3), 0, NUM_ENT, dtype=jnp.int64) if jax.config.jax_enable_x64 else jax.random.randint(k1, (BATCH, 3), 0, NUM_ENT).astype(jnp.int32)
    ent_emb = jax.random.normal(k2, (NUM_ENT, EMB_DIM), dtype=jnp.float32)
    relation_embedding = jax.random.uniform(k3, (NUM_REL, REL_DIM), dtype=jnp.float32, minval=-EMB_RANGE, maxval=EMB_RANGE)
    return {"sample": sample, "ent_emb": ent_emb, "relation_embedding": relation_embedding}


def reference(sample, ent_emb, relation_embedding):
    # mode == 'single', model_name == 'TransE'
    head = jnp.take(ent_emb, sample[:, 0], axis=0)[:, None, :]  # [B, 1, D]
    relation = jnp.take(relation_embedding, sample[:, 1], axis=0)[:, None, :]  # [B, 1, D]
    tail = jnp.take(ent_emb, sample[:, 2], axis=0)[:, None, :]  # [B, 1, D]
    score = head + relation - tail
    score = GAMMA - jnp.sum(jnp.abs(score), axis=2)  # L1 norm over dim=2
    return score  # [B, 1]

if __name__ == "__main__":
    import jax
    _d = setup_inputs()
    print(jax.jit(kernel)(*tuple(_d.values())))

</pallas_src>

<mosaic_0001>
#map = affine_map<(d0, d1) -> (0, 0, 0)>
#map1 = affine_map<(d0, d1) -> (0, 0)>
#map2 = affine_map<(d0, d1) -> (0)>
module attributes {stable_mosaic.version = 14 : i64} {
  func.func @_sc_kernel(%arg0: i32, %arg1: i32, %arg2: memref<32x4x128xi32, #tpu.memory_space<hbm>>, %arg3: memref<32x4x128xi32, #tpu.memory_space<hbm>>, %arg4: memref<32x4x128xi32, #tpu.memory_space<hbm>>, %arg5: memref<100000x64xf32, #tpu.memory_space<hbm>>, %arg6: memref<100000x64xf32, #tpu.memory_space<hbm>>, %arg7: memref<16384xf32, #tpu.memory_space<hbm>>, %arg8: memref<4x128xi32, #tpu.memory_space<vmem>>, %arg9: memref<4x128xi32, #tpu.memory_space<vmem>>, %arg10: memref<4x128xi32, #tpu.memory_space<vmem>>, %arg11: memref<512x64xf32, #tpu.memory_space<vmem>>, %arg12: memref<512x64xf32, #tpu.memory_space<vmem>>, %arg13: memref<512x64xf32, #tpu.memory_space<vmem>>, %arg14: memref<512xf32, #tpu.memory_space<vmem>>, %arg15: memref<!tpu.dma_semaphore, #tpu.memory_space<semaphore_mem>>) attributes {dimension_semantics = [#tpu.dimension_semantics<core_parallel>, #tpu.dimension_semantics<subcore_parallel>], iteration_bounds = array<i64: 2, 16>, scalar_prefetch = 0 : i64, scratch_operands = 8 : i64, tpu.core_type = #tpu.core_type<sc_vector_subcore>, window_params = [{transform_indices = #map}, {transform_indices = #map}, {transform_indices = #map}, {transform_indices = #map1}, {transform_indices = #map1}, {transform_indices = #map2}]} {
    %mul3A = arith.constant 2 : i32
    %mul3A_0 = arith.muli %arg1, %mul3A : i32
    %add3A = arith.addi %mul3A_0, %arg0 : i32
    %mul3A_1 = arith.constant 512 : i32
    %mul3A_2 = arith.muli %add3A, %mul3A_1 : i32
    "tpu.region"() ({
      %run_scoped3A = tpu.sem_alloc : memref<!tpu.dma_semaphore, #tpu.memory_space<semaphore_mem>>
      %dma_start3A_247 = arith.constant 0 : i32
      %dma_start3A_248 = arith.constant 0 : i32
      %dma_start3A_249 = tpu.memref_slice %arg2[%add3A, %dma_start3A_247, %dma_start3A_248] : memref<32x4x128xi32, #tpu.memory_space<hbm>> -> memref<1x4x128xi32, #tpu.memory_space<hbm>>
      %dma_start3A_250 = tpu.memref_squeeze %dma_start3A_249 : memref<1x4x128xi32, #tpu.memory_space<hbm>> -> memref<4x128xi32, #tpu.memory_space<hbm>>
      %dma_start3A_251 = arith.constant 0 : i32
      %dma_start3A_252 = arith.constant 0 : i32
      %dma_start3A_253 = tpu.memref_slice %arg2[%add3A, %dma_start3A_251, %dma_start3A_252] : memref<32x4x128xi32, #tpu.memory_space<hbm>> -> memref<1x4x128xi32, #tpu.memory_space<hbm>>
      %dma_start3A_254 = tpu.memref_squeeze %dma_start3A_253 : memref<1x4x128xi32, #tpu.memory_space<hbm>> -> memref<4x128xi32, #tpu.memory_space<hbm>>
      tpu.enqueue_dma source(%dma_start3A_254 : memref<4x128xi32, #tpu.memory_space<hbm>>) target(%arg8 : memref<4x128xi32, #tpu.memory_space<vmem>>) target_semaphore(%run_scoped3A : memref<!tpu.dma_semaphore, #tpu.memory_space<semaphore_mem>>)
      %dma_wait3A_255 = arith.constant 0 : i32
      %dma_wait3A_256 = arith.constant 0 : i32
      %dma_wait3A_257 = tpu.memref_slice %arg2[%add3A, %dma_wait3A_255, %dma_wait3A_256] : memref<32x4x128xi32, #tpu.memory_space<hbm>> -> memref<1x4x128xi32, #tpu.memory_space<hbm>>
      %dma_wait3A_258 = tpu.memref_squeeze %dma_wait3A_257 : memref<1x4x128xi32, #tpu.memory_space<hbm>> -> memref<4x128xi32, #tpu.memory_space<hbm>>
      %dma_wait3A_259 = arith.constant 0 : i32
      %dma_wait3A_260 = arith.constant 0 : i32
      %dma_wait3A_261 = tpu.memref_slice %arg2[%add3A, %dma_wait3A_259, %dma_wait3A_260] : memref<32x4x128xi32, #tpu.memory_space<hbm>> -> memref<1x4x128xi32, #tpu.memory_space<hbm>>
      %dma_wait3A_262 = tpu.memref_squeeze %dma_wait3A_261 : memref<1x4x128xi32, #tpu.memory_space<hbm>> -> memref<4x128xi32, #tpu.memory_space<hbm>>
      tpu.wait_dma2 semaphore(%run_scoped3A : memref<!tpu.dma_semaphore, #tpu.memory_space<semaphore_mem>>) src(%dma_wait3A_262 : memref<4x128xi32, #tpu.memory_space<hbm>>) dst(%arg8 : memref<4x128xi32, #tpu.memory_space<vmem>>)
      tpu.yield
    }) : () -> ()
    "tpu.region"() ({
      %run_scoped3A = tpu.sem_alloc : memref<!tpu.dma_semaphore, #tpu.memory_space<semaphore_mem>>
      %dma_start3A_247 = arith.constant 0 : i32
      %dma_start3A_248 = arith.constant 0 : i32
      %dma_start3A_249 = tpu.memref_slice %arg3[%add3A, %dma_start3A_247, %dma_start3A_248] : memref<32x4x128xi32, #tpu.memory_space<hbm>> -> memref<1x4x128xi32, #tpu.memory_space<hbm>>
      %dma_start3A_250 = tpu.memref_squeeze %dma_start3A_249 : memref<1x4x128xi32, #tpu.memory_space<hbm>> -> memref<4x128xi32, #tpu.memory_space<hbm>>
      %dma_start3A_251 = arith.constant 0 : i32
      %dma_start3A_252 = arith.constant 0 : i32
      %dma_start3A_253 = tpu.memref_slice %arg3[%add3A, %dma_start3A_251, %dma_start3A_252] : memref<32x4x128xi32, #tpu.memory_space<hbm>> -> memref<1x4x128xi32, #tpu.memory_space<hbm>>
      %dma_start3A_254 = tpu.memref_squeeze %dma_start3A_253 : memref<1x4x128xi32, #tpu.memory_space<hbm>> -> memref<4x128xi32, #tpu.memory_space<hbm>>
      tpu.enqueue_dma source(%dma_start3A_254 : memref<4x128xi32, #tpu.memory_space<hbm>>) target(%arg9 : memref<4x128xi32, #tpu.memory_space<vmem>>) target_semaphore(%run_scoped3A : memref<!tpu.dma_semaphore, #tpu.memory_space<semaphore_mem>>)
      %dma_wait3A_255 = arith.constant 0 : i32
      %dma_wait3A_256 = arith.constant 0 : i32
      %dma_wait3A_257 = tpu.memref_slice %arg3[%add3A, %dma_wait3A_255, %dma_wait3A_256] : memref<32x4x128xi32, #tpu.memory_space<hbm>> -> memref<1x4x128xi32, #tpu.memory_space<hbm>>
      %dma_wait3A_258 = tpu.memref_squeeze %dma_wait3A_257 : memref<1x4x128xi32, #tpu.memory_space<hbm>> -> memref<4x128xi32, #tpu.memory_space<hbm>>
      %dma_wait3A_259 = arith.constant 0 : i32
      %dma_wait3A_260 = arith.constant 0 : i32
      %dma_wait3A_261 = tpu.memref_slice %arg3[%add3A, %dma_wait3A_259, %dma_wait3A_260] : memref<32x4x128xi32, #tpu.memory_space<hbm>> -> memref<1x4x128xi32, #tpu.memory_space<hbm>>
      %dma_wait3A_262 = tpu.memref_squeeze %dma_wait3A_261 : memref<1x4x128xi32, #tpu.memory_space<hbm>> -> memref<4x128xi32, #tpu.memory_space<hbm>>
      tpu.wait_dma2 semaphore(%run_scoped3A : memref<!tpu.dma_semaphore, #tpu.memory_space<semaphore_mem>>) src(%dma_wait3A_262 : memref<4x128xi32, #tpu.memory_space<hbm>>) dst(%arg9 : memref<4x128xi32, #tpu.memory_space<vmem>>)
      tpu.yield
    }) : () -> ()
    "tpu.region"() ({
      %run_scoped3A = tpu.sem_alloc : memref<!tpu.dma_semaphore, #tpu.memory_space<semaphore_mem>>
      %dma_start3A_247 = arith.constant 0 : i32
      %dma_start3A_248 = arith.constant 0 : i32
      %dma_start3A_249 = tpu.memref_slice %arg4[%add3A, %dma_start3A_247, %dma_start3A_248] : memref<32x4x128xi32, #tpu.memory_space<hbm>> -> memref<1x4x128xi32, #tpu.memory_space<hbm>>
      %dma_start3A_250 = tpu.memref_squeeze %dma_start3A_249 : memref<1x4x128xi32, #tpu.memory_space<hbm>> -> memref<4x128xi32, #tpu.memory_space<hbm>>
      %dma_start3A_251 = arith.constant 0 : i32
      %dma_start3A_252 = arith.constant 0 : i32
      %dma_start3A_253 = tpu.memref_slice %arg4[%add3A, %dma_start3A_251, %dma_start3A_252] : memref<32x4x128xi32, #tpu.memory_space<hbm>> -> memref<1x4x128xi32, #tpu.memory_space<hbm>>
      %dma_start3A_254 = tpu.memref_squeeze %dma_start3A_253 : memref<1x4x128xi32, #tpu.memory_space<hbm>> -> memref<4x128xi32, #tpu.memory_space<hbm>>
      tpu.enqueue_dma source(%dma_start3A_254 : memref<4x128xi32, #tpu.memory_space<hbm>>) target(%arg10 : memref<4x128xi32, #tpu.memory_space<vmem>>) target_semaphore(%run_scoped3A : memref<!tpu.dma_semaphore, #tpu.memory_space<semaphore_mem>>)
      %dma_wait3A_255 = arith.constant 0 : i32
      %dma_wait3A_256 = arith.constant 0 : i32
      %dma_wait3A_257 = tpu.memref_slice %arg4[%add3A, %dma_wait3A_255, %dma_wait3A_256] : memref<32x4x128xi32, #tpu.memory_space<hbm>> -> memref<1x4x128xi32, #tpu.memory_space<hbm>>
      %dma_wait3A_258 = tpu.memref_squeeze %dma_wait3A_257 : memref<1x4x128xi32, #tpu.memory_space<hbm>> -> memref<4x128xi32, #tpu.memory_space<hbm>>
      %dma_wait3A_259 = arith.constant 0 : i32
      %dma_wait3A_260 = arith.constant 0 : i32
      %dma_wait3A_261 = tpu.memref_slice %arg4[%add3A, %dma_wait3A_259, %dma_wait3A_260] : memref<32x4x128xi32, #tpu.memory_space<hbm>> -> memref<1x4x128xi32, #tpu.memory_space<hbm>>
      %dma_wait3A_262 = tpu.memref_squeeze %dma_wait3A_261 : memref<1x4x128xi32, #tpu.memory_space<hbm>> -> memref<4x128xi32, #tpu.memory_space<hbm>>
      tpu.wait_dma2 semaphore(%run_scoped3A : memref<!tpu.dma_semaphore, #tpu.memory_space<semaphore_mem>>) src(%dma_wait3A_262 : memref<4x128xi32, #tpu.memory_space<hbm>>) dst(%arg10 : memref<4x128xi32, #tpu.memory_space<vmem>>)
      tpu.yield
    }) : () -> ()
    %dma_start3A = arith.constant 0 : i32
    %dma_start3A_3 = arith.constant 0 : i32
    %dma_start3A_4 = arith.constant 0 : i32
    %dma_start3A_5 = tpu.memref_slice %arg11[%dma_start3A_3, %dma_start3A_4] : memref<512x64xf32, #tpu.memory_space<vmem>> -> memref<128x64xf32, #tpu.memory_space<vmem>>
    %dma_start3A_6 = arith.constant 0 : i32
    %dma_start3A_7 = tpu.memref_slice %arg8[%dma_start3A, %dma_start3A_6] : memref<4x128xi32, #tpu.memory_space<vmem>> -> memref<1x128xi32, #tpu.memory_space<vmem>>
    %dma_start3A_8 = tpu.memref_squeeze %dma_start3A_7 : memref<1x128xi32, #tpu.memory_space<vmem>> -> memref<128xi32, #tpu.memory_space<vmem>>
    %dma_start3A_9 = arith.constant 0 : i32
    %dma_start3A_10 = arith.constant 0 : i32
    %dma_start3A_11 = tpu.memref_slice %arg5[%dma_start3A_9, %dma_start3A_10] : memref<100000x64xf32, #tpu.memory_space<hbm>> -> memref<100000x64xf32, #tpu.memory_space<hbm>>
    tpu.enqueue_indirect_dma source(%dma_start3A_11 : memref<100000x64xf32, #tpu.memory_space<hbm>>) target(%dma_start3A_5 : memref<128x64xf32, #tpu.memory_space<vmem>>) offsets(%dma_start3A_8 : memref<128xi32, #tpu.memory_space<vmem>>) semaphore(%arg15 : memref<!tpu.dma_semaphore, #tpu.memory_space<semaphore_mem>>)
    %dma_start3A_12 = arith.constant 0 : i32
    %dma_start3A_13 = arith.constant 0 : i32
    %dma_start3A_14 = arith.constant 0 : i32
    %dma_start3A_15 = tpu.memref_slice %arg12[%dma_start3A_13, %dma_start3A_14] : memref<512x64xf32, #tpu.memory_space<vmem>> -> memref<128x64xf32, #tpu.memory_space<vmem>>
    %dma_start3A_16 = arith.constant 0 : i32
    %dma_start3A_17 = tpu.memref_slice %arg9[%dma_start3A_12, %dma_start3A_16] : memref<4x128xi32, #tpu.memory_space<vmem>> -> memref<1x128xi32, #tpu.memory_space<vmem>>
    %dma_start3A_18 = tpu.memref_squeeze %dma_start3A_17 : memref<1x128xi32, #tpu.memory_space<vmem>> -> memref<128xi32, #tpu.memory_space<vmem>>
    %dma_start3A_19 = arith.constant 0 : i32
    %dma_start3A_20 = arith.constant 0 : i32
    %dma_start3A_21 = tpu.memref_slice %arg6[%dma_start3A_19, %dma_start3A_20] : memref<100000x64xf32, #tpu.memory_space<hbm>> -> memref<100000x64xf32, #tpu.memory_space<hbm>>
    tpu.enqueue_indirect_dma source(%dma_start3A_21 : memref<100000x64xf32, #tpu.memory_space<hbm>>) target(%dma_start3A_15 : memref<128x64xf32, #tpu.memory_space<vmem>>) offsets(%dma_start3A_18 : memref<128xi32, #tpu.memory_space<vmem>>) semaphore(%arg15 : memref<!tpu.dma_semaphore, #tpu.memory_space<semaphore_mem>>)
    %dma_start3A_22 = arith.constant 0 : i32
    %dma_start3A_23 = arith.constant 0 : i32
    %dma_start3A_24 = arith.constant 0 : i32
    %dma_start3A_25 = tpu.memref_slice %arg13[%dma_start3A_23, %dma_start3A_24] : memref<512x64xf32, #tpu.memory_space<vmem>> -> memref<128x64xf32, #tpu.memory_space<vmem>>
    %dma_start3A_26 = arith.constant 0 : i32
    %dma_start3A_27 = tpu.memref_slice %arg10[%dma_start3A_22, %dma_start3A_26] : memref<4x128xi32, #tpu.memory_space<vmem>> -> memref<1x128xi32, #tpu.memory_space<vmem>>
    %dma_start3A_28 = tpu.memref_squeeze %dma_start3A_27 : memref<1x128xi32, #tpu.memory_space<vmem>> -> memref<128xi32, #tpu.memory_space<vmem>>
    %dma_start3A_29 = arith.constant 0 : i32
    %dma_start3A_30 = arith.constant 0 : i32
    %dma_start3A_31 = tpu.memref_slice %arg5[%dma_start3A_29, %dma_start3A_30] : memref<100000x64xf32, #tpu.memory_space<hbm>> -> memref<100000x64xf32, #tpu.memory_space<hbm>>
    tpu.enqueue_indirect_dma source(%dma_start3A_31 : memref<100000x64xf32, #tpu.memory_space<hbm>>) target(%dma_start3A_25 : memref<128x64xf32, #tpu.memory_space<vmem>>) offsets(%dma_start3A_28 : memref<128xi32, #tpu.memory_space<vmem>>) semaphore(%arg15 : memref<!tpu.dma_semaphore, #tpu.memory_space<semaphore_mem>>)
    %dma_start3A_32 = arith.constant 1 : i32
    %dma_start3A_33 = arith.constant 128 : i32
    %dma_start3A_34 = arith.constant 0 : i32
    %dma_start3A_35 = tpu.memref_slice %arg11[%dma_start3A_33, %dma_start3A_34] : memref<512x64xf32, #tpu.memory_space<vmem>> -> memref<128x64xf32, #tpu.memory_space<vmem>>
    %dma_start3A_36 = arith.constant 0 : i32
    %dma_start3A_37 = tpu.memref_slice %arg8[%dma_start3A_32, %dma_start3A_36] : memref<4x128xi32, #tpu.memory_space<vmem>> -> memref<1x128xi32, #tpu.memory_space<vmem>>
    %dma_start3A_38 = tpu.memref_squeeze %dma_start3A_37 : memref<1x128xi32, #tpu.memory_space<vmem>> -> memref<128xi32, #tpu.memory_space<vmem>>
    %dma_start3A_39 = arith.constant 0 : i32
    %dma_start3A_40 = arith.constant 0 : i32
    %dma_start3A_41 = tpu.memref_slice %arg5[%dma_start3A_39, %dma_start3A_40] : memref<100000x64xf32, #tpu.memory_space<hbm>> -> memref<100000x64xf32, #tpu.memory_space<hbm>>
    tpu.enqueue_indirect_dma source(%dma_start3A_41 : memref<100000x64xf32, #tpu.memory_space<hbm>>) target(%dma_start3A_35 : memref<128x64xf32, #tpu.memory_space<vmem>>) offsets(%dma_start3A_38 : memref<128xi32, #tpu.memory_space<vmem>>) semaphore(%arg15 : memref<!tpu.dma_semaphore, #tpu.memory_space<semaphore_mem>>)
    %dma_start3A_42 = arith.constant 1 : i32
    %dma_start3A_43 = arith.constant 128 : i32
    %dma_start3A_44 = arith.constant 0 : i32
    %dma_start3A_45 = tpu.memref_slice %arg12[%dma_start3A_43, %dma_start3A_44] : memref<512x64xf32, #tpu.memory_space<vmem>> -> memref<128x64xf32, #tpu.memory_space<vmem>>
    %dma_start3A_46 = arith.constant 0 : i32
    %dma_start3A_47 = tpu.memref_slice %arg9[%dma_start3A_42, %dma_start3A_46] : memref<4x128xi32, #tpu.memory_space<vmem>> -> memref<1x128xi32, #tpu.memory_space<vmem>>
    %dma_start3A_48 = tpu.memref_squeeze %dma_start3A_47 : memref<1x128xi32, #tpu.memory_space<vmem>> -> memref<128xi32, #tpu.memory_space<vmem>>
    %dma_start3A_49 = arith.constant 0 : i32
    %dma_start3A_50 = arith.constant 0 : i32
    %dma_start3A_51 = tpu.memref_slice %arg6[%dma_start3A_49, %dma_start3A_50] : memref<100000x64xf32, #tpu.memory_space<hbm>> -> memref<100000x64xf32, #tpu.memory_space<hbm>>
    tpu.enqueue_indirect_dma source(%dma_start3A_51 : memref<100000x64xf32, #tpu.memory_space<hbm>>) target(%dma_start3A_45 : memref<128x64xf32, #tpu.memory_space<vmem>>) offsets(%dma_start3A_48 : memref<128xi32, #tpu.memory_space<vmem>>) semaphore(%arg15 : memref<!tpu.dma_semaphore, #tpu.memory_space<semaphore_mem>>)
    %dma_start3A_52 = arith.constant 1 : i32
    %dma_start3A_53 = arith.constant 128 : i32
    %dma_start3A_54 = arith.constant 0 : i32
    %dma_start3A_55 = tpu.memref_slice %arg13[%dma_start3A_53, %dma_start3A_54] : memref<512x64xf32, #tpu.memory_space<vmem>> -> memref<128x64xf32, #tpu.memory_space<vmem>>
    %dma_start3A_56 = arith.constant 0 : i32
    %dma_start3A_57 = tpu.memref_slice %arg10[%dma_start3A_52, %dma_start3A_56] : memref<4x128xi32, #tpu.memory_space<vmem>> -> memref<1x128xi32, #tpu.memory_space<vmem>>
    %dma_start3A_58 = tpu.memref_squeeze %dma_start3A_57 : memref<1x128xi32, #tpu.memory_space<vmem>> -> memref<128xi32, #tpu.memory_space<vmem>>
    %dma_start3A_59 = arith.constant 0 : i32
    %dma_start3A_60 = arith.constant 0 : i32
    %dma_start3A_61 = tpu.memref_slice %arg5[%dma_start3A_59, %dma_start3A_60] : memref<100000x64xf32, #tpu.memory_space<hbm>> -> memref<100000x64xf32, #tpu.memory_space<hbm>>
    tpu.enqueue_indirect_dma source(%dma_start3A_61 : memref<100000x64xf32, #tpu.memory_space<hbm>>) target(%dma_start3A_55 : memref<128x64xf32, #tpu.memory_space<vmem>>) offsets(%dma_start3A_58 : memref<128xi32, #tpu.memory_space<vmem>>) semaphore(%arg15 : memref<!tpu.dma_semaphore, #tpu.memory_space<semaphore_mem>>)
    %dma_start3A_62 = arith.constant 2 : i32
    %dma_start3A_63 = arith.constant 256 : i32
    %dma_start3A_64 = arith.constant 0 : i32
    %dma_start3A_65 = tpu.memref_slice %arg11[%dma_start3A_63, %dma_start3A_64] : memref<512x64xf32, #tpu.memory_space<vmem>> -> memref<128x64xf32, #tpu.memory_space<vmem>>
    %dma_start3A_66 = arith.constant 0 : i32
    %dma_start3A_67 = tpu.memref_slice %arg8[%dma_start3A_62, %dma_start3A_66] : memref<4x128xi32, #tpu.memory_space<vmem>> -> memref<1x128xi32, #tpu.memory_space<vmem>>
    %dma_start3A_68 = tpu.memref_squeeze %dma_start3A_67 : memref<1x128xi32, #tpu.memory_space<vmem>> -> memref<128xi32, #tpu.memory_space<vmem>>
    %dma_start3A_69 = arith.constant 0 : i32
    %dma_start3A_70 = arith.constant 0 : i32
    %dma_start3A_71 = tpu.memref_slice %arg5[%dma_start3A_69, %dma_start3A_70] : memref<100000x64xf32, #tpu.memory_space<hbm>> -> memref<100000x64xf32, #tpu.memory_space<hbm>>
    tpu.enqueue_indirect_dma source(%dma_start3A_71 : memref<100000x64xf32, #tpu.memory_space<hbm>>) target(%dma_start3A_65 : memref<128x64xf32, #tpu.memory_space<vmem>>) offsets(%dma_start3A_68 : memref<128xi32, #tpu.memory_space<vmem>>) semaphore(%arg15 : memref<!tpu.dma_semaphore, #tpu.memory_space<semaphore_mem>>)
    %dma_start3A_72 = arith.constant 2 : i32
    %dma_start3A_73 = arith.constant 256 : i32
    %dma_start3A_74 = arith.constant 0 : i32
    %dma_start3A_75 = tpu.memref_slice %arg12[%dma_start3A_73, %dma_start3A_74] : memref<512x64xf32, #tpu.memory_space<vmem>> -> memref<128x64xf32, #tpu.memory_space<vmem>>
    %dma_start3A_76 = arith.constant 0 : i32
    %dma_start3A_77 = tpu.memref_slice %arg9[%dma_start3A_72, %dma_start3A_76] : memref<4x128xi32, #tpu.memory_space<vmem>> -> memref<1x128xi32, #tpu.memory_space<vmem>>
    %dma_start3A_78 = tpu.memref_squeeze %dma_start3A_77 : memref<1x128xi32, #tpu.memory_space<vmem>> -> memref<128xi32, #tpu.memory_space<vmem>>
    %dma_start3A_79 = arith.constant 0 : i32
    %dma_start3A_80 = arith.constant 0 : i32
    %dma_start3A_81 = tpu.memref_slice %arg6[%dma_start3A_79, %dma_start3A_80] : memref<100000x64xf32, #tpu.memory_space<hbm>> -> memref<100000x64xf32, #tpu.memory_space<hbm>>
    tpu.enqueue_indirect_dma source(%dma_start3A_81 : memref<100000x64xf32, #tpu.memory_space<hbm>>) target(%dma_start3A_75 : memref<128x64xf32, #tpu.memory_space<vmem>>) offsets(%dma_start3A_78 : memref<128xi32, #tpu.memory_space<vmem>>) semaphore(%arg15 : memref<!tpu.dma_semaphore, #tpu.memory_space<semaphore_mem>>)
    %dma_start3A_82 = arith.constant 2 : i32
    %dma_start3A_83 = arith.constant 256 : i32
    %dma_start3A_84 = arith.constant 0 : i32
    %dma_start3A_85 = tpu.memref_slice %arg13[%dma_start3A_83, %dma_start3A_84] : memref<512x64xf32, #tpu.memory_space<vmem>> -> memref<128x64xf32, #tpu.memory_space<vmem>>
    %dma_start3A_86 = arith.constant 0 : i32
    %dma_start3A_87 = tpu.memref_slice %arg10[%dma_start3A_82, %dma_start3A_86] : memref<4x128xi32, #tpu.memory_space<vmem>> -> memref<1x128xi32, #tpu.memory_space<vmem>>
    %dma_start3A_88 = tpu.memref_squeeze %dma_start3A_87 : memref<1x128xi32, #tpu.memory_space<vmem>> -> memref<128xi32, #tpu.memory_space<vmem>>
    %dma_start3A_89 = arith.constant 0 : i32
    %dma_start3A_90 = arith.constant 0 : i32
    %dma_start3A_91 = tpu.memref_slice %arg5[%dma_start3A_89, %dma_start3A_90] : memref<100000x64xf32, #tpu.memory_space<hbm>> -> memref<100000x64xf32, #tpu.memory_space<hbm>>
    tpu.enqueue_indirect_dma source(%dma_start3A_91 : memref<100000x64xf32, #tpu.memory_space<hbm>>) target(%dma_start3A_85 : memref<128x64xf32, #tpu.memory_space<vmem>>) offsets(%dma_start3A_88 : memref<128xi32, #tpu.memory_space<vmem>>) semaphore(%arg15 : memref<!tpu.dma_semaphore, #tpu.memory_space<semaphore_mem>>)
    %dma_start3A_92 = arith.constant 3 : i32
    %dma_start3A_93 = arith.constant 384 : i32
    %dma_start3A_94 = arith.constant 0 : i32
    %dma_start3A_95 = tpu.memref_slice %arg11[%dma_start3A_93, %dma_start3A_94] : memref<512x64xf32, #tpu.memory_space<vmem>> -> memref<128x64xf32, #tpu.memory_space<vmem>>
    %dma_start3A_96 = arith.constant 0 : i32
    %dma_start3A_97 = tpu.memref_slice %arg8[%dma_start3A_92, %dma_start3A_96] : memref<4x128xi32, #tpu.memory_space<vmem>> -> memref<1x128xi32, #tpu.memory_space<vmem>>
    %dma_start3A_98 = tpu.memref_squeeze %dma_start3A_97 : memref<1x128xi32, #tpu.memory_space<vmem>> -> memref<128xi32, #tpu.memory_space<vmem>>
    %dma_start3A_99 = arith.constant 0 : i32
    %dma_start3A_100 = arith.constant 0 : i32
    %dma_start3A_101 = tpu.memref_slice %arg5[%dma_start3A_99, %dma_start3A_100] : memref<100000x64xf32, #tpu.memory_space<hbm>> -> memref<100000x64xf32, #tpu.memory_space<hbm>>
    tpu.enqueue_indirect_dma source(%dma_start3A_101 : memref<100000x64xf32, #tpu.memory_space<hbm>>) target(%dma_start3A_95 : memref<128x64xf32, #tpu.memory_space<vmem>>) offsets(%dma_start3A_98 : memref<128xi32, #tpu.memory_space<vmem>>) semaphore(%arg15 : memref<!tpu.dma_semaphore, #tpu.memory_space<semaphore_mem>>)
    %dma_start3A_102 = arith.constant 3 : i32
    %dma_start3A_103 = arith.constant 384 : i32
    %dma_start3A_104 = arith.constant 0 : i32
    %dma_start3A_105 = tpu.memref_slice %arg12[%dma_start3A_103, %dma_start3A_104] : memref<512x64xf32, #tpu.memory_space<vmem>> -> memref<128x64xf32, #tpu.memory_space<vmem>>
    %dma_start3A_106 = arith.constant 0 : i32
    %dma_start3A_107 = tpu.memref_slice %arg9[%dma_start3A_102, %dma_start3A_106] : memref<4x128xi32, #tpu.memory_space<vmem>> -> memref<1x128xi32, #tpu.memory_space<vmem>>
    %dma_start3A_108 = tpu.memref_squeeze %dma_start3A_107 : memref<1x128xi32, #tpu.memory_space<vmem>> -> memref<128xi32, #tpu.memory_space<vmem>>
    %dma_start3A_109 = arith.constant 0 : i32
    %dma_start3A_110 = arith.constant 0 : i32
    %dma_start3A_111 = tpu.memref_slice %arg6[%dma_start3A_109, %dma_start3A_110] : memref<100000x64xf32, #tpu.memory_space<hbm>> -> memref<100000x64xf32, #tpu.memory_space<hbm>>
    tpu.enqueue_indirect_dma source(%dma_start3A_111 : memref<100000x64xf32, #tpu.memory_space<hbm>>) target(%dma_start3A_105 : memref<128x64xf32, #tpu.memory_space<vmem>>) offsets(%dma_start3A_108 : memref<128xi32, #tpu.memory_space<vmem>>) semaphore(%arg15 : memref<!tpu.dma_semaphore, #tpu.memory_space<semaphore_mem>>)
    %dma_start3A_112 = arith.constant 3 : i32
    %dma_start3A_113 = arith.constant 384 : i32
    %dma_start3A_114 = arith.constant 0 : i32
    %dma_start3A_115 = tpu.memref_slice %arg13[%dma_start3A_113, %dma_start3A_114] : memref<512x64xf32, #tpu.memory_space<vmem>> -> memref<128x64xf32, #tpu.memory_space<vmem>>
    %dma_start3A_116 = arith.constant 0 : i32
    %dma_start3A_117 = tpu.memref_slice %arg10[%dma_start3A_112, %dma_start3A_116] : memref<4x128xi32, #tpu.memory_space<vmem>> -> memref<1x128xi32, #tpu.memory_space<vmem>>
    %dma_start3A_118 = tpu.memref_squeeze %dma_start3A_117 : memref<1x128xi32, #tpu.memory_space<vmem>> -> memref<128xi32, #tpu.memory_space<vmem>>
    %dma_start3A_119 = arith.constant 0 : i32
    %dma_start3A_120 = arith.constant 0 : i32
    %dma_start3A_121 = tpu.memref_slice %arg5[%dma_start3A_119, %dma_start3A_120] : memref<100000x64xf32, #tpu.memory_space<hbm>> -> memref<100000x64xf32, #tpu.memory_space<hbm>>
    tpu.enqueue_indirect_dma source(%dma_start3A_121 : memref<100000x64xf32, #tpu.memory_space<hbm>>) target(%dma_start3A_115 : memref<128x64xf32, #tpu.memory_space<vmem>>) offsets(%dma_start3A_118 : memref<128xi32, #tpu.memory_space<vmem>>) semaphore(%arg15 : memref<!tpu.dma_semaphore, #tpu.memory_space<semaphore_mem>>)
    %dma_wait3A = arith.constant 0 : i32
    %dma_wait3A_122 = arith.constant 0 : i32
    %dma_wait3A_123 = arith.constant 0 : i32
    %dma_wait3A_124 = tpu.memref_slice %arg11[%dma_wait3A_122, %dma_wait3A_123] : memref<512x64xf32, #tpu.memory_space<vmem>> -> memref<128x64xf32, #tpu.memory_space<vmem>>
    %dma_wait3A_125 = arith.constant 0 : i32
    %dma_wait3A_126 = tpu.memref_slice %arg8[%dma_wait3A, %dma_wait3A_125] : memref<4x128xi32, #tpu.memory_space<vmem>> -> memref<1x128xi32, #tpu.memory_space<vmem>>
    %dma_wait3A_127 = tpu.memref_squeeze %dma_wait3A_126 : memref<1x128xi32, #tpu.memory_space<vmem>> -> memref<128xi32, #tpu.memory_space<vmem>>
    %dma_wait3A_128 = arith.constant 0 : i32
    %dma_wait3A_129 = arith.constant 0 : i32
    %dma_wait3A_130 = tpu.memref_slice %arg5[%dma_wait3A_128, %dma_wait3A_129] : memref<100000x64xf32, #tpu.memory_space<hbm>> -> memref<100000x64xf32, #tpu.memory_space<hbm>>
    tpu.wait_indirect_dma semaphore(%arg15 : memref<!tpu.dma_semaphore, #tpu.memory_space<semaphore_mem>>) src(%dma_wait3A_130 : memref<100000x64xf32, #tpu.memory_space<hbm>>) dst(%dma_wait3A_124 : memref<128x64xf32, #tpu.memory_space<vmem>>)
    %dma_wait3A_131 = arith.constant 0 : i32
    %dma_wait3A_132 = arith.constant 0 : i32
    %dma_wait3A_133 = arith.constant 0 : i32
    %dma_wait3A_134 = tpu.memref_slice %arg12[%dma_wait3A_132, %dma_wait3A_133] : memref<512x64xf32, #tpu.memory_space<vmem>> -> memref<128x64xf32, #tpu.memory_space<vmem>>
    %dma_wait3A_135 = arith.constant 0 : i32
    %dma_wait3A_136 = tpu.memref_slice %arg9[%dma_wait3A_131, %dma_wait3A_135] : memref<4x128xi32, #tpu.memory_space<vmem>> -> memref<1x128xi32, #tpu.memory_space<vmem>>
    %dma_wait3A_137 = tpu.memref_squeeze %dma_wait3A_136 : memref<1x128xi32, #tpu.memory_space<vmem>> -> memref<128xi32, #tpu.memory_space<vmem>>
    %dma_wait3A_138 = arith.constant 0 : i32
    %dma_wait3A_139 = arith.constant 0 : i32
    %dma_wait3A_140 = tpu.memref_slice %arg6[%dma_wait3A_138, %dma_wait3A_139] : memref<100000x64xf32, #tpu.memory_space<hbm>> -> memref<100000x64xf32, #tpu.memory_space<hbm>>
    tpu.wait_indirect_dma semaphore(%arg15 : memref<!tpu.dma_semaphore, #tpu.memory_space<semaphore_mem>>) src(%dma_wait3A_140 : memref<100000x64xf32, #tpu.memory_space<hbm>>) dst(%dma_wait3A_134 : memref<128x64xf32, #tpu.memory_space<vmem>>)
    %dma_wait3A_141 = arith.constant 0 : i32
    %dma_wait3A_142 = arith.constant 0 : i32
    %dma_wait3A_143 = arith.constant 0 : i32
    %dma_wait3A_144 = tpu.memref_slice %arg13[%dma_wait3A_142, %dma_wait3A_143] : memref<512x64xf32, #tpu.memory_space<vmem>> -> memref<128x64xf32, #tpu.memory_space<vmem>>
    %dma_wait3A_145 = arith.constant 0 : i32
    %dma_wait3A_146 = tpu.memref_slice %arg10[%dma_wait3A_141, %dma_wait3A_145] : memref<4x128xi32, #tpu.memory_space<vmem>> -> memref<1x128xi32, #tpu.memory_space<vmem>>
    %dma_wait3A_147 = tpu.memref_squeeze %dma_wait3A_146 : memref<1x128xi32, #tpu.memory_space<vmem>> -> memref<128xi32, #tpu.memory_space<vmem>>
    %dma_wait3A_148 = arith.constant 0 : i32
    %dma_wait3A_149 = arith.constant 0 : i32
    %dma_wait3A_150 = tpu.memref_slice %arg5[%dma_wait3A_148, %dma_wait3A_149] : memref<100000x64xf32, #tpu.memory_space<hbm>> -> memref<100000x64xf32, #tpu.memory_space<hbm>>
    tpu.wait_indirect_dma semaphore(%arg15 : memref<!tpu.dma_semaphore, #tpu.memory_space<semaphore_mem>>) src(%dma_wait3A_150 : memref<100000x64xf32, #tpu.memory_space<hbm>>) dst(%dma_wait3A_144 : memref<128x64xf32, #tpu.memory_space<vmem>>)
    %dma_wait3A_151 = arith.constant 1 : i32
    %dma_wait3A_152 = arith.constant 128 : i32
    %dma_wait3A_153 = arith.constant 0 : i32
    %dma_wait3A_154 = tpu.memref_slice %arg11[%dma_wait3A_152, %dma_wait3A_153] : memref<512x64xf32, #tpu.memory_space<vmem>> -> memref<128x64xf32, #tpu.memory_space<vmem>>
    %dma_wait3A_155 = arith.constant 0 : i32
    %dma_wait3A_156 = tpu.memref_slice %arg8[%dma_wait3A_151, %dma_wait3A_155] : memref<4x128xi32, #tpu.memory_space<vmem>> -> memref<1x128xi32, #tpu.memory_space<vmem>>
    %dma_wait3A_157 = tpu.memref_squeeze %dma_wait3A_156 : memref<1x128xi32, #tpu.memory_space<vmem>> -> memref<128xi32, #tpu.memory_space<vmem>>
    %dma_wait3A_158 = arith.constant 0 : i32
    %dma_wait3A_159 = arith.constant 0 : i32
    %dma_wait3A_160 = tpu.memref_slice %arg5[%dma_wait3A_158, %dma_wait3A_159] : memref<100000x64xf32, #tpu.memory_space<hbm>> -> memref<100000x64xf32, #tpu.memory_space<hbm>>
    tpu.wait_indirect_dma semaphore(%arg15 : memref<!tpu.dma_semaphore, #tpu.memory_space<semaphore_mem>>) src(%dma_wait3A_160 : memref<100000x64xf32, #tpu.memory_space<hbm>>) dst(%dma_wait3A_154 : memref<128x64xf32, #tpu.memory_space<vmem>>)
    %dma_wait3A_161 = arith.constant 1 : i32
    %dma_wait3A_162 = arith.constant 128 : i32
    %dma_wait3A_163 = arith.constant 0 : i32
    %dma_wait3A_164 = tpu.memref_slice %arg12[%dma_wait3A_162, %dma_wait3A_163] : memref<512x64xf32, #tpu.memory_space<vmem>> -> memref<128x64xf32, #tpu.memory_space<vmem>>
    %dma_wait3A_165 = arith.constant 0 : i32
    %dma_wait3A_166 = tpu.memref_slice %arg9[%dma_wait3A_161, %dma_wait3A_165] : memref<4x128xi32, #tpu.memory_space<vmem>> -> memref<1x128xi32, #tpu.memory_space<vmem>>
    %dma_wait3A_167 = tpu.memref_squeeze %dma_wait3A_166 : memref<1x128xi32, #tpu.memory_space<vmem>> -> memref<128xi32, #tpu.memory_space<vmem>>
    %dma_wait3A_168 = arith.constant 0 : i32
    %dma_wait3A_169 = arith.constant 0 : i32
    %dma_wait3A_170 = tpu.memref_slice %arg6[%dma_wait3A_168, %dma_wait3A_169] : memref<100000x64xf32, #tpu.memory_space<hbm>> -> memref<100000x64xf32, #tpu.memory_space<hbm>>
    tpu.wait_indirect_dma semaphore(%arg15 : memref<!tpu.dma_semaphore, #tpu.memory_space<semaphore_mem>>) src(%dma_wait3A_170 : memref<100000x64xf32, #tpu.memory_space<hbm>>) dst(%dma_wait3A_164 : memref<128x64xf32, #tpu.memory_space<vmem>>)
    %dma_wait3A_171 = arith.constant 1 : i32
    %dma_wait3A_172 = arith.constant 128 : i32
    %dma_wait3A_173 = arith.constant 0 : i32
    %dma_wait3A_174 = tpu.memref_slice %arg13[%dma_wait3A_172, %dma_wait3A_173] : memref<512x64xf32, #tpu.memory_space<vmem>> -> memref<128x64xf32, #tpu.memory_space<vmem>>
    %dma_wait3A_175 = arith.constant 0 : i32
    %dma_wait3A_176 = tpu.memref_slice %arg10[%dma_wait3A_171, %dma_wait3A_175] : memref<4x128xi32, #tpu.memory_space<vmem>> -> memref<1x128xi32, #tpu.memory_space<vmem>>
    %dma_wait3A_177 = tpu.memref_squeeze %dma_wait3A_176 : memref<1x128xi32, #tpu.memory_space<vmem>> -> memref<128xi32, #tpu.memory_space<vmem>>
    %dma_wait3A_178 = arith.constant 0 : i32
    %dma_wait3A_179 = arith.constant 0 : i32
    %dma_wait3A_180 = tpu.memref_slice %arg5[%dma_wait3A_178, %dma_wait3A_179] : memref<100000x64xf32, #tpu.memory_space<hbm>> -> memref<100000x64xf32, #tpu.memory_space<hbm>>
    tpu.wait_indirect_dma semaphore(%arg15 : memref<!tpu.dma_semaphore, #tpu.memory_space<semaphore_mem>>) src(%dma_wait3A_180 : memref<100000x64xf32, #tpu.memory_space<hbm>>) dst(%dma_wait3A_174 : memref<128x64xf32, #tpu.memory_space<vmem>>)
    %dma_wait3A_181 = arith.constant 2 : i32
    %dma_wait3A_182 = arith.constant 256 : i32
    %dma_wait3A_183 = arith.constant 0 : i32
    %dma_wait3A_184 = tpu.memref_slice %arg11[%dma_wait3A_182, %dma_wait3A_183] : memref<512x64xf32, #tpu.memory_space<vmem>> -> memref<128x64xf32, #tpu.memory_space<vmem>>
    %dma_wait3A_185 = arith.constant 0 : i32
    %dma_wait3A_186 = tpu.memref_slice %arg8[%dma_wait3A_181, %dma_wait3A_185] : memref<4x128xi32, #tpu.memory_space<vmem>> -> memref<1x128xi32, #tpu.memory_space<vmem>>
    %dma_wait3A_187 = tpu.memref_squeeze %dma_wait3A_186 : memref<1x128xi32, #tpu.memory_space<vmem>> -> memref<128xi32, #tpu.memory_space<vmem>>
    %dma_wait3A_188 = arith.constant 0 : i32
    %dma_wait3A_189 = arith.constant 0 : i32
    %dma_wait3A_190 = tpu.memref_slice %arg5[%dma_wait3A_188, %dma_wait3A_189] : memref<100000x64xf32, #tpu.memory_space<hbm>> -> memref<100000x64xf32, #tpu.memory_space<hbm>>
    tpu.wait_indirect_dma semaphore(%arg15 : memref<!tpu.dma_semaphore, #tpu.memory_space<semaphore_mem>>) src(%dma_wait3A_190 : memref<100000x64xf32, #tpu.memory_space<hbm>>) dst(%dma_wait3A_184 : memref<128x64xf32, #tpu.memory_space<vmem>>)
    %dma_wait3A_191 = arith.constant 2 : i32
    %dma_wait3A_192 = arith.constant 256 : i32
    %dma_wait3A_193 = arith.constant 0 : i32
    %dma_wait3A_194 = tpu.memref_slice %arg12[%dma_wait3A_192, %dma_wait3A_193] : memref<512x64xf32, #tpu.memory_space<vmem>> -> memref<128x64xf32, #tpu.memory_space<vmem>>
    %dma_wait3A_195 = arith.constant 0 : i32
    %dma_wait3A_196 = tpu.memref_slice %arg9[%dma_wait3A_191, %dma_wait3A_195] : memref<4x128xi32, #tpu.memory_space<vmem>> -> memref<1x128xi32, #tpu.memory_space<vmem>>
    %dma_wait3A_197 = tpu.memref_squeeze %dma_wait3A_196 : memref<1x128xi32, #tpu.memory_space<vmem>> -> memref<128xi32, #tpu.memory_space<vmem>>
    %dma_wait3A_198 = arith.constant 0 : i32
    %dma_wait3A_199 = arith.constant 0 : i32
    %dma_wait3A_200 = tpu.memref_slice %arg6[%dma_wait3A_198, %dma_wait3A_199] : memref<100000x64xf32, #tpu.memory_space<hbm>> -> memref<100000x64xf32, #tpu.memory_space<hbm>>
    tpu.wait_indirect_dma semaphore(%arg15 : memref<!tpu.dma_semaphore, #tpu.memory_space<semaphore_mem>>) src(%dma_wait3A_200 : memref<100000x64xf32, #tpu.memory_space<hbm>>) dst(%dma_wait3A_194 : memref<128x64xf32, #tpu.memory_space<vmem>>)
    %dma_wait3A_201 = arith.constant 2 : i32
    %dma_wait3A_202 = arith.constant 256 : i32
    %dma_wait3A_203 = arith.constant 0 : i32
    %dma_wait3A_204 = tpu.memref_slice %arg13[%dma_wait3A_202, %dma_wait3A_203] : memref<512x64xf32, #tpu.memory_space<vmem>> -> memref<128x64xf32, #tpu.memory_space<vmem>>
    %dma_wait3A_205 = arith.constant 0 : i32
    %dma_wait3A_206 = tpu.memref_slice %arg10[%dma_wait3A_201, %dma_wait3A_205] : memref<4x128xi32, #tpu.memory_space<vmem>> -> memref<1x128xi32, #tpu.memory_space<vmem>>
    %dma_wait3A_207 = tpu.memref_squeeze %dma_wait3A_206 : memref<1x128xi32, #tpu.memory_space<vmem>> -> memref<128xi32, #tpu.memory_space<vmem>>
    %dma_wait3A_208 = arith.constant 0 : i32
    %dma_wait3A_209 = arith.constant 0 : i32
    %dma_wait3A_210 = tpu.memref_slice %arg5[%dma_wait3A_208, %dma_wait3A_209] : memref<100000x64xf32, #tpu.memory_space<hbm>> -> memref<100000x64xf32, #tpu.memory_space<hbm>>
    tpu.wait_indirect_dma semaphore(%arg15 : memref<!tpu.dma_semaphore, #tpu.memory_space<semaphore_mem>>) src(%dma_wait3A_210 : memref<100000x64xf32, #tpu.memory_space<hbm>>) dst(%dma_wait3A_204 : memref<128x64xf32, #tpu.memory_space<vmem>>)
    %dma_wait3A_211 = arith.constant 3 : i32
    %dma_wait3A_212 = arith.constant 384 : i32
    %dma_wait3A_213 = arith.constant 0 : i32
    %dma_wait3A_214 = tpu.memref_slice %arg11[%dma_wait3A_212, %dma_wait3A_213] : memref<512x64xf32, #tpu.memory_space<vmem>> -> memref<128x64xf32, #tpu.memory_space<vmem>>
    %dma_wait3A_215 = arith.constant 0 : i32
    %dma_wait3A_216 = tpu.memref_slice %arg8[%dma_wait3A_211, %dma_wait3A_215] : memref<4x128xi32, #tpu.memory_space<vmem>> -> memref<1x128xi32, #tpu.memory_space<vmem>>
    %dma_wait3A_217 = tpu.memref_squeeze %dma_wait3A_216 : memref<1x128xi32, #tpu.memory_space<vmem>> -> memref<128xi32, #tpu.memory_space<vmem>>
    %dma_wait3A_218 = arith.constant 0 : i32
    %dma_wait3A_219 = arith.constant 0 : i32
    %dma_wait3A_220 = tpu.memref_slice %arg5[%dma_wait3A_218, %dma_wait3A_219] : memref<100000x64xf32, #tpu.memory_space<hbm>> -> memref<100000x64xf32, #tpu.memory_space<hbm>>
    tpu.wait_indirect_dma semaphore(%arg15 : memref<!tpu.dma_semaphore, #tpu.memory_space<semaphore_mem>>) src(%dma_wait3A_220 : memref<100000x64xf32, #tpu.memory_space<hbm>>) dst(%dma_wait3A_214 : memref<128x64xf32, #tpu.memory_space<vmem>>)
    %dma_wait3A_221 = arith.constant 3 : i32
    %dma_wait3A_222 = arith.constant 384 : i32
    %dma_wait3A_223 = arith.constant 0 : i32
    %dma_wait3A_224 = tpu.memref_slice %arg12[%dma_wait3A_222, %dma_wait3A_223] : memref<512x64xf32, #tpu.memory_space<vmem>> -> memref<128x64xf32, #tpu.memory_space<vmem>>
    %dma_wait3A_225 = arith.constant 0 : i32
    %dma_wait3A_226 = tpu.memref_slice %arg9[%dma_wait3A_221, %dma_wait3A_225] : memref<4x128xi32, #tpu.memory_space<vmem>> -> memref<1x128xi32, #tpu.memory_space<vmem>>
    %dma_wait3A_227 = tpu.memref_squeeze %dma_wait3A_226 : memref<1x128xi32, #tpu.memory_space<vmem>> -> memref<128xi32, #tpu.memory_space<vmem>>
    %dma_wait3A_228 = arith.constant 0 : i32
    %dma_wait3A_229 = arith.constant 0 : i32
    %dma_wait3A_230 = tpu.memref_slice %arg6[%dma_wait3A_228, %dma_wait3A_229] : memref<100000x64xf32, #tpu.memory_space<hbm>> -> memref<100000x64xf32, #tpu.memory_space<hbm>>
    tpu.wait_indirect_dma semaphore(%arg15 : memref<!tpu.dma_semaphore, #tpu.memory_space<semaphore_mem>>) src(%dma_wait3A_230 : memref<100000x64xf32, #tpu.memory_space<hbm>>) dst(%dma_wait3A_224 : memref<128x64xf32, #tpu.memory_space<vmem>>)
    %dma_wait3A_231 = arith.constant 3 : i32
    %dma_wait3A_232 = arith.constant 384 : i32
    %dma_wait3A_233 = arith.constant 0 : i32
    %dma_wait3A_234 = tpu.memref_slice %arg13[%dma_wait3A_232, %dma_wait3A_233] : memref<512x64xf32, #tpu.memory_space<vmem>> -> memref<128x64xf32, #tpu.memory_space<vmem>>
    %dma_wait3A_235 = arith.constant 0 : i32
    %dma_wait3A_236 = tpu.memref_slice %arg10[%dma_wait3A_231, %dma_wait3A_235] : memref<4x128xi32, #tpu.memory_space<vmem>> -> memref<1x128xi32, #tpu.memory_space<vmem>>
    %dma_wait3A_237 = tpu.memref_squeeze %dma_wait3A_236 : memref<1x128xi32, #tpu.memory_space<vmem>> -> memref<128xi32, #tpu.memory_space<vmem>>
    %dma_wait3A_238 = arith.constant 0 : i32
    %dma_wait3A_239 = arith.constant 0 : i32
    %dma_wait3A_240 = tpu.memref_slice %arg5[%dma_wait3A_238, %dma_wait3A_239] : memref<100000x64xf32, #tpu.memory_space<hbm>> -> memref<100000x64xf32, #tpu.memory_space<hbm>>
    tpu.wait_indirect_dma semaphore(%arg15 : memref<!tpu.dma_semaphore, #tpu.memory_space<semaphore_mem>>) src(%dma_wait3A_240 : memref<100000x64xf32, #tpu.memory_space<hbm>>) dst(%dma_wait3A_234 : memref<128x64xf32, #tpu.memory_space<vmem>>)
    %iota3A = tpu.iota {dimensions = array<i32: 0>} : vector<16xi32>
    %scan3A = arith.constant 0 : i32
    %scan3A_241 = arith.constant 0 : i32
    %scan3A_242 = arith.constant 32 : i32
    %scan3A_243 = arith.addi %scan3A_241, %scan3A_242 : i32
    %scan3A_244 = arith.constant 1 : i32
    %scan3A_245 = scf.for %scan3A_247 = %scan3A_241 to %scan3A_243 step %scan3A_244 iter_args(%scan3A_248 = %scan3A) -> (i32)  : i32 {
      %broadcast_in_dim3A = arith.constant 0.000000e+00 : f32
      %broadcast_in_dim3A_249 = vector.broadcast %broadcast_in_dim3A : f32 to vector<16xf32>
      %mul3A_250 = arith.constant 16 : i32
      %mul3A_251 = arith.muli %scan3A_247, %mul3A_250 : i32
      %add3A_252 = arith.constant 0 : i32
      %add3A_253 = arith.addi %mul3A_251, %add3A_252 : i32
      %broadcast_in_dim3A_254 = arith.constant 0.000000e+00 : f32
      %broadcast_in_dim3A_255 = vector.broadcast %broadcast_in_dim3A_254 : f32 to vector<16xf32>
      %get3A = arith.index_cast %add3A_253 : i32 to index
      %get3A_256 = arith.constant 0 : index
      %get3A_257 = tpu.vector_load %arg11[%get3A, %get3A_256] {strides = array<i32>} : memref<512x64xf32, #tpu.memory_space<vmem>>, vector<16xf32>,
      %get3A_258 = arith.index_cast %add3A_253 : i32 to index
      %get3A_259 = arith.constant 0 : index
      %get3A_260 = tpu.vector_load %arg12[%get3A_258, %get3A_259] {strides = array<i32>} : memref<512x64xf32, #tpu.memory_space<vmem>>, vector<16xf32>,
      %add3A_261 = arith.addf %get3A_257, %get3A_260 : vector<16xf32>
      %get3A_262 = arith.index_cast %add3A_253 : i32 to index
      %get3A_263 = arith.constant 0 : index
      %get3A_264 = tpu.vector_load %arg13[%get3A_262, %get3A_263] {strides = array<i32>} : memref<512x64xf32, #tpu.memory_space<vmem>>, vector<16xf32>,
      %sub3A = arith.subf %add3A_261, %get3A_264 : vector<16xf32>
      %abs3A = math.absf %sub3A : vector<16xf32>
      %add3A_265 = arith.addf %broadcast_in_dim3A_255, %abs3A : vector<16xf32>
      %get3A_266 = arith.index_cast %add3A_253 : i32 to index
      %get3A_267 = arith.constant 16 : index
      %get3A_268 = tpu.vector_load %arg11[%get3A_266, %get3A_267] {strides = array<i32>} : memref<512x64xf32, #tpu.memory_space<vmem>>, vector<16xf32>,
      %get3A_269 = arith.index_cast %add3A_253 : i32 to index
      %get3A_270 = arith.constant 16 : index
      %get3A_271 = tpu.vector_load %arg12[%get3A_269, %get3A_270] {strides = array<i32>} : memref<512x64xf32, #tpu.memory_space<vmem>>, vector<16xf32>,
      %add3A_272 = arith.addf %get3A_268, %get3A_271 : vector<16xf32>
      %get3A_273 = arith.index_cast %add3A_253 : i32 to index
      %get3A_274 = arith.constant 16 : index
      %get3A_275 = tpu.vector_load %arg13[%get3A_273, %get3A_274] {strides = array<i32>} : memref<512x64xf32, #tpu.memory_space<vmem>>, vector<16xf32>,
      %sub3A_276 = arith.subf %add3A_272, %get3A_275 : vector<16xf32>
      %abs3A_277 = math.absf %sub3A_276 : vector<16xf32>
      %add3A_278 = arith.addf %add3A_265, %abs3A_277 : vector<16xf32>
      %get3A_279 = arith.index_cast %add3A_253 : i32 to index
      %get3A_280 = arith.constant 32 : index
      %get3A_281 = tpu.vector_load %arg11[%get3A_279, %get3A_280] {strides = array<i32>} : memref<512x64xf32, #tpu.memory_space<vmem>>, vector<16xf32>,
      %get3A_282 = arith.index_cast %add3A_253 : i32 to index
      %get3A_283 = arith.constant 32 : index
      %get3A_284 = tpu.vector_load %arg12[%get3A_282, %get3A_283] {strides = array<i32>} : memref<512x64xf32, #tpu.memory_space<vmem>>, vector<16xf32>,
      %add3A_285 = arith.addf %get3A_281, %get3A_284 : vector<16xf32>
      %get3A_286 = arith.index_cast %add3A_253 : i32 to index
      %get3A_287 = arith.constant 32 : index
      %get3A_288 = tpu.vector_load %arg13[%get3A_286, %get3A_287] {strides = array<i32>} : memref<512x64xf32, #tpu.memory_space<vmem>>, vector<16xf32>,
      %sub3A_289 = arith.subf %add3A_285, %get3A_288 : vector<16xf32>
      %abs3A_290 = math.absf %sub3A_289 : vector<16xf32>
      %add3A_291 = arith.addf %add3A_278, %abs3A_290 : vector<16xf32>
      %get3A_292 = arith.index_cast %add3A_253 : i32 to index
      %get3A_293 = arith.constant 48 : index
      %get3A_294 = tpu.vector_load %arg11[%get3A_292, %get3A_293] {strides = array<i32>} : memref<512x64xf32, #tpu.memory_space<vmem>>, vector<16xf32>,
      %get3A_295 = arith.index_cast %add3A_253 : i32 to index
      %get3A_296 = arith.constant 48 : index
      %get3A_297 = tpu.vector_load %arg12[%get3A_295, %get3A_296] {strides = array<i32>} : memref<512x64xf32, #tpu.memory_space<vmem>>, vector<16xf32>,
      %add3A_298 = arith.addf %get3A_294, %get3A_297 : vector<16xf32>
      %get3A_299 = arith.index_cast %add3A_253 : i32 to index
      %get3A_300 = arith.constant 48 : index
      %get3A_301 = tpu.vector_load %arg13[%get3A_299, %get3A_300] {strides = array<i32>} : memref<512x64xf32, #tpu.memory_space<vmem>>, vector<16xf32>,
      %sub3A_302 = arith.subf %add3A_298, %get3A_301 : vector<16xf32>
      %abs3A_303 = math.absf %sub3A_302 : vector<16xf32>
      %add3A_304 = arith.addf %add3A_291, %abs3A_303 : vector<16xf32>
      %reduce_sum3A = arith.constant true
      %reduce_sum3A_305 = vector.broadcast %reduce_sum3A : i1 to vector<16xi1>
      %reduce_sum3A_306 = tpu.scan <sum>, %add3A_304 masked %reduce_sum3A_305 : vector<16xf32>, vector<16xi1> -> vector<16xf32>
      %reduce_sum3A_307 = vector.extract %reduce_sum3A_306[15] : f32 from vector<16xf32>
      %eq3A = arith.constant 0 : i32
      %eq3A_308 = vector.broadcast %eq3A : i32 to vector<16xi32>
      %eq3A_309 = arith.cmpi eq, %iota3A, %eq3A_308 : vector<16xi32>
      %broadcast_in_dim3A_310 = vector.broadcast %reduce_sum3A_307 : f32 to vector<16xf32>
      %select_n3A = arith.select %eq3A_309, %broadcast_in_dim3A_310, %broadcast_in_dim3A_249 : vector<16xi1>, vector<16xf32>
      %mul3A_311 = arith.constant 16 : i32
      %mul3A_312 = arith.muli %scan3A_247, %mul3A_311 : i32
      %add3A_313 = arith.constant 1 : i32
      %add3A_314 = arith.addi %mul3A_312, %add3A_313 : i32
      %broadcast_in_dim3A_315 = arith.constant 0.000000e+00 : f32
      %broadcast_in_dim3A_316 = vector.broadcast %broadcast_in_dim3A_315 : f32 to vector<16xf32>
      %get3A_317 = arith.index_cast %add3A_314 : i32 to index
      %get3A_318 = arith.constant 0 : index
      %get3A_319 = tpu.vector_load %arg11[%get3A_317, %get3A_318] {strides = array<i32>} : memref<512x64xf32, #tpu.memory_space<vmem>>, vector<16xf32>,
      %get3A_320 = arith.index_cast %add3A_314 : i32 to index
      %get3A_321 = arith.constant 0 : index
      %get3A_322 = tpu.vector_load %arg12[%get3A_320, %get3A_321] {strides = array<i32>} : memref<512x64xf32, #tpu.memory_space<vmem>>, vector<16xf32>,
      %add3A_323 = arith.addf %get3A_319, %get3A_322 : vector<16xf32>
      %get3A_324 = arith.index_cast %add3A_314 : i32 to index
      %get3A_325 = arith.constant 0 : index
      %get3A_326 = tpu.vector_load %arg13[%get3A_324, %get3A_325] {strides = array<i32>} : memref<512x64xf32, #tpu.memory_space<vmem>>, vector<16xf32>,
      %sub3A_327 = arith.subf %add3A_323, %get3A_326 : vector<16xf32>
      %abs3A_328 = math.absf %sub3A_327 : vector<16xf32>
      %add3A_329 = arith.addf %broadcast_in_dim3A_316, %abs3A_328 : vector<16xf32>
      %get3A_330 = arith.index_cast %add3A_314 : i32 to index
      %get3A_331 = arith.constant 16 : index
      %get3A_332 = tpu.vector_load %arg11[%get3A_330, %get3A_331] {strides = array<i32>} : memref<512x64xf32, #tpu.memory_space<vmem>>, vector<16xf32>,
      %get3A_333 = arith.index_cast %add3A_314 : i32 to index
      %get3A_334 = arith.constant 16 : index
      %get3A_335 = tpu.vector_load %arg12[%get3A_333, %get3A_334] {strides = array<i32>} : memref<512x64xf32, #tpu.memory_space<vmem>>, vector<16xf32>,
      %add3A_336 = arith.addf %get3A_332, %get3A_335 : vector<16xf32>
      %get3A_337 = arith.index_cast %add3A_314 : i32 to index
      %get3A_338 = arith.constant 16 : index
      %get3A_339 = tpu.vector_load %arg13[%get3A_337, %get3A_338] {strides = array<i32>} : memref<512x64xf32, #tpu.memory_space<vmem>>, vector<16xf32>,
      %sub3A_340 = arith.subf %add3A_336, %get3A_339 : vector<16xf32>
      %abs3A_341 = math.absf %sub3A_340 : vector<16xf32>
      %add3A_342 = arith.addf %add3A_329, %abs3A_341 : vector<16xf32>
      %get3A_343 = arith.index_cast %add3A_314 : i32 to index
      %get3A_344 = arith.constant 32 : index
      %get3A_345 = tpu.vector_load %arg11[%get3A_343, %get3A_344] {strides = array<i32>} : memref<512x64xf32, #tpu.memory_space<vmem>>, vector<16xf32>,
      %get3A_346 = arith.index_cast %add3A_314 : i32 to index
      %get3A_347 = arith.constant 32 : index
      %get3A_348 = tpu.vector_load %arg12[%get3A_346, %get3A_347] {strides = array<i32>} : memref<512x64xf32, #tpu.memory_space<vmem>>, vector<16xf32>,
      %add3A_349 = arith.addf %get3A_345, %get3A_348 : vector<16xf32>
      %get3A_350 = arith.index_cast %add3A_314 : i32 to index
      %get3A_351 = arith.constant 32 : index
      %get3A_352 = tpu.vector_load %arg13[%get3A_350, %get3A_351] {strides = array<i32>} : memref<512x64xf32, #tpu.memory_space<vmem>>, vector<16xf32>,
      %sub3A_353 = arith.subf %add3A_349, %get3A_352 : vector<16xf32>
      %abs3A_354 = math.absf %sub3A_353 : vector<16xf32>
      %add3A_355 = arith.addf %add3A_342, %abs3A_354 : vector<16xf32>
      %get3A_356 = arith.index_cast %add3A_314 : i32 to index
      %get3A_357 = arith.constant 48 : index
      %get3A_358 = tpu.vector_load %arg11[%get3A_356, %get3A_357] {strides = array<i32>} : memref<512x64xf32, #tpu.memory_space<vmem>>, vector<16xf32>,
      %get3A_359 = arith.index_cast %add3A_314 : i32 to index
      %get3A_360 = arith.constant 48 : index
      %get3A_361 = tpu.vector_load %arg12[%get3A_359, %get3A_360] {strides = array<i32>} : memref<512x64xf32, #tpu.memory_space<vmem>>, vector<16xf32>,
      %add3A_362 = arith.addf %get3A_358, %get3A_361 : vector<16xf32>
      %get3A_363 = arith.index_cast %add3A_314 : i32 to index
      %get3A_364 = arith.constant 48 : index
      %get3A_365 = tpu.vector_load %arg13[%get3A_363, %get3A_364] {strides = array<i32>} : memref<512x64xf32, #tpu.memory_space<vmem>>, vector<16xf32>,
      %sub3A_366 = arith.subf %add3A_362, %get3A_365 : vector<16xf32>
      %abs3A_367 = math.absf %sub3A_366 : vector<16xf32>
      %add3A_368 = arith.addf %add3A_355, %abs3A_367 : vector<16xf32>
      %reduce_sum3A_369 = arith.constant true
      %reduce_sum3A_370 = vector.broadcast %reduce_sum3A_369 : i1 to vector<16xi1>
      %reduce_sum3A_371 = tpu.scan <sum>, %add3A_368 masked %reduce_sum3A_370 : vector<16xf32>, vector<16xi1> -> vector<16xf32>
      %reduce_sum3A_372 = vector.extract %reduce_sum3A_371[15] : f32 from vector<16xf32>
      %eq3A_373 = arith.constant 1 : i32
      %eq3A_374 = vector.broadcast %eq3A_373 : i32 to vector<16xi32>
      %eq3A_375 = arith.cmpi eq, %iota3A, %eq3A_374 : vector<16xi32>
      %broadcast_in_dim3A_376 = vector.broadcast %reduce_sum3A_372 : f32 to vector<16xf32>
      %select_n3A_377 = arith.select %eq3A_375, %broadcast_in_dim3A_376, %select_n3A : vector<16xi1>, vector<16xf32>
      %mul3A_378 = arith.constant 16 : i32
      %mul3A_379 = arith.muli %scan3A_247, %mul3A_378 : i32
      %add3A_380 = arith.constant 2 : i32
      %add3A_381 = arith.addi %mul3A_379, %add3A_380 : i32
      %broadcast_in_dim3A_382 = arith.constant 0.000000e+00 : f32
      %broadcast_in_dim3A_383 = vector.broadcast %broadcast_in_dim3A_382 : f32 to vector<16xf32>
      %get3A_384 = arith.index_cast %add3A_381 : i32 to index
      %get3A_385 = arith.constant 0 : index
      %get3A_386 = tpu.vector_load %arg11[%get3A_384, %get3A_385] {strides = array<i32>} : memref<512x64xf32, #tpu.memory_space<vmem>>, vector<16xf32>,
      %get3A_387 = arith.index_cast %add3A_381 : i32 to index
      %get3A_388 = arith.constant 0 : index
      %get3A_389 = tpu.vector_load %arg12[%get3A_387, %get3A_388] {strides = array<i32>} : memref<512x64xf32, #tpu.memory_space<vmem>>, vector<16xf32>,
      %add3A_390 = arith.addf %get3A_386, %get3A_389 : vector<16xf32>
      %get3A_391 = arith.index_cast %add3A_381 : i32 to index
      %get3A_392 = arith.constant 0 : index
      %get3A_393 = tpu.vector_load %arg13[%get3A_391, %get3A_392] {strides = array<i32>} : memref<512x64xf32, #tpu.memory_space<vmem>>, vector<16xf32>,
      %sub3A_394 = arith.subf %add3A_390, %get3A_393 : vector<16xf32>
      %abs3A_395 = math.absf %sub3A_394 : vector<16xf32>
      %add3A_396 = arith.addf %broadcast_in_dim3A_383, %abs3A_395 : vector<16xf32>
      %get3A_397 = arith.index_cast %add3A_381 : i32 to index
      %get3A_398 = arith.constant 16 : index
      %get3A_399 = tpu.vector_load %arg11[%get3A_397, %get3A_398] {strides = array<i32>} : memref<512x64xf32, #tpu.memory_space<vmem>>, vector<16xf32>,
      %get3A_400 = arith.index_cast %add3A_381 : i32 to index
      %get3A_401 = arith.constant 16 : index
      %get3A_402 = tpu.vector_load %arg12[%get3A_400, %get3A_401] {strides = array<i32>} : memref<512x64xf32, #tpu.memory_space<vmem>>, vector<16xf32>,
      %add3A_403 = arith.addf %get3A_399, %get3A_402 : vector<16xf32>
      %get3A_404 = arith.index_cast %add3A_381 : i32 to index
      %get3A_405 = arith.constant 16 : index
      %get3A_406 = tpu.vector_load %arg13[%get3A_404, %get3A_405] {strides = array<i32>} : memref<512x64xf32, #tpu.memory_space<vmem>>, vector<16xf32>,
      %sub3A_407 = arith.subf %add3A_403, %get3A_406 : vector<16xf32>
      %abs3A_408 = math.absf %sub3A_407 : vector<16xf32>
      %add3A_409 = arith.addf %add3A_396, %abs3A_408 : vector<16xf32>
      %get3A_410 = arith.index_cast %add3A_381 : i32 to index
      %get3A_411 = arith.constant 32 : index
      %get3A_412 = tpu.vector_load %arg11[%get3A_410, %get3A_411] {strides = array<i32>} : memref<512x64xf32, #tpu.memory_space<vmem>>, vector<16xf32>,
      %get3A_413 = arith.index_cast %add3A_381 : i32 to index
      %get3A_414 = arith.constant 32 : index
      %get3A_415 = tpu.vector_load %arg12[%get3A_413, %get3A_414] {strides = array<i32>} : memref<512x64xf32, #tpu.memory_space<vmem>>, vector<16xf32>,
      %add3A_416 = arith.addf %get3A_412, %get3A_415 : vector<16xf32>
      %get3A_417 = arith.index_cast %add3A_381 : i32 to index
      %get3A_418 = arith.constant 32 : index
      %get3A_419 = tpu.vector_load %arg13[%get3A_417, %get3A_418] {strides = array<i32>} : memref<512x64xf32, #tpu.memory_space<vmem>>, vector<16xf32>,
      %sub3A_420 = arith.subf %add3A_416, %get3A_419 : vector<16xf32>
      %abs3A_421 = math.absf %sub3A_420 : vector<16xf32>
      %add3A_422 = arith.addf %add3A_409, %abs3A_421 : vector<16xf32>
      %get3A_423 = arith.index_cast %add3A_381 : i32 to index
      %get3A_424 = arith.constant 48 : index
      %get3A_425 = tpu.vector_load %arg11[%get3A_423, %get3A_424] {strides = array<i32>} : memref<512x64xf32, #tpu.memory_space<vmem>>, vector<16xf32>,
      %get3A_426 = arith.index_cast %add3A_381 : i32 to index
      %get3A_427 = arith.constant 48 : index
      %get3A_428 = tpu.vector_load %arg12[%get3A_426, %get3A_427] {strides = array<i32>} : memref<512x64xf32, #tpu.memory_space<vmem>>, vector<16xf32>,
      %add3A_429 = arith.addf %get3A_425, %get3A_428 : vector<16xf32>
      %get3A_430 = arith.index_cast %add3A_381 : i32 to index
      %get3A_431 = arith.constant 48 : index
      %get3A_432 = tpu.vector_load %arg13[%get3A_430, %get3A_431] {strides = array<i32>} : memref<512x64xf32, #tpu.memory_space<vmem>>, vector<16xf32>,
      %sub3A_433 = arith.subf %add3A_429, %get3A_432 : vector<16xf32>
      %abs3A_434 = math.absf %sub3A_433 : vector<16xf32>
      %add3A_435 = arith.addf %add3A_422, %abs3A_434 : vector<16xf32>
      %reduce_sum3A_436 = arith.constant true
      %reduce_sum3A_437 = vector.broadcast %reduce_sum3A_436 : i1 to vector<16xi1>
      %reduce_sum3A_438 = tpu.scan <sum>, %add3A_435 masked %reduce_sum3A_437 : vector<16xf32>, vector<16xi1> -> vector<16xf32>
      %reduce_sum3A_439 = vector.extract %reduce_sum3A_438[15] : f32 from vector<16xf32>
      %eq3A_440 = arith.constant 2 : i32
      %eq3A_441 = vector.broadcast %eq3A_440 : i32 to vector<16xi32>
      %eq3A_442 = arith.cmpi eq, %iota3A, %eq3A_441 : vector<16xi32>
      %broadcast_in_dim3A_443 = vector.broadcast %reduce_sum3A_439 : f32 to vector<16xf32>
      %select_n3A_444 = arith.select %eq3A_442, %broadcast_in_dim3A_443, %select_n3A_377 : vector<16xi1>, vector<16xf32>
      %mul3A_445 = arith.constant 16 : i32
      %mul3A_446 = arith.muli %scan3A_247, %mul3A_445 : i32
      %add3A_447 = arith.constant 3 : i32
      %add3A_448 = arith.addi %mul3A_446, %add3A_447 : i32
      %broadcast_in_dim3A_449 = arith.constant 0.000000e+00 : f32
      %broadcast_in_dim3A_450 = vector.broadcast %broadcast_in_dim3A_449 : f32 to vector<16xf32>
      %get3A_451 = arith.index_cast %add3A_448 : i32 to index
      %get3A_452 = arith.constant 0 : index
      %get3A_453 = tpu.vector_load %arg11[%get3A_451, %get3A_452] {strides = array<i32>} : memref<512x64xf32, #tpu.memory_space<vmem>>, vector<16xf32>,
      %get3A_454 = arith.index_cast %add3A_448 : i32 to index
      %get3A_455 = arith.constant 0 : index
      %get3A_456 = tpu.vector_load %arg12[%get3A_454, %get3A_455] {strides = array<i32>} : memref<512x64xf32, #tpu.memory_space<vmem>>, vector<16xf32>,
      %add3A_457 = arith.addf %get3A_453, %get3A_456 : vector<16xf32>
      %get3A_458 = arith.index_cast %add3A_448 : i32 to index
      %get3A_459 = arith.constant 0 : index
      %get3A_460 = tpu.vector_load %arg13[%get3A_458, %get3A_459] {strides = array<i32>} : memref<512x64xf32, #tpu.memory_space<vmem>>, vector<16xf32>,
      %sub3A_461 = arith.subf %add3A_457, %get3A_460 : vector<16xf32>
      %abs3A_462 = math.absf %sub3A_461 : vector<16xf32>
      %add3A_463 = arith.addf %broadcast_in_dim3A_450, %abs3A_462 : vector<16xf32>
      %get3A_464 = arith.index_cast %add3A_448 : i32 to index
      %get3A_465 = arith.constant 16 : index
      %get3A_466 = tpu.vector_load %arg11[%get3A_464, %get3A_465] {strides = array<i32>} : memref<512x64xf32, #tpu.memory_space<vmem>>, vector<16xf32>,
      %get3A_467 = arith.index_cast %add3A_448 : i32 to index
      %get3A_468 = arith.constant 16 : index
      %get3A_469 = tpu.vector_load %arg12[%get3A_467, %get3A_468] {strides = array<i32>} : memref<512x64xf32, #tpu.memory_space<vmem>>, vector<16xf32>,
      %add3A_470 = arith.addf %get3A_466, %get3A_469 : vector<16xf32>
      %get3A_471 = arith.index_cast %add3A_448 : i32 to index
      %get3A_472 = arith.constant 16 : index
      %get3A_473 = tpu.vector_load %arg13[%get3A_471, %get3A_472] {strides = array<i32>} : memref<512x64xf32, #tpu.memory_space<vmem>>, vector<16xf32>,
      %sub3A_474 = arith.subf %add3A_470, %get3A_473 : vector<16xf32>
      %abs3A_475 = math.absf %sub3A_474 : vector<16xf32>
      %add3A_476 = arith.addf %add3A_463, %abs3A_475 : vector<16xf32>
      %get3A_477 = arith.index_cast %add3A_448 : i32 to index
      %get3A_478 = arith.constant 32 : index
      %get3A_479 = tpu.vector_load %arg11[%get3A_477, %get3A_478] {strides = array<i32>} : memref<512x64xf32, #tpu.memory_space<vmem>>, vector<16xf32>,
      %get3A_480 = arith.index_cast %add3A_448 : i32 to index
      %get3A_481 = arith.constant 32 : index
      %get3A_482 = tpu.vector_load %arg12[%get3A_480, %get3A_481] {strides = array<i32>} : memref<512x64xf32, #tpu.memory_space<vmem>>, vector<16xf32>,
      %add3A_483 = arith.addf %get3A_479, %get3A_482 : vector<16xf32>
      %get3A_484 = arith.index_cast %add3A_448 : i32 to index
      %get3A_485 = arith.constant 32 : index
      %get3A_486 = tpu.vector_load %arg13[%get3A_484, %get3A_485] {strides = array<i32>} : memref<512x64xf32, #tpu.memory_space<vmem>>, vector<16xf32>,
      %sub3A_487 = arith.subf %add3A_483, %get3A_486 : vector<16xf32>
      %abs3A_488 = math.absf %sub3A_487 : vector<16xf32>
      %add3A_489 = arith.addf %add3A_476, %abs3A_488 : vector<16xf32>
      %get3A_490 = arith.index_cast %add3A_448 : i32 to index
      %get3A_491 = arith.constant 48 : index
      %get3A_492 = tpu.vector_load %arg11[%get3A_490, %get3A_491] {strides = array<i32>} : memref<512x64xf32, #tpu.memory_space<vmem>>, vector<16xf32>,
      %get3A_493 = arith.index_cast %add3A_448 : i32 to index
      %get3A_494 = arith.constant 48 : index
      %get3A_495 = tpu.vector_load %arg12[%get3A_493, %get3A_494] {strides = array<i32>} : memref<512x64xf32, #tpu.memory_space<vmem>>, vector<16xf32>,
      %add3A_496 = arith.addf %get3A_492, %get3A_495 : vector<16xf32>
      %get3A_497 = arith.index_cast %add3A_448 : i32 to index
      %get3A_498 = arith.constant 48 : index
      %get3A_499 = tpu.vector_load %arg13[%get3A_497, %get3A_498] {strides = array<i32>} : memref<512x64xf32, #tpu.memory_space<vmem>>, vector<16xf32>,
      %sub3A_500 = arith.subf %add3A_496, %get3A_499 : vector<16xf32>
      %abs3A_501 = math.absf %sub3A_500 : vector<16xf32>
      %add3A_502 = arith.addf %add3A_489, %abs3A_501 : vector<16xf32>
      %reduce_sum3A_503 = arith.constant true
      %reduce_sum3A_504 = vector.broadcast %reduce_sum3A_503 : i1 to vector<16xi1>
      %reduce_sum3A_505 = tpu.scan <sum>, %add3A_502 masked %reduce_sum3A_504 : vector<16xf32>, vector<16xi1> -> vector<16xf32>
      %reduce_sum3A_506 = vector.extract %reduce_sum3A_505[15] : f32 from vector<16xf32>
      %eq3A_507 = arith.constant 3 : i32
      %eq3A_508 = vector.broadcast %eq3A_507 : i32 to vector<16xi32>
      %eq3A_509 = arith.cmpi eq, %iota3A, %eq3A_508 : vector<16xi32>
      %broadcast_in_dim3A_510 = vector.broadcast %reduce_sum3A_506 : f32 to vector<16xf32>
      %select_n3A_511 = arith.select %eq3A_509, %broadcast_in_dim3A_510, %select_n3A_444 : vector<16xi1>, vector<16xf32>
      %mul3A_512 = arith.constant 16 : i32
      %mul3A_513 = arith.muli %scan3A_247, %mul3A_512 : i32
      %add3A_514 = arith.constant 4 : i32
      %add3A_515 = arith.addi %mul3A_513, %add3A_514 : i32
      %broadcast_in_dim3A_516 = arith.constant 0.000000e+00 : f32
      %broadcast_in_dim3A_517 = vector.broadcast %broadcast_in_dim3A_516 : f32 to vector<16xf32>
      %get3A_518 = arith.index_cast %add3A_515 : i32 to index
      %get3A_519 = arith.constant 0 : index
      %get3A_520 = tpu.vector_load %arg11[%get3A_518, %get3A_519] {strides = array<i32>} : memref<512x64xf32, #tpu.memory_space<vmem>>, vector<16xf32>,
      %get3A_521 = arith.index_cast %add3A_515 : i32 to index
      %get3A_522 = arith.constant 0 : index
      %get3A_523 = tpu.vector_load %arg12[%get3A_521, %get3A_522] {strides = array<i32>} : memref<512x64xf32, #tpu.memory_space<vmem>>, vector<16xf32>,
      %add3A_524 = arith.addf %get3A_520, %get3A_523 : vector<16xf32>
      %get3A_525 = arith.index_cast %add3A_515 : i32 to index
      %get3A_526 = arith.constant 0 : index
      %get3A_527 = tpu.vector_load %arg13[%get3A_525, %get3A_526] {strides = array<i32>} : memref<512x64xf32, #tpu.memory_space<vmem>>, vector<16xf32>,
      %sub3A_528 = arith.subf %add3A_524, %get3A_527 : vector<16xf32>
      %abs3A_529 = math.absf %sub3A_528 : vector<16xf32>
      %add3A_530 = arith.addf %broadcast_in_dim3A_517, %abs3A_529 : vector<16xf32>
      %get3A_531 = arith.index_cast %add3A_515 : i32 to index
      %get3A_532 = arith.constant 16 : index
      %get3A_533 = tpu.vector_load %arg11[%get3A_531, %get3A_532] {strides = array<i32>} : memref<512x64xf32, #tpu.memory_space<vmem>>, vector<16xf32>,
      %get3A_534 = arith.index_cast %add3A_515 : i32 to index
      %get3A_535 = arith.constant 16 : index
      %get3A_536 = tpu.vector_load %arg12[%get3A_534, %get3A_535] {strides = array<i32>} : memref<512x64xf32, #tpu.memory_space<vmem>>, vector<16xf32>,
      %add3A_537 = arith.addf %get3A_533, %get3A_536 : vector<16xf32>
      %get3A_538 = arith.index_cast %add3A_515 : i32 to index
      %get3A_539 = arith.constant 16 : index
      %get3A_540 = tpu.vector_load %arg13[%get3A_538, %get3A_539] {strides = array<i32>} : memref<512x64xf32, #tpu.memory_space<vmem>>, vector<16xf32>,
      %sub3A_541 = arith.subf %add3A_537, %get3A_540 : vector<16xf32>
      %abs3A_542 = math.absf %sub3A_541 : vector<16xf32>
      %add3A_543 = arith.addf %add3A_530, %abs3A_542 : vector<16xf32>
      %get3A_544 = arith.index_cast %add3A_515 : i32 to index
      %get3A_545 = arith.constant 32 : index
      %get3A_546 = tpu.vector_load %arg11[%get3A_544, %get3A_545] {strides = array<i32>} : memref<512x64xf32, #tpu.memory_space<vmem>>, vector<16xf32>,
      %get3A_547 = arith.index_cast %add3A_515 : i32 to index
      %get3A_548 = arith.constant 32 : index
      %get3A_549 = tpu.vector_load %arg12[%get3A_547, %get3A_548] {strides = array<i32>} : memref<512x64xf32, #tpu.memory_space<vmem>>, vector<16xf32>,
      %add3A_550 = arith.addf %get3A_546, %get3A_549 : vector<16xf32>
      %get3A_551 = arith.index_cast %add3A_515 : i32 to index
      %get3A_552 = arith.constant 32 : index
      %get3A_553 = tpu.vector_load %arg13[%get3A_551, %get3A_552] {strides = array<i32>} : memref<512x64xf32, #tpu.memory_space<vmem>>, vector<16xf32>,
      %sub3A_554 = arith.subf %add3A_550, %get3A_553 : vector<16xf32>
      %abs3A_555 = math.absf %sub3A_554 : vector<16xf32>
      %add3A_556 = arith.addf %add3A_543, %abs3A_555 : vector<16xf32>
      %get3A_557 = arith.index_cast %add3A_515 : i32 to index
      %get3A_558 = arith.constant 48 : index
      %get3A_559 = tpu.vector_load %arg11[%get3A_557, %get3A_558] {strides = array<i32>} : memref<512x64xf32, #tpu.memory_space<vmem>>, vector<16xf32>,
      %get3A_560 = arith.index_cast %add3A_515 : i32 to index
      %get3A_561 = arith.constant 48 : index
      %get3A_562 = tpu.vector_load %arg12[%get3A_560, %get3A_561] {strides = array<i32>} : memref<512x64xf32, #tpu.memory_space<vmem>>, vector<16xf32>,
      %add3A_563 = arith.addf %get3A_559, %get3A_562 : vector<16xf32>
      %get3A_564 = arith.index_cast %add3A_515 : i32 to index
      %get3A_565 = arith.constant 48 : index
      %get3A_566 = tpu.vector_load %arg13[%get3A_564, %get3A_565] {strides = array<i32>} : memref<512x64xf32, #tpu.memory_space<vmem>>, vector<16xf32>,
      %sub3A_567 = arith.subf %add3A_563, %get3A_566 : vector<16xf32>
      %abs3A_568 = math.absf %sub3A_567 : vector<16xf32>
      %add3A_569 = arith.addf %add3A_556, %abs3A_568 : vector<16xf32>
      %reduce_sum3A_570 = arith.constant true
      %reduce_sum3A_571 = vector.broadcast %reduce_sum3A_570 : i1 to vector<16xi1>
      %reduce_sum3A_572 = tpu.scan <sum>, %add3A_569 masked %reduce_sum3A_571 : vector<16xf32>, vector<16xi1> -> vector<16xf32>
      %reduce_sum3A_573 = vector.extract %reduce_sum3A_572[15] : f32 from vector<16xf32>
      %eq3A_574 = arith.constant 4 : i32
      %eq3A_575 = vector.broadcast %eq3A_574 : i32 to vector<16xi32>
      %eq3A_576 = arith.cmpi eq, %iota3A, %eq3A_575 : vector<16xi32>
      %broadcast_in_dim3A_577 = vector.broadcast %reduce_sum3A_573 : f32 to vector<16xf32>
      %select_n3A_578 = arith.select %eq3A_576, %broadcast_in_dim3A_577, %select_n3A_511 : vector<16xi1>, vector<16xf32>
      %mul3A_579 = arith.constant 16 : i32
      %mul3A_580 = arith.muli %scan3A_247, %mul3A_579 : i32
      %add3A_581 = arith.constant 5 : i32
      %add3A_582 = arith.addi %mul3A_580, %add3A_581 : i32
      %broadcast_in_dim3A_583 = arith.constant 0.000000e+00 : f32
      %broadcast_in_dim3A_584 = vector.broadcast %broadcast_in_dim3A_583 : f32 to vector<16xf32>
      %get3A_585 = arith.index_cast %add3A_582 : i32 to index
      %get3A_586 = arith.constant 0 : index
      %get3A_587 = tpu.vector_load %arg11[%get3A_585, %get3A_586] {strides = array<i32>} : memref<512x64xf32, #tpu.memory_space<vmem>>, vector<16xf32>,
      %get3A_588 = arith.index_cast %add3A_582 : i32 to index
      %get3A_589 = arith.constant 0 : index
      %get3A_590 = tpu.vector_load %arg12[%get3A_588, %get3A_589] {strides = array<i32>} : memref<512x64xf32, #tpu.memory_space<vmem>>, vector<16xf32>,
      %add3A_591 = arith.addf %get3A_587, %get3A_590 : vector<16xf32>
      %get3A_592 = arith.index_cast %add3A_582 : i32 to index
      %get3A_593 = arith.constant 0 : index
      %get3A_594 = tpu.vector_load %arg13[%get3A_592, %get3A_593] {strides = array<i32>} : memref<512x64xf32, #tpu.memory_space<vmem>>, vector<16xf32>,
      %sub3A_595 = arith.subf %add3A_591, %get3A_594 : vector<16xf32>
      %abs3A_596 = math.absf %sub3A_595 : vector<16xf32>
      %add3A_597 = arith.addf %broadcast_in_dim3A_584, %abs3A_596 : vector<16xf32>
      %get3A_598 = arith.index_cast %add3A_582 : i32 to index
      %get3A_599 = arith.constant 16 : index
      %get3A_600 = tpu.vector_load %arg11[%get3A_598, %get3A_599] {strides = array<i32>} : memref<512x64xf32, #tpu.memory_space<vmem>>, vector<16xf32>,
      %get3A_601 = arith.index_cast %add3A_582 : i32 to index
      %get3A_602 = arith.constant 16 : index
      %get3A_603 = tpu.vector_load %arg12[%get3A_601, %get3A_602] {strides = array<i32>} : memref<512x64xf32, #tpu.memory_space<vmem>>, vector<16xf32>,
      %add3A_604 = arith.addf %get3A_600, %get3A_603 : vector<16xf32>
      %get3A_605 = arith.index_cast %add3A_582 : i32 to index
      %get3A_606 = arith.constant 16 : index
      %get3A_607 = tpu.vector_load %arg13[%get3A_605, %get3A_606] {strides = array<i32>} : memref<512x64xf32, #tpu.memory_space<vmem>>, vector<16xf32>,
      %sub3A_608 = arith.subf %add3A_604, %get3A_607 : vector<16xf32>
      %abs3A_609 = math.absf %sub3A_608 : vector<16xf32>
      %add3A_610 = arith.addf %add3A_597, %abs3A_609 : vector<16xf32>
      %get3A_611 = arith.index_cast %add3A_582 : i32 to index
      %get3A_612 = arith.constant 32 : index
      %get3A_613 = tpu.vector_load %arg11[%get3A_611, %get3A_612] {strides = array<i32>} : memref<512x64xf32, #tpu.memory_space<vmem>>, vector<16xf32>,
      %get3A_614 = arith.index_cast %add3A_582 : i32 to index
      %get3A_615 = arith.constant 32 : index
      %get3A_616 = tpu.vector_load %arg12[%get3A_614, %get3A_615] {strides = array<i32>} : memref<512x64xf32, #tpu.memory_space<vmem>>, vector<16xf32>,
      %add3A_617 = arith.addf %get3A_613, %get3A_616 : vector<16xf32>
      %get3A_618 = arith.index_cast %add3A_582 : i32 to index
      %get3A_619 = arith.constant 32 : index
      %get3A_620 = tpu.vector_load %arg13[%get3A_618, %get3A_619] {strides = array<i32>} : memref<512x64xf32, #tpu.memory_space<vmem>>, vector<16xf32>,
      %sub3A_621 = arith.subf %add3A_617, %get3A_620 : vector<16xf32>
      %abs3A_622 = math.absf %sub3A_621 : vector<16xf32>
      %add3A_623 = arith.addf %add3A_610, %abs3A_622 : vector<16xf32>
      %get3A_624 = arith.index_cast %add3A_582 : i32 to index
      %get3A_625 = arith.constant 48 : index
      %get3A_626 = tpu.vector_load %arg11[%get3A_624, %get3A_625] {strides = array<i32>} : memref<512x64xf32, #tpu.memory_space<vmem>>, vector<16xf32>,
      %get3A_627 = arith.index_cast %add3A_582 : i32 to index
      %get3A_628 = arith.constant 48 : index
      %get3A_629 = tpu.vector_load %arg12[%get3A_627, %get3A_628] {strides = array<i32>} : memref<512x64xf32, #tpu.memory_space<vmem>>, vector<16xf32>,
      %add3A_630 = arith.addf %get3A_626, %get3A_629 : vector<16xf32>
      %get3A_631 = arith.index_cast %add3A_582 : i32 to index
      %get3A_632 = arith.constant 48 : index
      %get3A_633 = tpu.vector_load %arg13[%get3A_631, %get3A_632] {strides = array<i32>} : memref<512x64xf32, #tpu.memory_space<vmem>>, vector<16xf32>,
      %sub3A_634 = arith.subf %add3A_630, %get3A_633 : vector<16xf32>
      %abs3A_635 = math.absf %sub3A_634 : vector<16xf32>
      %add3A_636 = arith.addf %add3A_623, %abs3A_635 : vector<16xf32>
      %reduce_sum3A_637 = arith.constant true
      %reduce_sum3A_638 = vector.broadcast %reduce_sum3A_637 : i1 to vector<16xi1>
      %reduce_sum3A_639 = tpu.scan <sum>, %add3A_636 masked %reduce_sum3A_638 : vector<16xf32>, vector<16xi1> -> vector<16xf32>
      %reduce_sum3A_640 = vector.extract %reduce_sum3A_639[15] : f32 from vector<16xf32>
      %eq3A_641 = arith.constant 5 : i32
      %eq3A_642 = vector.broadcast %eq3A_641 : i32 to vector<16xi32>
      %eq3A_643 = arith.cmpi eq, %iota3A, %eq3A_642 : vector<16xi32>
      %broadcast_in_dim3A_644 = vector.broadcast %reduce_sum3A_640 : f32 to vector<16xf32>
      %select_n3A_645 = arith.select %eq3A_643, %broadcast_in_dim3A_644, %select_n3A_578 : vector<16xi1>, vector<16xf32>
      %mul3A_646 = arith.constant 16 : i32
      %mul3A_647 = arith.muli %scan3A_247, %mul3A_646 : i32
      %add3A_648 = arith.constant 6 : i32
      %add3A_649 = arith.addi %mul3A_647, %add3A_648 : i32
      %broadcast_in_dim3A_650 = arith.constant 0.000000e+00 : f32
      %broadcast_in_dim3A_651 = vector.broadcast %broadcast_in_dim3A_650 : f32 to vector<16xf32>
      %get3A_652 = arith.index_cast %add3A_649 : i32 to index
      %get3A_653 = arith.constant 0 : index
      %get3A_654 = tpu.vector_load %arg11[%get3A_652, %get3A_653] {strides = array<i32>} : memref<512x64xf32, #tpu.memory_space<vmem>>, vector<16xf32>,
      %get3A_655 = arith.index_cast %add3A_649 : i32 to index
      %get3A_656 = arith.constant 0 : index
      %get3A_657 = tpu.vector_load %arg12[%get3A_655, %get3A_656] {strides = array<i32>} : memref<512x64xf32, #tpu.memory_space<vmem>>, vector<16xf32>,
      %add3A_658 = arith.addf %get3A_654, %get3A_657 : vector<16xf32>
      %get3A_659 = arith.index_cast %add3A_649 : i32 to index
      %get3A_660 = arith.constant 0 : index
      %get3A_661 = tpu.vector_load %arg13[%get3A_659, %get3A_660] {strides = array<i32>} : memref<512x64xf32, #tpu.memory_space<vmem>>, vector<16xf32>,
      %sub3A_662 = arith.subf %add3A_658, %get3A_661 : vector<16xf32>
      %abs3A_663 = math.absf %sub3A_662 : vector<16xf32>
      %add3A_664 = arith.addf %broadcast_in_dim3A_651, %abs3A_663 : vector<16xf32>
      %get3A_665 = arith.index_cast %add3A_649 : i32 to index
      %get3A_666 = arith.constant 16 : index
      %get3A_667 = tpu.vector_load %arg11[%get3A_665, %get3A_666] {strides = array<i32>} : memref<512x64xf32, #tpu.memory_space<vmem>>, vector<16xf32>,
      %get3A_668 = arith.index_cast %add3A_649 : i32 to index
      %get3A_669 = arith.constant 16 : index
      %get3A_670 = tpu.vector_load %arg12[%get3A_668, %get3A_669] {strides = array<i32>} : memref<512x64xf32, #tpu.memory_space<vmem>>, vector<16xf32>,
      %add3A_671 = arith.addf %get3A_667, %get3A_670 : vector<16xf32>
      %get3A_672 = arith.index_cast %add3A_649 : i32 to index
      %get3A_673 = arith.constant 16 : index
      %get3A_674 = tpu.vector_load %arg13[%get3A_672, %get3A_673] {strides = array<i32>} : memref<512x64xf32, #tpu.memory_space<vmem>>, vector<16xf32>,
      %sub3A_675 = arith.subf %add3A_671, %get3A_674 : vector<16xf32>
      %abs3A_676 = math.absf %sub3A_675 : vector<16xf32>
      %add3A_677 = arith.addf %add3A_664, %abs3A_676 : vector<16xf32>
      %get3A_678 = arith.index_cast %add3A_649 : i32 to index
      %get3A_679 = arith.constant 32 : index
      %get3A_680 = tpu.vector_load %arg11[%get3A_678, %get3A_679] {strides = array<i32>} : memref<512x64xf32, #tpu.memory_space<vmem>>, vector<16xf32>,
      %get3A_681 = arith.index_cast %add3A_649 : i32 to index
      %get3A_682 = arith.constant 32 : index
      %get3A_683 = tpu.vector_load %arg12[%get3A_681, %get3A_682] {strides = array<i32>} : memref<512x64xf32, #tpu.memory_space<vmem>>, vector<16xf32>,
      %add3A_684 = arith.addf %get3A_680, %get3A_683 : vector<16xf32>
      %get3A_685 = arith.index_cast %add3A_649 : i32 to index
      %get3A_686 = arith.constant 32 : index
      %get3A_687 = tpu.vector_load %arg13[%get3A_685, %get3A_686] {strides = array<i32>} : memref<512x64xf32, #tpu.memory_space<vmem>>, vector<16xf32>,
      %sub3A_688 = arith.subf %add3A_684, %get3A_687 : vector<16xf32>
      %abs3A_689 = math.absf %sub3A_688 : vector<16xf32>
      %add3A_690 = arith.addf %add3A_677, %abs3A_689 : vector<16xf32>
      %get3A_691 = arith.index_cast %add3A_649 : i32 to index
      %get3A_692 = arith.constant 48 : index
      %get3A_693 = tpu.vector_load %arg11[%get3A_691, %get3A_692] {strides = array<i32>} : memref<512x64xf32, #tpu.memory_space<vmem>>, vector<16xf32>,
      %get3A_694 = arith.index_cast %add3A_649 : i32 to index
      %get3A_695 = arith.constant 48 : index
      %get3A_696 = tpu.vector_load %arg12[%get3A_694, %get3A_695] {strides = array<i32>} : memref<512x64xf32, #tpu.memory_space<vmem>>, vector<16xf32>,
      %add3A_697 = arith.addf %get3A_693, %get3A_696 : vector<16xf32>
      %get3A_698 = arith.index_cast %add3A_649 : i32 to index
      %get3A_699 = arith.constant 48 : index
      %get3A_700 = tpu.vector_load %arg13[%get3A_698, %get3A_699] {strides = array<i32>} : memref<512x64xf32, #tpu.memory_space<vmem>>, vector<16xf32>,
      %sub3A_701 = arith.subf %add3A_697, %get3A_700 : vector<16xf32>
      %abs3A_702 = math.absf %sub3A_701 : vector<16xf32>
      %add3A_703 = arith.addf %add3A_690, %abs3A_702 : vector<16xf32>
      %reduce_sum3A_704 = arith.constant true
      %reduce_sum3A_705 = vector.broadcast %reduce_sum3A_704 : i1 to vector<16xi1>
      %reduce_sum3A_706 = tpu.scan <sum>, %add3A_703 masked %reduce_sum3A_705 : vector<16xf32>, vector<16xi1> -> vector<16xf32>
      %reduce_sum3A_707 = vector.extract %reduce_sum3A_706[15] : f32 from vector<16xf32>
      %eq3A_708 = arith.constant 6 : i32
      %eq3A_709 = vector.broadcast %eq3A_708 : i32 to vector<16xi32>
      %eq3A_710 = arith.cmpi eq, %iota3A, %eq3A_709 : vector<16xi32>
      %broadcast_in_dim3A_711 = vector.broadcast %reduce_sum3A_707 : f32 to vector<16xf32>
      %select_n3A_712 = arith.select %eq3A_710, %broadcast_in_dim3A_711, %select_n3A_645 : vector<16xi1>, vector<16xf32>
      %mul3A_713 = arith.constant 16 : i32
      %mul3A_714 = arith.muli %scan3A_247, %mul3A_713 : i32
      %add3A_715 = arith.constant 7 : i32
      %add3A_716 = arith.addi %mul3A_714, %add3A_715 : i32
      %broadcast_in_dim3A_717 = arith.constant 0.000000e+00 : f32
      %broadcast_in_dim3A_718 = vector.broadcast %broadcast_in_dim3A_717 : f32 to vector<16xf32>
      %get3A_719 = arith.index_cast %add3A_716 : i32 to index
      %get3A_720 = arith.constant 0 : index
      %get3A_721 = tpu.vector_load %arg11[%get3A_719, %get3A_720] {strides = array<i32>} : memref<512x64xf32, #tpu.memory_space<vmem>>, vector<16xf32>,
      %get3A_722 = arith.index_cast %add3A_716 : i32 to index
      %get3A_723 = arith.constant 0 : index
      %get3A_724 = tpu.vector_load %arg12[%get3A_722, %get3A_723] {strides = array<i32>} : memref<512x64xf32, #tpu.memory_space<vmem>>, vector<16xf32>,
      %add3A_725 = arith.addf %get3A_721, %get3A_724 : vector<16xf32>
      %get3A_726 = arith.index_cast %add3A_716 : i32 to index
      %get3A_727 = arith.constant 0 : index
      %get3A_728 = tpu.vector_load %arg13[%get3A_726, %get3A_727] {strides = array<i32>} : memref<512x64xf32, #tpu.memory_space<vmem>>, vector<16xf32>,
      %sub3A_729 = arith.subf %add3A_725, %get3A_728 : vector<16xf32>
      %abs3A_730 = math.absf %sub3A_729 : vector<16xf32>
      %add3A_731 = arith.addf %broadcast_in_dim3A_718, %abs3A_730 : vector<16xf32>
      %get3A_732 = arith.index_cast %add3A_716 : i32 to index
      %get3A_733 = arith.constant 16 : index
      %get3A_734 = tpu.vector_load %arg11[%get3A_732, %get3A_733] {strides = array<i32>} : memref<512x64xf32, #tpu.memory_space<vmem>>, vector<16xf32>,
      %get3A_735 = arith.index_cast %add3A_716 : i32 to index
      %get3A_736 = arith.constant 16 : index
      %get3A_737 = tpu.vector_load %arg12[%get3A_735, %get3A_736] {strides = array<i32>} : memref<512x64xf32, #tpu.memory_space<vmem>>, vector<16xf32>,
      %add3A_738 = arith.addf %get3A_734, %get3A_737 : vector<16xf32>
      %get3A_739 = arith.index_cast %add3A_716 : i32 to index
      %get3A_740 = arith.constant 16 : index
      %get3A_741 = tpu.vector_load %arg13[%get3A_739, %get3A_740] {strides = array<i32>} : memref<512x64xf32, #tpu.memory_space<vmem>>, vector<16xf32>,
      %sub3A_742 = arith.subf %add3A_738, %get3A_741 : vector<16xf32>
      %abs3A_743 = math.absf %sub3A_742 : vector<16xf32>
      %add3A_744 = arith.addf %add3A_731, %abs3A_743 : vector<16xf32>
      %get3A_745 = arith.index_cast %add3A_716 : i32 to index
      %get3A_746 = arith.constant 32 : index
      %get3A_747 = tpu.vector_load %arg11[%get3A_745, %get3A_746] {strides = array<i32>} : memref<512x64xf32, #tpu.memory_space<vmem>>, vector<16xf32>,
      %get3A_748 = arith.index_cast %add3A_716 : i32 to index
      %get3A_749 = arith.constant 32 : index
      %get3A_750 = tpu.vector_load %arg12[%get3A_748, %get3A_749] {strides = array<i32>} : memref<512x64xf32, #tpu.memory_space<vmem>>, vector<16xf32>,
      %add3A_751 = arith.addf %get3A_747, %get3A_750 : vector<16xf32>
      %get3A_752 = arith.index_cast %add3A_716 : i32 to index
      %get3A_753 = arith.constant 32 : index
      %get3A_754 = tpu.vector_load %arg13[%get3A_752, %get3A_753] {strides = array<i32>} : memref<512x64xf32, #tpu.memory_space<vmem>>, vector<16xf32>,
      %sub3A_755 = arith.subf %add3A_751, %get3A_754 : vector<16xf32>
      %abs3A_756 = math.absf %sub3A_755 : vector<16xf32>
      %add3A_757 = arith.addf %add3A_744, %abs3A_756 : vector<16xf32>
      %get3A_758 = arith.index_cast %add3A_716 : i32 to index
      %get3A_759 = arith.constant 48 : index
      %get3A_760 = tpu.vector_load %arg11[%get3A_758, %get3A_759] {strides = array<i32>} : memref<512x64xf32, #tpu.memory_space<vmem>>, vector<16xf32>,
      %get3A_761 = arith.index_cast %add3A_716 : i32 to index
      %get3A_762 = arith.constant 48 : index
      %get3A_763 = tpu.vector_load %arg12[%get3A_761, %get3A_762] {strides = array<i32>} : memref<512x64xf32, #tpu.memory_space<vmem>>, vector<16xf32>,
      %add3A_764 = arith.addf %get3A_760, %get3A_763 : vector<16xf32>
      %get3A_765 = arith.index_cast %add3A_716 : i32 to index
      %get3A_766 = arith.constant 48 : index
      %get3A_767 = tpu.vector_load %arg13[%get3A_765, %get3A_766] {strides = array<i32>} : memref<512x64xf32, #tpu.memory_space<vmem>>, vector<16xf32>,
      %sub3A_768 = arith.subf %add3A_764, %get3A_767 : vector<16xf32>
      %abs3A_769 = math.absf %sub3A_768 : vector<16xf32>
      %add3A_770 = arith.addf %add3A_757, %abs3A_769 : vector<16xf32>
      %reduce_sum3A_771 = arith.constant true
      %reduce_sum3A_772 = vector.broadcast %reduce_sum3A_771 : i1 to vector<16xi1>
      %reduce_sum3A_773 = tpu.scan <sum>, %add3A_770 masked %reduce_sum3A_772 : vector<16xf32>, vector<16xi1> -> vector<16xf32>
      %reduce_sum3A_774 = vector.extract %reduce_sum3A_773[15] : f32 from vector<16xf32>
      %eq3A_775 = arith.constant 7 : i32
      %eq3A_776 = vector.broadcast %eq3A_775 : i32 to vector<16xi32>
      %eq3A_777 = arith.cmpi eq, %iota3A, %eq3A_776 : vector<16xi32>
      %broadcast_in_dim3A_778 = vector.broadcast %reduce_sum3A_774 : f32 to vector<16xf32>
      %select_n3A_779 = arith.select %eq3A_777, %broadcast_in_dim3A_778, %select_n3A_712 : vector<16xi1>, vector<16xf32>
      %mul3A_780 = arith.constant 16 : i32
      %mul3A_781 = arith.muli %scan3A_247, %mul3A_780 : i32
      %add3A_782 = arith.constant 8 : i32
      %add3A_783 = arith.addi %mul3A_781, %add3A_782 : i32
      %broadcast_in_dim3A_784 = arith.constant 0.000000e+00 : f32
      %broadcast_in_dim3A_785 = vector.broadcast %broadcast_in_dim3A_784 : f32 to vector<16xf32>
      %get3A_786 = arith.index_cast %add3A_783 : i32 to index
      %get3A_787 = arith.constant 0 : index
      %get3A_788 = tpu.vector_load %arg11[%get3A_786, %get3A_787] {strides = array<i32>} : memref<512x64xf32, #tpu.memory_space<vmem>>, vector<16xf32>,
      %get3A_789 = arith.index_cast %add3A_783 : i32 to index
      %get3A_790 = arith.constant 0 : index
      %get3A_791 = tpu.vector_load %arg12[%get3A_789, %get3A_790] {strides = array<i32>} : memref<512x64xf32, #tpu.memory_space<vmem>>, vector<16xf32>,
      %add3A_792 = arith.addf %get3A_788, %get3A_791 : vector<16xf32>
      %get3A_793 = arith.index_cast %add3A_783 : i32 to index
      %get3A_794 = arith.constant 0 : index
      %get3A_795 = tpu.vector_load %arg13[%get3A_793, %get3A_794] {strides = array<i32>} : memref<512x64xf32, #tpu.memory_space<vmem>>, vector<16xf32>,
      %sub3A_796 = arith.subf %add3A_792, %get3A_795 : vector<16xf32>
      %abs3A_797 = math.absf %sub3A_796 : vector<16xf32>
      %add3A_798 = arith.addf %broadcast_in_dim3A_785, %abs3A_797 : vector<16xf32>
      %get3A_799 = arith.index_cast %add3A_783 : i32 to index
      %get3A_800 = arith.constant 16 : index
      %get3A_801 = tpu.vector_load %arg11[%get3A_799, %get3A_800] {strides = array<i32>} : memref<512x64xf32, #tpu.memory_space<vmem>>, vector<16xf32>,
      %get3A_802 = arith.index_cast %add3A_783 : i32 to index
      %get3A_803 = arith.constant 16 : index
      %get3A_804 = tpu.vector_load %arg12[%get3A_802, %get3A_803] {strides = array<i32>} : memref<512x64xf32, #tpu.memory_space<vmem>>, vector<16xf32>,
      %add3A_805 = arith.addf %get3A_801, %get3A_804 : vector<16xf32>
      %get3A_806 = arith.index_cast %add3A_783 : i32 to index
      %get3A_807 = arith.constant 16 : index
      %get3A_808 = tpu.vector_load %arg13[%get3A_806, %get3A_807] {strides = array<i32>} : memref<512x64xf32, #tpu.memory_space<vmem>>, vector<16xf32>,
      %sub3A_809 = arith.subf %add3A_805, %get3A_808 : vector<16xf32>
      %abs3A_810 = math.absf %sub3A_809 : vector<16xf32>
      %add3A_811 = arith.addf %add3A_798, %abs3A_810 : vector<16xf32>
      %get3A_812 = arith.index_cast %add3A_783 : i32 to index
      %get3A_813 = arith.constant 32 : index
      %get3A_814 = tpu.vector_load %arg11[%get3A_812, %get3A_813] {strides = array<i32>} : memref<512x64xf32, #tpu.memory_space<vmem>>, vector<16xf32>,
      %get3A_815 = arith.index_cast %add3A_783 : i32 to index
      %get3A_816 = arith.constant 32 : index
      %get3A_817 = tpu.vector_load %arg12[%get3A_815, %get3A_816] {strides = array<i32>} : memref<512x64xf32, #tpu.memory_space<vmem>>, vector<16xf32>,
      %add3A_818 = arith.addf %get3A_814, %get3A_817 : vector<16xf32>
      %get3A_819 = arith.index_cast %add3A_783 : i32 to index
      %get3A_820 = arith.constant 32 : index
      %get3A_821 = tpu.vector_load %arg13[%get3A_819, %get3A_820] {strides = array<i32>} : memref<512x64xf32, #tpu.memory_space<vmem>>, vector<16xf32>,
      %sub3A_822 = arith.subf %add3A_818, %get3A_821 : vector<16xf32>
      %abs3A_823 = math.absf %sub3A_822 : vector<16xf32>
      %add3A_824 = arith.addf %add3A_811, %abs3A_823 : vector<16xf32>
      %get3A_825 = arith.index_cast %add3A_783 : i32 to index
      %get3A_826 = arith.constant 48 : index
      %get3A_827 = tpu.vector_load %arg11[%get3A_825, %get3A_826] {strides = array<i32>} : memref<512x64xf32, #tpu.memory_space<vmem>>, vector<16xf32>,
      %get3A_828 = arith.index_cast %add3A_783 : i32 to index
      %get3A_829 = arith.constant 48 : index
      %get3A_830 = tpu.vector_load %arg12[%get3A_828, %get3A_829] {strides = array<i32>} : memref<512x64xf32, #tpu.memory_space<vmem>>, vector<16xf32>,
      %add3A_831 = arith.addf %get3A_827, %get3A_830 : vector<16xf32>
      %get3A_832 = arith.index_cast %add3A_783 : i32 to index
      %get3A_833 = arith.constant 48 : index
      %get3A_834 = tpu.vector_load %arg13[%get3A_832, %get3A_833] {strides = array<i32>} : memref<512x64xf32, #tpu.memory_space<vmem>>, vector<16xf32>,
      %sub3A_835 = arith.subf %add3A_831, %get3A_834 : vector<16xf32>
      %abs3A_836 = math.absf %sub3A_835 : vector<16xf32>
      %add3A_837 = arith.addf %add3A_824, %abs3A_836 : vector<16xf32>
      %reduce_sum3A_838 = arith.constant true
      %reduce_sum3A_839 = vector.broadcast %reduce_sum3A_838 : i1 to vector<16xi1>
      %reduce_sum3A_840 = tpu.scan <sum>, %add3A_837 masked %reduce_sum3A_839 : vector<16xf32>, vector<16xi1> -> vector<16xf32>
      %reduce_sum3A_841 = vector.extract %reduce_sum3A_840[15] : f32 from vector<16xf32>
      %eq3A_842 = arith.constant 8 : i32
      %eq3A_843 = vector.broadcast %eq3A_842 : i32 to vector<16xi32>
      %eq3A_844 = arith.cmpi eq, %iota3A, %eq3A_843 : vector<16xi32>
      %broadcast_in_dim3A_845 = vector.broadcast %reduce_sum3A_841 : f32 to vector<16xf32>
      %select_n3A_846 = arith.select %eq3A_844, %broadcast_in_dim3A_845, %select_n3A_779 : vector<16xi1>, vector<16xf32>
      %mul3A_847 = arith.constant 16 : i32
      %mul3A_848 = arith.muli %scan3A_247, %mul3A_847 : i32
      %add3A_849 = arith.constant 9 : i32
      %add3A_850 = arith.addi %mul3A_848, %add3A_849 : i32
      %broadcast_in_dim3A_851 = arith.constant 0.000000e+00 : f32
      %broadcast_in_dim3A_852 = vector.broadcast %broadcast_in_dim3A_851 : f32 to vector<16xf32>
      %get3A_853 = arith.index_cast %add3A_850 : i32 to index
      %get3A_854 = arith.constant 0 : index
      %get3A_855 = tpu.vector_load %arg11[%get3A_853, %get3A_854] {strides = array<i32>} : memref<512x64xf32, #tpu.memory_space<vmem>>, vector<16xf32>,
      %get3A_856 = arith.index_cast %add3A_850 : i32 to index
      %get3A_857 = arith.constant 0 : index
      %get3A_858 = tpu.vector_load %arg12[%get3A_856, %get3A_857] {strides = array<i32>} : memref<512x64xf32, #tpu.memory_space<vmem>>, vector<16xf32>,
      %add3A_859 = arith.addf %get3A_855, %get3A_858 : vector<16xf32>
      %get3A_860 = arith.index_cast %add3A_850 : i32 to index
      %get3A_861 = arith.constant 0 : index
      %get3A_862 = tpu.vector_load %arg13[%get3A_860, %get3A_861] {strides = array<i32>} : memref<512x64xf32, #tpu.memory_space<vmem>>, vector<16xf32>,
      %sub3A_863 = arith.subf %add3A_859, %get3A_862 : vector<16xf32>
      %abs3A_864 = math.absf %sub3A_863 : vector<16xf32>
      %add3A_865 = arith.addf %broadcast_in_dim3A_852, %abs3A_864 : vector<16xf32>
      %get3A_866 = arith.index_cast %add3A_850 : i32 to index
      %get3A_867 = arith.constant 16 : index
      %get3A_868 = tpu.vector_load %arg11[%get3A_866, %get3A_867] {strides = array<i32>} : memref<512x64xf32, #tpu.memory_space<vmem>>, vector<16xf32>,
      %get3A_869 = arith.index_cast %add3A_850 : i32 to index
      %get3A_870 = arith.constant 16 : index
      %get3A_871 = tpu.vector_load %arg12[%get3A_869, %get3A_870] {strides = array<i32>} : memref<512x64xf32, #tpu.memory_space<vmem>>, vector<16xf32>,
      %add3A_872 = arith.addf %get3A_868, %get3A_871 : vector<16xf32>
      %get3A_873 = arith.index_cast %add3A_850 : i32 to index
      %get3A_874 = arith.constant 16 : index
      %get3A_875 = tpu.vector_load %arg13[%get3A_873, %get3A_874] {strides = array<i32>} : memref<512x64xf32, #tpu.memory_space<vmem>>, vector<16xf32>,
      %sub3A_876 = arith.subf %add3A_872, %get3A_875 : vector<16xf32>
      %abs3A_877 = math.absf %sub3A_876 : vector<16xf32>
      %add3A_878 = arith.addf %add3A_865, %abs3A_877 : vector<16xf32>
      %get3A_879 = arith.index_cast %add3A_850 : i32 to index
      %get3A_880 = arith.constant 32 : index
      %get3A_881 = tpu.vector_load %arg11[%get3A_879, %get3A_880] {strides = array<i32>} : memref<512x64xf32, #tpu.memory_space<vmem>>, vector<16xf32>,
      %get3A_882 = arith.index_cast %add3A_850 : i32 to index
      %get3A_883 = arith.constant 32 : index
      %get3A_884 = tpu.vector_load %arg12[%get3A_882, %get3A_883] {strides = array<i32>} : memref<512x64xf32, #tpu.memory_space<vmem>>, vector<16xf32>,
      %add3A_885 = arith.addf %get3A_881, %get3A_884 : vector<16xf32>
      %get3A_886 = arith.index_cast %add3A_850 : i32 to index
      %get3A_887 = arith.constant 32 : index
      %get3A_888 = tpu.vector_load %arg13[%get3A_886, %get3A_887] {strides = array<i32>} : memref<512x64xf32, #tpu.memory_space<vmem>>, vector<16xf32>,
      %sub3A_889 = arith.subf %add3A_885, %get3A_888 : vector<16xf32>
      %abs3A_890 = math.absf %sub3A_889 : vector<16xf32>
      %add3A_891 = arith.addf %add3A_878, %abs3A_890 : vector<16xf32>
      %get3A_892 = arith.index_cast %add3A_850 : i32 to index
      %get3A_893 = arith.constant 48 : index
      %get3A_894 = tpu.vector_load %arg11[%get3A_892, %get3A_893] {strides = array<i32>} : memref<512x64xf32, #tpu.memory_space<vmem>>, vector<16xf32>,
      %get3A_895 = arith.index_cast %add3A_850 : i32 to index
      %get3A_896 = arith.constant 48 : index
      %get3A_897 = tpu.vector_load %arg12[%get3A_895, %get3A_896] {strides = array<i32>} : memref<512x64xf32, #tpu.memory_space<vmem>>, vector<16xf32>,
      %add3A_898 = arith.addf %get3A_894, %get3A_897 : vector<16xf32>
      %get3A_899 = arith.index_cast %add3A_850 : i32 to index
      %get3A_900 = arith.constant 48 : index
      %get3A_901 = tpu.vector_load %arg13[%get3A_899, %get3A_900] {strides = array<i32>} : memref<512x64xf32, #tpu.memory_space<vmem>>, vector<16xf32>,
      %sub3A_902 = arith.subf %add3A_898, %get3A_901 : vector<16xf32>
      %abs3A_903 = math.absf %sub3A_902 : vector<16xf32>
      %add3A_904 = arith.addf %add3A_891, %abs3A_903 : vector<16xf32>
      %reduce_sum3A_905 = arith.constant true
      %reduce_sum3A_906 = vector.broadcast %reduce_sum3A_905 : i1 to vector<16xi1>
      %reduce_sum3A_907 = tpu.scan <sum>, %add3A_904 masked %reduce_sum3A_906 : vector<16xf32>, vector<16xi1> -> vector<16xf32>
      %reduce_sum3A_908 = vector.extract %reduce_sum3A_907[15] : f32 from vector<16xf32>
      %eq3A_909 = arith.constant 9 : i32
      %eq3A_910 = vector.broadcast %eq3A_909 : i32 to vector<16xi32>
      %eq3A_911 = arith.cmpi eq, %iota3A, %eq3A_910 : vector<16xi32>
      %broadcast_in_dim3A_912 = vector.broadcast %reduce_sum3A_908 : f32 to vector<16xf32>
      %select_n3A_913 = arith.select %eq3A_911, %broadcast_in_dim3A_912, %select_n3A_846 : vector<16xi1>, vector<16xf32>
      %mul3A_914 = arith.constant 16 : i32
      %mul3A_915 = arith.muli %scan3A_247, %mul3A_914 : i32
      %add3A_916 = arith.constant 10 : i32
      %add3A_917 = arith.addi %mul3A_915, %add3A_916 : i32
      %broadcast_in_dim3A_918 = arith.constant 0.000000e+00 : f32
      %broadcast_in_dim3A_919 = vector.broadcast %broadcast_in_dim3A_918 : f32 to vector<16xf32>
      %get3A_920 = arith.index_cast %add3A_917 : i32 to index
      %get3A_921 = arith.constant 0 : index
      %get3A_922 = tpu.vector_load %arg11[%get3A_920, %get3A_921] {strides = array<i32>} : memref<512x64xf32, #tpu.memory_space<vmem>>, vector<16xf32>,
      %get3A_923 = arith.index_cast %add3A_917 : i32 to index
      %get3A_924 = arith.constant 0 : index
      %get3A_925 = tpu.vector_load %arg12[%get3A_923, %get3A_924] {strides = array<i32>} : memref<512x64xf32, #tpu.memory_space<vmem>>, vector<16xf32>,
      %add3A_926 = arith.addf %get3A_922, %get3A_925 : vector<16xf32>
      %get3A_927 = arith.index_cast %add3A_917 : i32 to index
      %get3A_928 = arith.constant 0 : index
      %get3A_929 = tpu.vector_load %arg13[%get3A_927, %get3A_928] {strides = array<i32>} : memref<512x64xf32, #tpu.memory_space<vmem>>, vector<16xf32>,
      %sub3A_930 = arith.subf %add3A_926, %get3A_929 : vector<16xf32>
      %abs3A_931 = math.absf %sub3A_930 : vector<16xf32>
      %add3A_932 = arith.addf %broadcast_in_dim3A_919, %abs3A_931 : vector<16xf32>
      %get3A_933 = arith.index_cast %add3A_917 : i32 to index
      %get3A_934 = arith.constant 16 : index
      %get3A_935 = tpu.vector_load %arg11[%get3A_933, %get3A_934] {strides = array<i32>} : memref<512x64xf32, #tpu.memory_space<vmem>>, vector<16xf32>,
      %get3A_936 = arith.index_cast %add3A_917 : i32 to index
      %get3A_937 = arith.constant 16 : index
      %get3A_938 = tpu.vector_load %arg12[%get3A_936, %get3A_937] {strides = array<i32>} : memref<512x64xf32, #tpu.memory_space<vmem>>, vector<16xf32>,
      %add3A_939 = arith.addf %get3A_935, %get3A_938 : vector<16xf32>
      %get3A_940 = arith.index_cast %add3A_917 : i32 to index
      %get3A_941 = arith.constant 16 : index
      %get3A_942 = tpu.vector_load %arg13[%get3A_940, %get3A_941] {strides = array<i32>} : memref<512x64xf32, #tpu.memory_space<vmem>>, vector<16xf32>,
      %sub3A_943 = arith.subf %add3A_939, %get3A_942 : vector<16xf32>
      %abs3A_944 = math.absf %sub3A_943 : vector<16xf32>
      %add3A_945 = arith.addf %add3A_932, %abs3A_944 : vector<16xf32>
      %get3A_946 = arith.index_cast %add3A_917 : i32 to index
      %get3A_947 = arith.constant 32 : index
      %get3A_948 = tpu.vector_load %arg11[%get3A_946, %get3A_947] {strides = array<i32>} : memref<512x64xf32, #tpu.memory_space<vmem>>, vector<16xf32>,
      %get3A_949 = arith.index_cast %add3A_917 : i32 to index
      %get3A_950 = arith.constant 32 : index
      %get3A_951 = tpu.vector_load %arg12[%get3A_949, %get3A_950] {strides = array<i32>} : memref<512x64xf32, #tpu.memory_space<vmem>>, vector<16xf32>,
      %add3A_952 = arith.addf %get3A_948, %get3A_951 : vector<16xf32>
      %get3A_953 = arith.index_cast %add3A_917 : i32 to index
      %get3A_954 = arith.constant 32 : index
      %get3A_955 = tpu.vector_load %arg13[%get3A_953, %get3A_954] {strides = array<i32>} : memref<512x64xf32, #tpu.memory_space<vmem>>, vector<16xf32>,
      %sub3A_956 = arith.subf %add3A_952, %get3A_955 : vector<16xf32>
      %abs3A_957 = math.absf %sub3A_956 : vector<16xf32>
      %add3A_958 = arith.addf %add3A_945, %abs3A_957 : vector<16xf32>
      %get3A_959 = arith.index_cast %add3A_917 : i32 to index
      %get3A_960 = arith.constant 48 : index
      %get3A_961 = tpu.vector_load %arg11[%get3A_959, %get3A_960] {strides = array<i32>} : memref<512x64xf32, #tpu.memory_space<vmem>>, vector<16xf32>,
      %get3A_962 = arith.index_cast %add3A_917 : i32 to index
      %get3A_963 = arith.constant 48 : index
      %get3A_964 = tpu.vector_load %arg12[%get3A_962, %get3A_963] {strides = array<i32>} : memref<512x64xf32, #tpu.memory_space<vmem>>, vector<16xf32>,
      %add3A_965 = arith.addf %get3A_961, %get3A_964 : vector<16xf32>
      %get3A_966 = arith.index_cast %add3A_917 : i32 to index
      %get3A_967 = arith.constant 48 : index
      %get3A_968 = tpu.vector_load %arg13[%get3A_966, %get3A_967] {strides = array<i32>} : memref<512x64xf32, #tpu.memory_space<vmem>>, vector<16xf32>,
      %sub3A_969 = arith.subf %add3A_965, %get3A_968 : vector<16xf32>
      %abs3A_970 = math.absf %sub3A_969 : vector<16xf32>
      %add3A_971 = arith.addf %add3A_958, %abs3A_970 : vector<16xf32>
      %reduce_sum3A_972 = arith.constant true
      %reduce_sum3A_973 = vector.broadcast %reduce_sum3A_972 : i1 to vector<16xi1>
      %reduce_sum3A_974 = tpu.scan <sum>, %add3A_971 masked %reduce_sum3A_973 : vector<16xf32>, vector<16xi1> -> vector<16xf32>
      %reduce_sum3A_975 = vector.extract %reduce_sum3A_974[15] : f32 from vector<16xf32>
      %eq3A_976 = arith.constant 10 : i32
      %eq3A_977 = vector.broadcast %eq3A_976 : i32 to vector<16xi32>
      %eq3A_978 = arith.cmpi eq, %iota3A, %eq3A_977 : vector<16xi32>
      %broadcast_in_dim3A_979 = vector.broadcast %reduce_sum3A_975 : f32 to vector<16xf32>
      %select_n3A_980 = arith.select %eq3A_978, %broadcast_in_dim3A_979, %select_n3A_913 : vector<16xi1>, vector<16xf32>
      %mul3A_981 = arith.constant 16 : i32
      %mul3A_982 = arith.muli %scan3A_247, %mul3A_981 : i32
      %add3A_983 = arith.constant 11 : i32
      %add3A_984 = arith.addi %mul3A_982, %add3A_983 : i32
      %broadcast_in_dim3A_985 = arith.constant 0.000000e+00 : f32
      %broadcast_in_dim3A_986 = vector.broadcast %broadcast_in_dim3A_985 : f32 to vector<16xf32>
      %get3A_987 = arith.index_cast %add3A_984 : i32 to index
      %get3A_988 = arith.constant 0 : index
      %get3A_989 = tpu.vector_load %arg11[%get3A_987, %get3A_988] {strides = array<i32>} : memref<512x64xf32, #tpu.memory_space<vmem>>, vector<16xf32>,
      %get3A_990 = arith.index_cast %add3A_984 : i32 to index
      %get3A_991 = arith.constant 0 : index
      %get3A_992 = tpu.vector_load %arg12[%get3A_990, %get3A_991] {strides = array<i32>} : memref<512x64xf32, #tpu.memory_space<vmem>>, vector<16xf32>,
      %add3A_993 = arith.addf %get3A_989, %get3A_992 : vector<16xf32>
      %get3A_994 = arith.index_cast %add3A_984 : i32 to index
      %get3A_995 = arith.constant 0 : index
      %get3A_996 = tpu.vector_load %arg13[%get3A_994, %get3A_995] {strides = array<i32>} : memref<512x64xf32, #tpu.memory_space<vmem>>, vector<16xf32>,
      %sub3A_997 = arith.subf %add3A_993, %get3A_996 : vector<16xf32>
      %abs3A_998 = math.absf %sub3A_997 : vector<16xf32>
      %add3A_999 = arith.addf %broadcast_in_dim3A_986, %abs3A_998 : vector<16xf32>
      %get3A_1000 = arith.index_cast %add3A_984 : i32 to index
      %get3A_1001 = arith.constant 16 : index
      %get3A_1002 = tpu.vector_load %arg11[%get3A_1000, %get3A_1001] {strides = array<i32>} : memref<512x64xf32, #tpu.memory_space<vmem>>, vector<16xf32>,
      %get3A_1003 = arith.index_cast %add3A_984 : i32 to index
      %get3A_1004 = arith.constant 16 : index
      %get3A_1005 = tpu.vector_load %arg12[%get3A_1003, %get3A_1004] {strides = array<i32>} : memref<512x64xf32, #tpu.memory_space<vmem>>, vector<16xf32>,
      %add3A_1006 = arith.addf %get3A_1002, %get3A_1005 : vector<16xf32>
      %get3A_1007 = arith.index_cast %add3A_984 : i32 to index
      %get3A_1008 = arith.constant 16 : index
      %get3A_1009 = tpu.vector_load %arg13[%get3A_1007, %get3A_1008] {strides = array<i32>} : memref<512x64xf32, #tpu.memory_space<vmem>>, vector<16xf32>,
      %sub3A_1010 = arith.subf %add3A_1006, %get3A_1009 : vector<16xf32>
      %abs3A_1011 = math.absf %sub3A_1010 : vector<16xf32>
      %add3A_1012 = arith.addf %add3A_999, %abs3A_1011 : vector<16xf32>
      %get3A_1013 = arith.index_cast %add3A_984 : i32 to index
      %get3A_1014 = arith.constant 32 : index
      %get3A_1015 = tpu.vector_load %arg11[%get3A_1013, %get3A_1014] {strides = array<i32>} : memref<512x64xf32, #tpu.memory_space<vmem>>, vector<16xf32>,
      %get3A_1016 = arith.index_cast %add3A_984 : i32 to index
      %get3A_1017 = arith.constant 32 : index
      %get3A_1018 = tpu.vector_load %arg12[%get3A_1016, %get3A_1017] {strides = array<i32>} : memref<512x64xf32, #tpu.memory_space<vmem>>, vector<16xf32>,
      %add3A_1019 = arith.addf %get3A_1015, %get3A_1018 : vector<16xf32>
      %get3A_1020 = arith.index_cast %add3A_984 : i32 to index
      %get3A_1021 = arith.constant 32 : index
      %get3A_1022 = tpu.vector_load %arg13[%get3A_1020, %get3A_1021] {strides = array<i32>} : memref<512x64xf32, #tpu.memory_space<vmem>>, vector<16xf32>,
      %sub3A_1023 = arith.subf %add3A_1019, %get3A_1022 : vector<16xf32>
      %abs3A_1024 = math.absf %sub3A_1023 : vector<16xf32>
      %add3A_1025 = arith.addf %add3A_1012, %abs3A_1024 : vector<16xf32>
      %get3A_1026 = arith.index_cast %add3A_984 : i32 to index
      %get3A_1027 = arith.constant 48 : index
      %get3A_1028 = tpu.vector_load %arg11[%get3A_1026, %get3A_1027] {strides = array<i32>} : memref<512x64xf32, #tpu.memory_space<vmem>>, vector<16xf32>,
      %get3A_1029 = arith.index_cast %add3A_984 : i32 to index
      %get3A_1030 = arith.constant 48 : index
      %get3A_1031 = tpu.vector_load %arg12[%get3A_1029, %get3A_1030] {strides = array<i32>} : memref<512x64xf32, #tpu.memory_space<vmem>>, vector<16xf32>,
      %add3A_1032 = arith.addf %get3A_1028, %get3A_1031 : vector<16xf32>
      %get3A_1033 = arith.index_cast %add3A_984 : i32 to index
      %get3A_1034 = arith.constant 48 : index
      %get3A_1035 = tpu.vector_load %arg13[%get3A_1033, %get3A_1034] {strides = array<i32>} : memref<512x64xf32, #tpu.memory_space<vmem>>, vector<16xf32>,
      %sub3A_1036 = arith.subf %add3A_1032, %get3A_1035 : vector<16xf32>
      %abs3A_1037 = math.absf %sub3A_1036 : vector<16xf32>
      %add3A_1038 = arith.addf %add3A_1025, %abs3A_1037 : vector<16xf32>
      %reduce_sum3A_1039 = arith.constant true
      %reduce_sum3A_1040 = vector.broadcast %reduce_sum3A_1039 : i1 to vector<16xi1>
      %reduce_sum3A_1041 = tpu.scan <sum>, %add3A_1038 masked %reduce_sum3A_1040 : vector<16xf32>, vector<16xi1> -> vector<16xf32>
      %reduce_sum3A_1042 = vector.extract %reduce_sum3A_1041[15] : f32 from vector<16xf32>
      %eq3A_1043 = arith.constant 11 : i32
      %eq3A_1044 = vector.broadcast %eq3A_1043 : i32 to vector<16xi32>
      %eq3A_1045 = arith.cmpi eq, %iota3A, %eq3A_1044 : vector<16xi32>
      %broadcast_in_dim3A_1046 = vector.broadcast %reduce_sum3A_1042 : f32 to vector<16xf32>
      %select_n3A_1047 = arith.select %eq3A_1045, %broadcast_in_dim3A_1046, %select_n3A_980 : vector<16xi1>, vector<16xf32>
      %mul3A_1048 = arith.constant 16 : i32
      %mul3A_1049 = arith.muli %scan3A_247, %mul3A_1048 : i32
      %add3A_1050 = arith.constant 12 : i32
      %add3A_1051 = arith.addi %mul3A_1049, %add3A_1050 : i32
      %broadcast_in_dim3A_1052 = arith.constant 0.000000e+00 : f32
      %broadcast_in_dim3A_1053 = vector.broadcast %broadcast_in_dim3A_1052 : f32 to vector<16xf32>
      %get3A_1054 = arith.index_cast %add3A_1051 : i32 to index
      %get3A_1055 = arith.constant 0 : index
      %get3A_1056 = tpu.vector_load %arg11[%get3A_1054, %get3A_1055] {strides = array<i32>} : memref<512x64xf32, #tpu.memory_space<vmem>>, vector<16xf32>,
      %get3A_1057 = arith.index_cast %add3A_1051 : i32 to index
      %get3A_1058 = arith.constant 0 : index
      %get3A_1059 = tpu.vector_load %arg12[%get3A_1057, %get3A_1058] {strides = array<i32>} : memref<512x64xf32, #tpu.memory_space<vmem>>, vector<16xf32>,
      %add3A_1060 = arith.addf %get3A_1056, %get3A_1059 : vector<16xf32>
      %get3A_1061 = arith.index_cast %add3A_1051 : i32 to index
      %get3A_1062 = arith.constant 0 : index
      %get3A_1063 = tpu.vector_load %arg13[%get3A_1061, %get3A_1062] {strides = array<i32>} : memref<512x64xf32, #tpu.memory_space<vmem>>, vector<16xf32>,
      %sub3A_1064 = arith.subf %add3A_1060, %get3A_1063 : vector<16xf32>
      %abs3A_1065 = math.absf %sub3A_1064 : vector<16xf32>
      %add3A_1066 = arith.addf %broadcast_in_dim3A_1053, %abs3A_1065 : vector<16xf32>
      %get3A_1067 = arith.index_cast %add3A_1051 : i32 to index
      %get3A_1068 = arith.constant 16 : index
      %get3A_1069 = tpu.vector_load %arg11[%get3A_1067, %get3A_1068] {strides = array<i32>} : memref<512x64xf32, #tpu.memory_space<vmem>>, vector<16xf32>,
      %get3A_1070 = arith.index_cast %add3A_1051 : i32 to index
      %get3A_1071 = arith.constant 16 : index
      %get3A_1072 = tpu.vector_load %arg12[%get3A_1070, %get3A_1071] {strides = array<i32>} : memref<512x64xf32, #tpu.memory_space<vmem>>, vector<16xf32>,
      %add3A_1073 = arith.addf %get3A_1069, %get3A_1072 : vector<16xf32>
      %get3A_1074 = arith.index_cast %add3A_1051 : i32 to index
      %get3A_1075 = arith.constant 16 : index
      %get3A_1076 = tpu.vector_load %arg13[%get3A_1074, %get3A_1075] {strides = array<i32>} : memref<512x64xf32, #tpu.memory_space<vmem>>, vector<16xf32>,
      %sub3A_1077 = arith.subf %add3A_1073, %get3A_1076 : vector<16xf32>
      %abs3A_1078 = math.absf %sub3A_1077 : vector<16xf32>
      %add3A_1079 = arith.addf %add3A_1066, %abs3A_1078 : vector<16xf32>
      %get3A_1080 = arith.index_cast %add3A_1051 : i32 to index
      %get3A_1081 = arith.constant 32 : index
      %get3A_1082 = tpu.vector_load %arg11[%get3A_1080, %get3A_1081] {strides = array<i32>} : memref<512x64xf32, #tpu.memory_space<vmem>>, vector<16xf32>,
      %get3A_1083 = arith.index_cast %add3A_1051 : i32 to index
      %get3A_1084 = arith.constant 32 : index
      %get3A_1085 = tpu.vector_load %arg12[%get3A_1083, %get3A_1084] {strides = array<i32>} : memref<512x64xf32, #tpu.memory_space<vmem>>, vector<16xf32>,
      %add3A_1086 = arith.addf %get3A_1082, %get3A_1085 : vector<16xf32>
      %get3A_1087 = arith.index_cast %add3A_1051 : i32 to index
      %get3A_1088 = arith.constant 32 : index
      %get3A_1089 = tpu.vector_load %arg13[%get3A_1087, %get3A_1088] {strides = array<i32>} : memref<512x64xf32, #tpu.memory_space<vmem>>, vector<16xf32>,
      %sub3A_1090 = arith.subf %add3A_1086, %get3A_1089 : vector<16xf32>
      %abs3A_1091 = math.absf %sub3A_1090 : vector<16xf32>
      %add3A_1092 = arith.addf %add3A_1079, %abs3A_1091 : vector<16xf32>
      %get3A_1093 = arith.index_cast %add3A_1051 : i32 to index
      %get3A_1094 = arith.constant 48 : index
      %get3A_1095 = tpu.vector_load %arg11[%get3A_1093, %get3A_1094] {strides = array<i32>} : memref<512x64xf32, #tpu.memory_space<vmem>>, vector<16xf32>,
      %get3A_1096 = arith.index_cast %add3A_1051 : i32 to index
      %get3A_1097 = arith.constant 48 : index
      %get3A_1098 = tpu.vector_load %arg12[%get3A_1096, %get3A_1097] {strides = array<i32>} : memref<512x64xf32, #tpu.memory_space<vmem>>, vector<16xf32>,
      %add3A_1099 = arith.addf %get3A_1095, %get3A_1098 : vector<16xf32>
      %get3A_1100 = arith.index_cast %add3A_1051 : i32 to index
      %get3A_1101 = arith.constant 48 : index
      %get3A_1102 = tpu.vector_load %arg13[%get3A_1100, %get3A_1101] {strides = array<i32>} : memref<512x64xf32, #tpu.memory_space<vmem>>, vector<16xf32>,
      %sub3A_1103 = arith.subf %add3A_1099, %get3A_1102 : vector<16xf32>
      %abs3A_1104 = math.absf %sub3A_1103 : vector<16xf32>
      %add3A_1105 = arith.addf %add3A_1092, %abs3A_1104 : vector<16xf32>
      %reduce_sum3A_1106 = arith.constant true
      %reduce_sum3A_1107 = vector.broadcast %reduce_sum3A_1106 : i1 to vector<16xi1>
      %reduce_sum3A_1108 = tpu.scan <sum>, %add3A_1105 masked %reduce_sum3A_1107 : vector<16xf32>, vector<16xi1> -> vector<16xf32>
      %reduce_sum3A_1109 = vector.extract %reduce_sum3A_1108[15] : f32 from vector<16xf32>
      %eq3A_1110 = arith.constant 12 : i32
      %eq3A_1111 = vector.broadcast %eq3A_1110 : i32 to vector<16xi32>
      %eq3A_1112 = arith.cmpi eq, %iota3A, %eq3A_1111 : vector<16xi32>
      %broadcast_in_dim3A_1113 = vector.broadcast %reduce_sum3A_1109 : f32 to vector<16xf32>
      %select_n3A_1114 = arith.select %eq3A_1112, %broadcast_in_dim3A_1113, %select_n3A_1047 : vector<16xi1>, vector<16xf32>
      %mul3A_1115 = arith.constant 16 : i32
      %mul3A_1116 = arith.muli %scan3A_247, %mul3A_1115 : i32
      %add3A_1117 = arith.constant 13 : i32
      %add3A_1118 = arith.addi %mul3A_1116, %add3A_1117 : i32
      %broadcast_in_dim3A_1119 = arith.constant 0.000000e+00 : f32
      %broadcast_in_dim3A_1120 = vector.broadcast %broadcast_in_dim3A_1119 : f32 to vector<16xf32>
      %get3A_1121 = arith.index_cast %add3A_1118 : i32 to index
      %get3A_1122 = arith.constant 0 : index
      %get3A_1123 = tpu.vector_load %arg11[%get3A_1121, %get3A_1122] {strides = array<i32>} : memref<512x64xf32, #tpu.memory_space<vmem>>, vector<16xf32>,
      %get3A_1124 = arith.index_cast %add3A_1118 : i32 to index
      %get3A_1125 = arith.constant 0 : index
      %get3A_1126 = tpu.vector_load %arg12[%get3A_1124, %get3A_1125] {strides = array<i32>} : memref<512x64xf32, #tpu.memory_space<vmem>>, vector<16xf32>,
      %add3A_1127 = arith.addf %get3A_1123, %get3A_1126 : vector<16xf32>
      %get3A_1128 = arith.index_cast %add3A_1118 : i32 to index
      %get3A_1129 = arith.constant 0 : index
      %get3A_1130 = tpu.vector_load %arg13[%get3A_1128, %get3A_1129] {strides = array<i32>} : memref<512x64xf32, #tpu.memory_space<vmem>>, vector<16xf32>,
      %sub3A_1131 = arith.subf %add3A_1127, %get3A_1130 : vector<16xf32>
      %abs3A_1132 = math.absf %sub3A_1131 : vector<16xf32>
      %add3A_1133 = arith.addf %broadcast_in_dim3A_1120, %abs3A_1132 : vector<16xf32>
      %get3A_1134 = arith.index_cast %add3A_1118 : i32 to index
      %get3A_1135 = arith.constant 16 : index
      %get3A_1136 = tpu.vector_load %arg11[%get3A_1134, %get3A_1135] {strides = array<i32>} : memref<512x64xf32, #tpu.memory_space<vmem>>, vector<16xf32>,
      %get3A_1137 = arith.index_cast %add3A_1118 : i32 to index
      %get3A_1138 = arith.constant 16 : index
      %get3A_1139 = tpu.vector_load %arg12[%get3A_1137, %get3A_1138] {strides = array<i32>} : memref<512x64xf32, #tpu.memory_space<vmem>>, vector<16xf32>,
      %add3A_1140 = arith.addf %get3A_1136, %get3A_1139 : vector<16xf32>
      %get3A_1141 = arith.index_cast %add3A_1118 : i32 to index
      %get3A_1142 = arith.constant 16 : index
      %get3A_1143 = tpu.vector_load %arg13[%get3A_1141, %get3A_1142] {strides = array<i32>} : memref<512x64xf32, #tpu.memory_space<vmem>>, vector<16xf32>,
      %sub3A_1144 = arith.subf %add3A_1140, %get3A_1143 : vector<16xf32>
      %abs3A_1145 = math.absf %sub3A_1144 : vector<16xf32>
      %add3A_1146 = arith.addf %add3A_1133, %abs3A_1145 : vector<16xf32>
      %get3A_1147 = arith.index_cast %add3A_1118 : i32 to index
      %get3A_1148 = arith.constant 32 : index
      %get3A_1149 = tpu.vector_load %arg11[%get3A_1147, %get3A_1148] {strides = array<i32>} : memref<512x64xf32, #tpu.memory_space<vmem>>, vector<16xf32>,
      %get3A_1150 = arith.index_cast %add3A_1118 : i32 to index
      %get3A_1151 = arith.constant 32 : index
      %get3A_1152 = tpu.vector_load %arg12[%get3A_1150, %get3A_1151] {strides = array<i32>} : memref<512x64xf32, #tpu.memory_space<vmem>>, vector<16xf32>,
      %add3A_1153 = arith.addf %get3A_1149, %get3A_1152 : vector<16xf32>
      %get3A_1154 = arith.index_cast %add3A_1118 : i32 to index
      %get3A_1155 = arith.constant 32 : index
      %get3A_1156 = tpu.vector_load %arg13[%get3A_1154, %get3A_1155] {strides = array<i32>} : memref<512x64xf32, #tpu.memory_space<vmem>>, vector<16xf32>,
      %sub3A_1157 = arith.subf %add3A_1153, %get3A_1156 : vector<16xf32>
      %abs3A_1158 = math.absf %sub3A_1157 : vector<16xf32>
      %add3A_1159 = arith.addf %add3A_1146, %abs3A_1158 : vector<16xf32>
      %get3A_1160 = arith.index_cast %add3A_1118 : i32 to index
      %get3A_1161 = arith.constant 48 : index
      %get3A_1162 = tpu.vector_load %arg11[%get3A_1160, %get3A_1161] {strides = array<i32>} : memref<512x64xf32, #tpu.memory_space<vmem>>, vector<16xf32>,
      %get3A_1163 = arith.index_cast %add3A_1118 : i32 to index
      %get3A_1164 = arith.constant 48 : index
      %get3A_1165 = tpu.vector_load %arg12[%get3A_1163, %get3A_1164] {strides = array<i32>} : memref<512x64xf32, #tpu.memory_space<vmem>>, vector<16xf32>,
      %add3A_1166 = arith.addf %get3A_1162, %get3A_1165 : vector<16xf32>
      %get3A_1167 = arith.index_cast %add3A_1118 : i32 to index
      %get3A_1168 = arith.constant 48 : index
      %get3A_1169 = tpu.vector_load %arg13[%get3A_1167, %get3A_1168] {strides = array<i32>} : memref<512x64xf32, #tpu.memory_space<vmem>>, vector<16xf32>,
      %sub3A_1170 = arith.subf %add3A_1166, %get3A_1169 : vector<16xf32>
      %abs3A_1171 = math.absf %sub3A_1170 : vector<16xf32>
      %add3A_1172 = arith.addf %add3A_1159, %abs3A_1171 : vector<16xf32>
      %reduce_sum3A_1173 = arith.constant true
      %reduce_sum3A_1174 = vector.broadcast %reduce_sum3A_1173 : i1 to vector<16xi1>
      %reduce_sum3A_1175 = tpu.scan <sum>, %add3A_1172 masked %reduce_sum3A_1174 : vector<16xf32>, vector<16xi1> -> vector<16xf32>
      %reduce_sum3A_1176 = vector.extract %reduce_sum3A_1175[15] : f32 from vector<16xf32>
      %eq3A_1177 = arith.constant 13 : i32
      %eq3A_1178 = vector.broadcast %eq3A_1177 : i32 to vector<16xi32>
      %eq3A_1179 = arith.cmpi eq, %iota3A, %eq3A_1178 : vector<16xi32>
      %broadcast_in_dim3A_1180 = vector.broadcast %reduce_sum3A_1176 : f32 to vector<16xf32>
      %select_n3A_1181 = arith.select %eq3A_1179, %broadcast_in_dim3A_1180, %select_n3A_1114 : vector<16xi1>, vector<16xf32>
      %mul3A_1182 = arith.constant 16 : i32
      %mul3A_1183 = arith.muli %scan3A_247, %mul3A_1182 : i32
      %add3A_1184 = arith.constant 14 : i32
      %add3A_1185 = arith.addi %mul3A_1183, %add3A_1184 : i32
      %broadcast_in_dim3A_1186 = arith.constant 0.000000e+00 : f32
      %broadcast_in_dim3A_1187 = vector.broadcast %broadcast_in_dim3A_1186 : f32 to vector<16xf32>
      %get3A_1188 = arith.index_cast %add3A_1185 : i32 to index
      %get3A_1189 = arith.constant 0 : index
      %get3A_1190 = tpu.vector_load %arg11[%get3A_1188, %get3A_1189] {strides = array<i32>} : memref<512x64xf32, #tpu.memory_space<vmem>>, vector<16xf32>,
      %get3A_1191 = arith.index_cast %add3A_1185 : i32 to index
      %get3A_1192 = arith.constant 0 : index
      %get3A_1193 = tpu.vector_load %arg12[%get3A_1191, %get3A_1192] {strides = array<i32>} : memref<512x64xf32, #tpu.memory_space<vmem>>, vector<16xf32>,
      %add3A_1194 = arith.addf %get3A_1190, %get3A_1193 : vector<16xf32>
      %get3A_1195 = arith.index_cast %add3A_1185 : i32 to index
      %get3A_1196 = arith.constant 0 : index
      %get3A_1197 = tpu.vector_load %arg13[%get3A_1195, %get3A_1196] {strides = array<i32>} : memref<512x64xf32, #tpu.memory_space<vmem>>, vector<16xf32>,
      %sub3A_1198 = arith.subf %add3A_1194, %get3A_1197 : vector<16xf32>
      %abs3A_1199 = math.absf %sub3A_1198 : vector<16xf32>
      %add3A_1200 = arith.addf %broadcast_in_dim3A_1187, %abs3A_1199 : vector<16xf32>
      %get3A_1201 = arith.index_cast %add3A_1185 : i32 to index
      %get3A_1202 = arith.constant 16 : index
      %get3A_1203 = tpu.vector_load %arg11[%get3A_1201, %get3A_1202] {strides = array<i32>} : memref<512x64xf32, #tpu.memory_space<vmem>>, vector<16xf32>,
      %get3A_1204 = arith.index_cast %add3A_1185 : i32 to index
      %get3A_1205 = arith.constant 16 : index
      %get3A_1206 = tpu.vector_load %arg12[%get3A_1204, %get3A_1205] {strides = array<i32>} : memref<512x64xf32, #tpu.memory_space<vmem>>, vector<16xf32>,
      %add3A_1207 = arith.addf %get3A_1203, %get3A_1206 : vector<16xf32>
      %get3A_1208 = arith.index_cast %add3A_1185 : i32 to index
      %get3A_1209 = arith.constant 16 : index
      %get3A_1210 = tpu.vector_load %arg13[%get3A_1208, %get3A_1209] {strides = array<i32>} : memref<512x64xf32, #tpu.memory_space<vmem>>, vector<16xf32>,
      %sub3A_1211 = arith.subf %add3A_1207, %get3A_1210 : vector<16xf32>
      %abs3A_1212 = math.absf %sub3A_1211 : vector<16xf32>
      %add3A_1213 = arith.addf %add3A_1200, %abs3A_1212 : vector<16xf32>
      %get3A_1214 = arith.index_cast %add3A_1185 : i32 to index
      %get3A_1215 = arith.constant 32 : index
      %get3A_1216 = tpu.vector_load %arg11[%get3A_1214, %get3A_1215] {strides = array<i32>} : memref<512x64xf32, #tpu.memory_space<vmem>>, vector<16xf32>,
      %get3A_1217 = arith.index_cast %add3A_1185 : i32 to index
      %get3A_1218 = arith.constant 32 : index
      %get3A_1219 = tpu.vector_load %arg12[%get3A_1217, %get3A_1218] {strides = array<i32>} : memref<512x64xf32, #tpu.memory_space<vmem>>, vector<16xf32>,
      %add3A_1220 = arith.addf %get3A_1216, %get3A_1219 : vector<16xf32>
      %get3A_1221 = arith.index_cast %add3A_1185 : i32 to index
      %get3A_1222 = arith.constant 32 : index
      %get3A_1223 = tpu.vector_load %arg13[%get3A_1221, %get3A_1222] {strides = array<i32>} : memref<512x64xf32, #tpu.memory_space<vmem>>, vector<16xf32>,
      %sub3A_1224 = arith.subf %add3A_1220, %get3A_1223 : vector<16xf32>
      %abs3A_1225 = math.absf %sub3A_1224 : vector<16xf32>
      %add3A_1226 = arith.addf %add3A_1213, %abs3A_1225 : vector<16xf32>
      %get3A_1227 = arith.index_cast %add3A_1185 : i32 to index
      %get3A_1228 = arith.constant 48 : index
      %get3A_1229 = tpu.vector_load %arg11[%get3A_1227, %get3A_1228] {strides = array<i32>} : memref<512x64xf32, #tpu.memory_space<vmem>>, vector<16xf32>,
      %get3A_1230 = arith.index_cast %add3A_1185 : i32 to index
      %get3A_1231 = arith.constant 48 : index
      %get3A_1232 = tpu.vector_load %arg12[%get3A_1230, %get3A_1231] {strides = array<i32>} : memref<512x64xf32, #tpu.memory_space<vmem>>, vector<16xf32>,
      %add3A_1233 = arith.addf %get3A_1229, %get3A_1232 : vector<16xf32>
      %get3A_1234 = arith.index_cast %add3A_1185 : i32 to index
      %get3A_1235 = arith.constant 48 : index
      %get3A_1236 = tpu.vector_load %arg13[%get3A_1234, %get3A_1235] {strides = array<i32>} : memref<512x64xf32, #tpu.memory_space<vmem>>, vector<16xf32>,
      %sub3A_1237 = arith.subf %add3A_1233, %get3A_1236 : vector<16xf32>
      %abs3A_1238 = math.absf %sub3A_1237 : vector<16xf32>
      %add3A_1239 = arith.addf %add3A_1226, %abs3A_1238 : vector<16xf32>
      %reduce_sum3A_1240 = arith.constant true
      %reduce_sum3A_1241 = vector.broadcast %reduce_sum3A_1240 : i1 to vector<16xi1>
      %reduce_sum3A_1242 = tpu.scan <sum>, %add3A_1239 masked %reduce_sum3A_1241 : vector<16xf32>, vector<16xi1> -> vector<16xf32>
      %reduce_sum3A_1243 = vector.extract %reduce_sum3A_1242[15] : f32 from vector<16xf32>
      %eq3A_1244 = arith.constant 14 : i32
      %eq3A_1245 = vector.broadcast %eq3A_1244 : i32 to vector<16xi32>
      %eq3A_1246 = arith.cmpi eq, %iota3A, %eq3A_1245 : vector<16xi32>
      %broadcast_in_dim3A_1247 = vector.broadcast %reduce_sum3A_1243 : f32 to vector<16xf32>
      %select_n3A_1248 = arith.select %eq3A_1246, %broadcast_in_dim3A_1247, %select_n3A_1181 : vector<16xi1>, vector<16xf32>
      %mul3A_1249 = arith.constant 16 : i32
      %mul3A_1250 = arith.muli %scan3A_247, %mul3A_1249 : i32
      %add3A_1251 = arith.constant 15 : i32
      %add3A_1252 = arith.addi %mul3A_1250, %add3A_1251 : i32
      %broadcast_in_dim3A_1253 = arith.constant 0.000000e+00 : f32
      %broadcast_in_dim3A_1254 = vector.broadcast %broadcast_in_dim3A_1253 : f32 to vector<16xf32>
      %get3A_1255 = arith.index_cast %add3A_1252 : i32 to index
      %get3A_1256 = arith.constant 0 : index
      %get3A_1257 = tpu.vector_load %arg11[%get3A_1255, %get3A_1256] {strides = array<i32>} : memref<512x64xf32, #tpu.memory_space<vmem>>, vector<16xf32>,
      %get3A_1258 = arith.index_cast %add3A_1252 : i32 to index
      %get3A_1259 = arith.constant 0 : index
      %get3A_1260 = tpu.vector_load %arg12[%get3A_1258, %get3A_1259] {strides = array<i32>} : memref<512x64xf32, #tpu.memory_space<vmem>>, vector<16xf32>,
      %add3A_1261 = arith.addf %get3A_1257, %get3A_1260 : vector<16xf32>
      %get3A_1262 = arith.index_cast %add3A_1252 : i32 to index
      %get3A_1263 = arith.constant 0 : index
      %get3A_1264 = tpu.vector_load %arg13[%get3A_1262, %get3A_1263] {strides = array<i32>} : memref<512x64xf32, #tpu.memory_space<vmem>>, vector<16xf32>,
      %sub3A_1265 = arith.subf %add3A_1261, %get3A_1264 : vector<16xf32>
      %abs3A_1266 = math.absf %sub3A_1265 : vector<16xf32>
      %add3A_1267 = arith.addf %broadcast_in_dim3A_1254, %abs3A_1266 : vector<16xf32>
      %get3A_1268 = arith.index_cast %add3A_1252 : i32 to index
      %get3A_1269 = arith.constant 16 : index
      %get3A_1270 = tpu.vector_load %arg11[%get3A_1268, %get3A_1269] {strides = array<i32>} : memref<512x64xf32, #tpu.memory_space<vmem>>, vector<16xf32>,
      %get3A_1271 = arith.index_cast %add3A_1252 : i32 to index
      %get3A_1272 = arith.constant 16 : index
      %get3A_1273 = tpu.vector_load %arg12[%get3A_1271, %get3A_1272] {strides = array<i32>} : memref<512x64xf32, #tpu.memory_space<vmem>>, vector<16xf32>,
      %add3A_1274 = arith.addf %get3A_1270, %get3A_1273 : vector<16xf32>
      %get3A_1275 = arith.index_cast %add3A_1252 : i32 to index
      %get3A_1276 = arith.constant 16 : index
      %get3A_1277 = tpu.vector_load %arg13[%get3A_1275, %get3A_1276] {strides = array<i32>} : memref<512x64xf32, #tpu.memory_space<vmem>>, vector<16xf32>,
      %sub3A_1278 = arith.subf %add3A_1274, %get3A_1277 : vector<16xf32>
      %abs3A_1279 = math.absf %sub3A_1278 : vector<16xf32>
      %add3A_1280 = arith.addf %add3A_1267, %abs3A_1279 : vector<16xf32>
      %get3A_1281 = arith.index_cast %add3A_1252 : i32 to index
      %get3A_1282 = arith.constant 32 : index
      %get3A_1283 = tpu.vector_load %arg11[%get3A_1281, %get3A_1282] {strides = array<i32>} : memref<512x64xf32, #tpu.memory_space<vmem>>, vector<16xf32>,
      %get3A_1284 = arith.index_cast %add3A_1252 : i32 to index
      %get3A_1285 = arith.constant 32 : index
      %get3A_1286 = tpu.vector_load %arg12[%get3A_1284, %get3A_1285] {strides = array<i32>} : memref<512x64xf32, #tpu.memory_space<vmem>>, vector<16xf32>,
      %add3A_1287 = arith.addf %get3A_1283, %get3A_1286 : vector<16xf32>
      %get3A_1288 = arith.index_cast %add3A_1252 : i32 to index
      %get3A_1289 = arith.constant 32 : index
      %get3A_1290 = tpu.vector_load %arg13[%get3A_1288, %get3A_1289] {strides = array<i32>} : memref<512x64xf32, #tpu.memory_space<vmem>>, vector<16xf32>,
      %sub3A_1291 = arith.subf %add3A_1287, %get3A_1290 : vector<16xf32>
      %abs3A_1292 = math.absf %sub3A_1291 : vector<16xf32>
      %add3A_1293 = arith.addf %add3A_1280, %abs3A_1292 : vector<16xf32>
      %get3A_1294 = arith.index_cast %add3A_1252 : i32 to index
      %get3A_1295 = arith.constant 48 : index
      %get3A_1296 = tpu.vector_load %arg11[%get3A_1294, %get3A_1295] {strides = array<i32>} : memref<512x64xf32, #tpu.memory_space<vmem>>, vector<16xf32>,
      %get3A_1297 = arith.index_cast %add3A_1252 : i32 to index
      %get3A_1298 = arith.constant 48 : index
      %get3A_1299 = tpu.vector_load %arg12[%get3A_1297, %get3A_1298] {strides = array<i32>} : memref<512x64xf32, #tpu.memory_space<vmem>>, vector<16xf32>,
      %add3A_1300 = arith.addf %get3A_1296, %get3A_1299 : vector<16xf32>
      %get3A_1301 = arith.index_cast %add3A_1252 : i32 to index
      %get3A_1302 = arith.constant 48 : index
      %get3A_1303 = tpu.vector_load %arg13[%get3A_1301, %get3A_1302] {strides = array<i32>} : memref<512x64xf32, #tpu.memory_space<vmem>>, vector<16xf32>,
      %sub3A_1304 = arith.subf %add3A_1300, %get3A_1303 : vector<16xf32>
      %abs3A_1305 = math.absf %sub3A_1304 : vector<16xf32>
      %add3A_1306 = arith.addf %add3A_1293, %abs3A_1305 : vector<16xf32>
      %reduce_sum3A_1307 = arith.constant true
      %reduce_sum3A_1308 = vector.broadcast %reduce_sum3A_1307 : i1 to vector<16xi1>
      %reduce_sum3A_1309 = tpu.scan <sum>, %add3A_1306 masked %reduce_sum3A_1308 : vector<16xf32>, vector<16xi1> -> vector<16xf32>
      %reduce_sum3A_1310 = vector.extract %reduce_sum3A_1309[15] : f32 from vector<16xf32>
      %eq3A_1311 = arith.constant 15 : i32
      %eq3A_1312 = vector.broadcast %eq3A_1311 : i32 to vector<16xi32>
      %eq3A_1313 = arith.cmpi eq, %iota3A, %eq3A_1312 : vector<16xi32>
      %broadcast_in_dim3A_1314 = vector.broadcast %reduce_sum3A_1310 : f32 to vector<16xf32>
      %select_n3A_1315 = arith.select %eq3A_1313, %broadcast_in_dim3A_1314, %select_n3A_1248 : vector<16xi1>, vector<16xf32>
      %sub3A_1316 = arith.constant 1.200000e+01 : f32
      %sub3A_1317 = vector.broadcast %sub3A_1316 : f32 to vector<16xf32>
      %sub3A_1318 = arith.subf %sub3A_1317, %select_n3A_1315 : vector<16xf32>
      %mul3A_1319 = arith.constant 16 : i32
      %mul3A_1320 = arith.muli %scan3A_247, %mul3A_1319 : i32
      %swap3A = arith.index_cast %mul3A_1320 : i32 to index
      %swap3A_1321 = tpu.vector_load %arg14[%swap3A] {strides = array<i32>} : memref<512xf32, #tpu.memory_space<vmem>>, vector<16xf32>,
      tpu.vector_store %arg14[%swap3A], %sub3A_1318 {strides = array<i32>} : memref<512xf32, #tpu.memory_space<vmem>>, vector<16xf32>,
      %scan3A_1322 = arith.constant 0 : i32
      scf.yield %scan3A_1322 : i32
    }
    %scan3A_246 = arith.constant 32 : i32
    "tpu.region"() ({
      %run_scoped3A = tpu.sem_alloc : memref<!tpu.dma_semaphore, #tpu.memory_space<semaphore_mem>>
      %dma_start3A_247 = tpu.memref_slice %arg7[%mul3A_2] : memref<16384xf32, #tpu.memory_space<hbm>> -> memref<512xf32, #tpu.memory_space<hbm>>
      %dma_start3A_248 = tpu.memref_slice %arg7[%mul3A_2] : memref<16384xf32, #tpu.memory_space<hbm>> -> memref<512xf32, #tpu.memory_space<hbm>>
      tpu.enqueue_dma source(%arg14 : memref<512xf32, #tpu.memory_space<vmem>>) target(%dma_start3A_248 : memref<512xf32, #tpu.memory_space<hbm>>) target_semaphore(%run_scoped3A : memref<!tpu.dma_semaphore, #tpu.memory_space<semaphore_mem>>)
      %dma_wait3A_249 = tpu.memref_slice %arg7[%mul3A_2] : memref<16384xf32, #tpu.memory_space<hbm>> -> memref<512xf32, #tpu.memory_space<hbm>>
      %dma_wait3A_250 = tpu.memref_slice %arg7[%mul3A_2] : memref<16384xf32, #tpu.memory_space<hbm>> -> memref<512xf32, #tpu.memory_space<hbm>>
      tpu.wait_dma2 semaphore(%run_scoped3A : memref<!tpu.dma_semaphore, #tpu.memory_space<semaphore_mem>>) src(%arg14 : memref<512xf32, #tpu.memory_space<vmem>>) dst(%dma_wait3A_250 : memref<512xf32, #tpu.memory_space<hbm>>)
      tpu.yield
    }) : () -> ()
    return
  }
}

</mosaic_0001>

<sc_bundles>
// kernel: kernel.3.cloned.1.call-start
scs
__scs_entry_jumppad:
0x0: {  	(pc) =	sbr.rel $0x88, $3  }
0x1: {  	(tag) =	ssettag $0x0;
	lr =	simm.s32 $0x1  }
0x2: {  	[smem:$0x3F9E] =	sst lr;
	_ =	strace $0xD0000000  }
0x3: {  	_ = 	snop  }
0x4: {  	_ = 	snop  }
0x5: {  	_ = 	snop  }
0x6: {  	_ = 	snop  }
0x7: {  	_ = 	snop  }
__scs_overlays_trampoline_lowered:
0x8: {  	[smem:$0x3FAD] =	sst s0  }
0x9: {  	[smem:$0x3FAE] =	sst s1  }
0xa: {  	[smem:$0x3FAF] =	sst s2  }
0xb: {  	[smem:$0x3FB0] =	sst s3  }
0xc: {  	[smem:$0x3FB1] =	sst s4  }
0xd: {  	[smem:$0x3FB2] =	sst s5  }
0xe: {  	[smem:$0x3FB3] =	sst s6  }
0xf: {  	[smem:$0x3FB4] =	sst s7  }
0x10: {  	[smem:$0x3FB5] =	sst s8  }
0x11: {  	[smem:$0x3FB6] =	sst s9;
	s0 =	simm.s32 @!p0 $0x0  }
0x12: {  	s1 =	sld [smem:$0x3F9C];
	s0 =	simm.s32 @p0 $0x1  }
0x13: {  	[smem:$0x3FB7] =	sst s0;
	s0 =	simm.s32 @!p1 $0x0  }
0x14: {  	s2 =	sld [smem:$0x3F9B];
	s0 =	simm.s32 @p1 $0x1  }
0x15: {  	[smem:$0x3FB8] =	sst s0;
	s0 =	simm.s32 @!p2 $0x0  }
0x16: {  	s3 =	sld [smem:$0x3FDB];
	s0 =	simm.s32 @p2 $0x1  }
0x17: {  	s4 =	simm.s32 $0x1BF5;
	[smem:$0x3FBA] =	sst s0  }
0x18: {  	s0 =	sld [smem:$0x3F9D];
	_ =	swait.ge [sflag:s4], $0x0  }
0x19: {  	s7 =	sld [smem:$0x3F9E]  }
0x1a: {  	s8 =	sadd.s32 $0xFFFFE003, lr  }
0x1b: {  	s9 =	sadd.s32 $0xFFFFFEF7, lr;
	s5 =	simm.s32 $0xFFFFFFFF;
	p2 =	slt.u32 s8, $0xFFFFF086  }
0x1c: {  	p1 =	slt.u32 s9, $0xF7A;
	s5 =	simm.s32 @!p2 $0x0  }
0x1d: {  	s5 =	simm.s32 @p1 $0x1;
	p0 =	seq.s32 s7, s2  }
0x1e: {  	s7 =	smul.u32 @!p0 $0xF7A, s2;
	p2 =	seq.s32 @!p0 s5, $0x0  }
0x1f: {  	s9 =	smul.u32 $0xF7A, s1;
	s8 =	simm.s32 @!p0 $0x1BF5;
	p2 =	por !p2, p0  }
0x20: {  	[sflag:s8] =	ssyncset.s32 @!p0 $0xFFFFF086;
	s6 =	sadd.s32 @!p0 s3, s7;
	s7 =	simm.s32 @!p0 $0x108  }
0x21: {  	s3 =	sadd.s32 s3, s9;
	s6 =	sadd.s32 @!p0 $0x88, s6;
	s7 =	simm.s32 @p2 $0x1082  }
0x22: {  	[simem:s7], [sflag:s8] =	dma.local @!p0 [hbm:s6], $0xF7A  }
0x23: {  	s9 =	sor.u32 $0xD0000000, s2;
	s6 =	simm.s32 $0x108;
	_ =	swait.ge @!p0 [sflag:s8], $0x0  }
0x24: {  	s3 =	sadd.s32 $0x88, s3;
	s6 =	simm.s32 @!p1 $0x1082;
	[sflag:s4] =	ssyncset.s32 $0xFFFFF086  }
0x25: {  	[simem:s6], [sflag:s4] =	dma.local [hbm:s3], $0xF7A  }
0x26: {  	[smem:$0x3F9E] =	sst s1;
	(tag) =	ssettag s2;
	_ =	strace s9  }
0x27: {  	s1 =	sld [smem:$0x3FAE]  }
0x28: {  	s2 =	sld [smem:$0x3FAF]  }
0x29: {  	s4 =	sld [smem:$0x3FB1]  }
0x2a: {  	p0 =	seq.s32 s5, $0x0;
	s5 =	sld [smem:$0x3FB2]  }
0x2b: {  	s6 =	sld [smem:$0x3FB3]  }
0x2c: {  	s7 =	sld [smem:$0x3FB4]  }
0x2d: {  	s3 =	simm.s32 $0x108;
	s8 =	sld [smem:$0x3FB5]  }
0x2e: {  	s3 =	simm.s32 @!p0 $0x1082;
	s9 =	sld [smem:$0x3FB6]  }
0x2f: {  	lr =	sadd.s32 s0, s3;
	s0 =	sld [smem:$0x3FAD]  }
0x30: {  	s3 =	sld [smem:$0x3FB0]  }
0x31: {  	[smem:$0x3FB9] =	sst s10  }
0x32: {  	s10 =	sld [smem:$0x3FB7];
	_ =	sdelay $0x3  }
0x33: {  	p0 =	seq.s32 s10, $0x1;
	s10 =	sld [smem:$0x3FB9];
	_ =	sdelay $0x3  }
0x34: {  	[smem:$0x3FB9] =	sst s10  }
0x35: {  	s10 =	sld [smem:$0x3FB8];
	_ =	sdelay $0x3  }
0x36: {  	p1 =	seq.s32 s10, $0x1;
	s10 =	sld [smem:$0x3FB9];
	_ =	sdelay $0x3  }
0x37: {  	[smem:$0x3FB9] =	sst s10  }
0x38: {  	s10 =	sld [smem:$0x3FBA]  }
0x39: {  	_ = 	snop;
	(pc) =	sbr.ind lr, $3  }
0x3a: {  	_ = 	snop  }
0x3b: {  	_ = 	snop  }
0x3c: {  	p2 =	seq.s32 s10, $0x1;
	s10 =	sld [smem:$0x3FB9]  }
0x3d: {  	_ =	shalt  }
0x3e: {  	_ =	shalt  }
0x3f: {  	_ =	shalt  }
0x40: {  	_ =	shalt  }
0x41: {  	_ =	shalt  }
0x42: {  	_ =	shalt  }
0x43: {  	_ =	shalt  }
0x44: {  	_ =	shalt  }
0x45: {  	_ =	shalt  }
0x46: {  	_ =	shalt  }
0x47: {  	_ =	shalt  }
0x48: {  	_ =	shalt  }
0x49: {  	_ =	shalt  }
0x4a: {  	_ =	shalt  }
0x4b: {  	_ =	shalt  }
0x4c: {  	_ =	shalt  }
0x4d: {  	_ =	shalt  }
0x4e: {  	_ =	shalt  }
0x4f: {  	_ =	shalt  }
0x50: {  	_ =	shalt  }
0x51: {  	_ =	shalt  }
0x52: {  	_ =	shalt  }
0x53: {  	_ =	shalt  }
0x54: {  	_ =	shalt  }
0x55: {  	_ =	shalt  }
0x56: {  	_ =	shalt  }
0x57: {  	_ =	shalt  }
0x58: {  	_ =	shalt  }
0x59: {  	_ =	shalt  }
0x5a: {  	_ =	shalt  }
0x5b: {  	_ =	shalt  }
0x5c: {  	_ =	shalt  }
0x5d: {  	_ =	shalt  }
0x5e: {  	_ =	shalt  }
0x5f: {  	_ =	shalt  }
0x60: {  	_ =	shalt  }
0x61: {  	_ =	shalt  }
0x62: {  	_ =	shalt  }
0x63: {  	_ =	shalt  }
0x64: {  	_ =	shalt  }
0x65: {  	_ =	shalt  }
0x66: {  	_ =	shalt  }
0x67: {  	_ =	shalt  }
0x68: {  	_ =	shalt  }
0x69: {  	_ =	shalt  }
0x6a: {  	_ =	shalt  }
0x6b: {  	_ =	shalt  }
0x6c: {  	_ =	shalt  }
0x6d: {  	_ =	shalt  }
0x6e: {  	_ =	shalt  }
0x6f: {  	_ =	shalt  }
0x70: {  	_ =	shalt  }
0x71: {  	_ =	shalt  }
0x72: {  	_ =	shalt  }
0x73: {  	_ =	shalt  }
0x74: {  	_ =	shalt  }
0x75: {  	_ =	shalt  }
0x76: {  	_ =	shalt  }
0x77: {  	_ =	shalt  }
0x78: {  	_ =	shalt  }
0x79: {  	_ =	shalt  }
0x7a: {  	_ =	shalt  }
0x7b: {  	_ =	shalt  }
0x7c: {  	_ =	shalt  }
0x7d: {  	_ =	shalt  }
0x7e: {  	_ =	shalt  }
0x7f: {  	_ =	shalt  }
0x80: {  	_ =	shalt  }
0x81: {  	_ =	shalt  }
0x82: {  	_ =	shalt  }
0x83: {  	_ =	shalt  }
0x84: {  	_ =	shalt  }
0x85: {  	_ =	shalt  }
0x86: {  	_ =	shalt  }
0x87: {  	_ =	shalt  }
.Lfunc_end0:
.L_simem_size_0:
called_computation_lowered:
.L_overlay_start_0:
0x88: {  	s2 =	sld [smem:$0x3FD9]  }
0x89: {  	s3 =	sld [smem:$0x3FFE];
	_ =	sdelay $0x1  }
0x8a: {  	s1 =	srdreg.scid  }
0x8b: {  	s0 =	sand.u32 $0x1, s1  }
0x8c: {  	s17 =	sshll.u32 s0, $0xA;
	s2 =	sadd.s32 s3, s2  }
0x8d: {  	s2 =	sadd.s32 s2, s17  }
0x8e: {  	[smem:$0x3FC5] =	sst s2  }
0x8f: {  	_ = 	snop  }
0x90: {  	s2 =	sld [smem:$0x3FD0];
	(tm) =	ssettm $0x1  }
0x91: {  	s18 =	sld [smem:$0x3FFB];
	_ =	sdelay $0x3  }
0x92: {  	_ =	strace s18  }
0x93: {  	s3 =	sld [smem:$0x3FFC];
	_ =	sdelay $0x3  }
0x94: {  	_ =	strace s3  }
0x95: {  	s3 =	sld [smem:$0x3FFD];
	_ =	sdelay $0x3  }
0x96: {  	_ =	strace s3  }
0x97: {  	_ =	strace $0x8FFFFFFF  }
0x98: {  	s19 =	sld [smem:$0x3FDB];
	_ =	sdelay $0x1  }
0x99: {  	s4 =	simm.s32 $_scs_section_size  }
0x9a: {  	s5 =	simm.s32 $_size__tile_overlayer_lowered;
	s6 =	simm.s32 $_tile_overlayer_lowered  }
0x9b: {  	s22 =	simm.s32 $0x1BFF;
	s21 =	sshll.u32 s6, $0x1;
	s3 =	sadd.s32 s4, s19  }
0x9c: {  	s7 =	simm.s32 $0x0;
	s20 =	sshll.u32 s5, $0x1;
	s5 =	sadd.s32 s21, s3  }
0x9d: {  	[timem:s7], [sflag:s22] =	dma.local [hbm:s5], s20  }
0x9e: {  	_ =	swait.ge [sflag:s22], s20  }
0x9f: {  	s4 =	ssub.s32 $0x0, s20;
	[sflag:s22] =	ssyncset.done $0x0  }
0xa0: {  	[sflag:s22] =	ssyncadd.s32 s4;
	_ =	sdelay $0x1  }
0xa1: {  	s23 =	simm.s32 $0x1B8B  }
0xa2: {  	_ =	swait.ge [sflag:s23], $0x1  }
0xa3: {  	[sflag:s23] =	ssyncset.done $0x0  }
0xa4: {  	s25 =	simm.s32 $0x1B8E;
	s24 =	sld [smem:$0x3FFE];
	[sflag:s23] =	ssyncadd.s32 $0xFFFFFFFF  }
0xa5: {  	s26 =	simm.s32 $execute0_lowered;
	[smem:$0x3FD2] =	sst s25  }
0xa6: {  	s5 =	sshll.u32 s26, $0x1;
	_ =	strace $0x80000046;
	[dreg:$0x1] =	wrdreg $0xFFFFFFFF  }
0xa7: {  	s28 =	simm.s32 $_size_execute0_lowered;
	s3 =	sadd.s32 s3, s5;
	[dreg:$0x0] =	wrdreg $0x0  }
0xa8: {  	s5 =	sshll.u32 s28, $0x1;
	[dreg:$0x2] =	wrdreg s3  }
0xa9: {  	[dreg:$0x3] =	wrdreg s5  }
0xaa: {  	[dreg:$0x4] =	wrdreg $0xC0  }
0xab: {  	_ =	task [dreg:s7], $0x5FFFF  }
0xac: {  	[dreg:$0x1] =	wrdreg $0xFFFFFFFF  }
0xad: {  	[dreg:$0x0] =	wrdreg $0x60  }
0xae: {  	[dreg:$0x2] =	wrdreg s24  }
0xaf: {  	[dreg:$0x3] =	wrdreg s2  }
0xb0: {  	[dreg:$0x4] =	wrdreg $0x9  }
0xb1: {  	_ =	task.clear_ibuf [dreg:s7], $0x5FFFF;
	_ =	strace $0x90000046  }
0xb2: {  	s29 =	simm.s32 $0x9;
	_ =	strace $0x80000048  }
0xb3: {  	_ =	swait.ge [sflag:s29], $0x1  }
0xb4: {  	[sflag:s29] =	ssyncadd.s32 $0xFFFFFFFF  }
0xb5: {  	_ =	strace $0x90000048  }
0xb6: {  	_ =	sfence  }
0xb7: {  	s30 =	sld [smem:$0x0];
	_ =	sdelay $0x2  }
0xb8: {  	s31 =	sshll.u32 s1, $0xD;
	s1 =	sshrl.u32 s1, $0x2  }
0xb9: {  	s3 =	sand.u32 $0x4000, s31;
	s1 =	sadd.s32 s1, s30  }
0xba: {  	s0 =	sor.u32 s3, s0;
	s1 =	sshll.u32 s1, $0x11  }
0xbb: {  	s0 =	sor.u32 s1, s0  }
0xbc: {  	s0 =	sadd.s32 $0x8F2B, s0  }
0xbd: {  	[sflag:s0] =	ssyncadd.remote.s32 $0x1  }
0xbe: {  	_ =	sfence.sel $0xFFFF  }
0xbf: {  	[dreg:$0x0] =	wrdreg $0xFFFFFFFF;
	(pc) =	sbr.abs _section_cstart, $3  }
0xc0: {  	[dreg:$0x1] =	wrdreg $0xFFFFFFFF  }
0xc1: {  	_ =	task.clear_ibuf [dreg:s7], $0x2FFFF;
	_ =	strace $0x9FFFFFFF  }
0xc2: {  	(tm) =	ssettm $0x7FFFFFFF  }
0xc3: {  	_ =	shalt  }
tec
execute0_lowered:
.L_overlay_start_1:
0x0: {  	(tag) =	ssettag $0x1  }
0x1: {  	s0 =	rddreg [dreg:$0x0]  }
0x2: {  	s1 =	rddreg [dreg:$0x1];
	s2 =	srdreg.scid  }
0x3: {  	s4 =	stileid.u32;
	s10 =	simm.s32 $0x2;
	s11 =	simm.s32 $0x200  }
0x4: {  	s12 =	simm.s32 $0x400;
	s13 =	simm.s32 $0x80;
	s21 =	simm.s32 $0x12600  }
0x5: {  	s22 =	simm.s32 $0x100;
	s23 =	simm.s32 $0x4600;
	s24 =	simm.s32 $0x300  }
0x6: {  	s28 =	simm.s32 $0x14600;
	s29 =	simm.s32 $0x180;
	s30 =	simm.s32 $0x6600  }
0x7: {  	s31 =	simm.s32 $0x380;
	s14 =	simm.s32 $0x16600;
	s15 =	simm.s32 $0x1  }
0x8: {  	s16 =	simm.s32 $0x18600;
	s17 =	simm.s32 $0x0;
	s3 =	sand.u32 $0x1, s2  }
0x9: {  	s2 =	simm.s32 $0x0;
	s4 =	sshll.u32 s4, $0x7;
	s5 =	sshll.u32 s3, $0x6  }
0xa: {  	[smem:$0x7FF] =	sst s2;
	s25 =	ssub.s32 $0x2, s3;
	s3 =	sadd.s32 $0x18A400, s0  }
0xb: {  	vm0 =	vmmov $0x1;
	vm1 =	vmmov $0x3;
	vm2 =	vmmov $0x7;
	s8 =	sor.u32 s5, s4;
	_ =	strace $0x80000047;
	s26 =	sshrl.u32 s25, $0x1  }
0xc: {  	vm3 =	vmmov $0xf;
	vm4 =	vmmov $0x1f;
	vm5 =	vmmov $0x3f;
	s4 =	sadd.s32 $0x24DA00, s0;
	s7 =	sadd.s32 s8, s0;
	s0 =	ssub.s32 s25, s26  }
0xd: {  	vm6 =	vmmov $0x7f;
	vm7 =	vmmov $0xff;
	vm8 =	vmmov $0x1ff;
	s8 =	sadd.s32 s1, s8;
	s25 =	simm.s32 $0xC600;
	s26 =	simm.s32 $0x500  }
0xe: {  	vm9 =	vmmov $0x3ff;
	vm10 =	vmmov $0x7ff;
	vm11 =	vmmov $0xfff;
	s1 =	simm.s32 $0x580;
	s5 =	sadd.s32 $0x3200, s7;
	s6 =	sadd.s32 $0x2A00, s7  }
0xf: {  	vm12 =	vmmov $0x1fff;
	vm13 =	vmmov $0x3fff;
	vm14 =	vmmov $0x7fff;
	s7 =	sadd.s32 $0x2200, s7;
	s9 =	smax.u32 s0, $0x1;
	s0 =	simm.s32 $0xE600  }
.LBB2_1:
0x10: {  	[tilespmem:s2], [sflag:$0x2] =	stream.linear.gather [hbm4b:s5+s2], $0x200, $0x38;
	[tilespmem:$0x18800] =	vst v63  }
0x11: {  	_ =	swait.ge [sflag:s10], $0x200  }
0x12: {  	[sflag:s10] =	ssyncset.done $0x0  }
0x13: {  	[sflag:s10] =	ssyncadd.s32 $0xFFFFFE00  }
0x14: {  	[tilespmem:s11], [sflag:$0x2] =	stream.linear.gather [hbm4b:s6+s2], $0x200, $0x38;
	[tilespmem:$0x18800] =	vst v63  }
0x15: {  	_ =	swait.ge [sflag:s10], $0x200  }
0x16: {  	[sflag:s10] =	ssyncset.done $0x0  }
0x17: {  	[sflag:s10] =	ssyncadd.s32 $0xFFFFFE00  }
0x18: {  	[tilespmem:s12], [sflag:$0x2] =	stream.linear.gather [hbm4b:s7+s2], $0x200, $0x38;
	[tilespmem:$0x18800] =	vst v63  }
0x19: {  	_ =	swait.ge [sflag:s10], $0x200  }
0x1a: {  	[sflag:s10] =	ssyncset.done $0x0  }
0x1b: {  	s18 =	simm.s32 $0x600;
	[sflag:s10] =	ssyncadd.s32 $0xFFFFFE00  }
0x1c: {  	[tilespmem:s18], [sflag:$0x1] =	stream.indirect.gather [hbm4b:s3+s13], $0x40, s2, s13, $0xb8;
	[tilespmem:$0x18800] =	vst v63  }
0x1d: {  	s19 =	simm.s32 $0x8600  }
0x1e: {  	[tilespmem:s19], [sflag:$0x1] =	stream.indirect.gather [hbm4b:s4+s13], $0x40, s11, s13, $0xb8;
	[tilespmem:$0x18800] =	vst v63  }
0x1f: {  	s20 =	simm.s32 $0x10600  }
0x20: {  	[tilespmem:s20], [sflag:$0x1] =	stream.indirect.gather [hbm4b:s3+s13], $0x40, s12, s13, $0xb8;
	[tilespmem:$0x18800] =	vst v63  }
0x21: {  	s19 =	simm.s32 $0x2600  }
0x22: {  	[tilespmem:s19], [sflag:$0x1] =	stream.indirect.gather [hbm4b:s3+s13], $0x40, s13, s13, $0xb8;
	[tilespmem:$0x18800] =	vst v63  }
0x23: {  	s20 =	simm.s32 $0x280;
	s19 =	simm.s32 $0xA600  }
0x24: {  	[tilespmem:s19], [sflag:$0x1] =	stream.indirect.gather [hbm4b:s4+s13], $0x40, s20, s13, $0xb8;
	[tilespmem:$0x18800] =	vst v63  }
0x25: {  	s19 =	simm.s32 $0x480  }
0x26: {  	[tilespmem:s21], [sflag:$0x1] =	stream.indirect.gather [hbm4b:s3+s13], $0x40, s19, s13, $0xb8;
	[tilespmem:$0x18800] =	vst v63  }
0x27: {  	_ = 	snop  }
0x28: {  	[tilespmem:s23], [sflag:$0x1] =	stream.indirect.gather [hbm4b:s3+s13], $0x40, s22, s13, $0xb8;
	[tilespmem:$0x18800] =	vst v63  }
0x29: {  	_ = 	snop  }
0x2a: {  	[tilespmem:s25], [sflag:$0x1] =	stream.indirect.gather [hbm4b:s4+s13], $0x40, s24, s13, $0xb8;
	[tilespmem:$0x18800] =	vst v63  }
0x2b: {  	_ = 	snop  }
0x2c: {  	[tilespmem:s28], [sflag:$0x1] =	stream.indirect.gather [hbm4b:s3+s13], $0x40, s26, s13, $0xb8;
	[tilespmem:$0x18800] =	vst v63  }
0x2d: {  	_ = 	snop  }
0x2e: {  	[tilespmem:s30], [sflag:$0x1] =	stream.indirect.gather [hbm4b:s3+s13], $0x40, s29, s13, $0xb8;
	[tilespmem:$0x18800] =	vst v63  }
0x2f: {  	_ = 	snop  }
0x30: {  	[tilespmem:s0], [sflag:$0x1] =	stream.indirect.gather [hbm4b:s4+s13], $0x40, s31, s13, $0xb8;
	[tilespmem:$0x18800] =	vst v63  }
0x31: {  	_ = 	snop  }
0x32: {  	[tilespmem:s14], [sflag:$0x1] =	stream.indirect.gather [hbm4b:s3+s13], $0x40, s1, s13, $0xb8;
	[tilespmem:$0x18800] =	vst v63  }
0x33: {  	_ =	swait.ge [sflag:s15], $0x2000  }
0x34: {  	[sflag:s15] =	ssyncset.done $0x0  }
0x35: {  	[sflag:s15] =	ssyncadd.s32 $0xFFFFE000  }
0x36: {  	_ =	swait.ge [sflag:s15], $0x2000  }
0x37: {  	[sflag:s15] =	ssyncset.done $0x0  }
0x38: {  	[sflag:s15] =	ssyncadd.s32 $0xFFFFE000  }
0x39: {  	_ =	swait.ge [sflag:s15], $0x2000  }
0x3a: {  	[sflag:s15] =	ssyncset.done $0x0  }
0x3b: {  	[sflag:s15] =	ssyncadd.s32 $0xFFFFE000  }
0x3c: {  	_ =	swait.ge [sflag:s15], $0x2000  }
0x3d: {  	[sflag:s15] =	ssyncset.done $0x0  }
0x3e: {  	[sflag:s15] =	ssyncadd.s32 $0xFFFFE000  }
0x3f: {  	_ =	swait.ge [sflag:s15], $0x2000  }
0x40: {  	[sflag:s15] =	ssyncset.done $0x0  }
0x41: {  	[sflag:s15] =	ssyncadd.s32 $0xFFFFE000  }
0x42: {  	_ =	swait.ge [sflag:s15], $0x2000  }
0x43: {  	[sflag:s15] =	ssyncset.done $0x0  }
0x44: {  	[sflag:s15] =	ssyncadd.s32 $0xFFFFE000  }
0x45: {  	_ =	swait.ge [sflag:s15], $0x2000  }
0x46: {  	[sflag:s15] =	ssyncset.done $0x0  }
0x47: {  	[sflag:s15] =	ssyncadd.s32 $0xFFFFE000  }
0x48: {  	_ =	swait.ge [sflag:s15], $0x2000  }
0x49: {  	[sflag:s15] =	ssyncset.done $0x0  }
0x4a: {  	[sflag:s15] =	ssyncadd.s32 $0xFFFFE000  }
0x4b: {  	_ =	swait.ge [sflag:s15], $0x2000  }
0x4c: {  	[sflag:s15] =	ssyncset.done $0x0  }
0x4d: {  	[sflag:s15] =	ssyncadd.s32 $0xFFFFE000  }
0x4e: {  	_ =	swait.ge [sflag:s15], $0x2000  }
0x4f: {  	[sflag:s15] =	ssyncset.done $0x0  }
0x50: {  	[sflag:s15] =	ssyncadd.s32 $0xFFFFE000  }
0x51: {  	_ =	swait.ge [sflag:s15], $0x2000  }
0x52: {  	[sflag:s15] =	ssyncset.done $0x0  }
0x53: {  	[sflag:s15] =	ssyncadd.s32 $0xFFFFE000  }
0x54: {  	_ =	swait.ge [sflag:s15], $0x2000  }
0x55: {  	[sflag:s15] =	ssyncset.done $0x0  }
0x56: {  	s20 =	simm.s32 $0x0;
	[sflag:s15] =	ssyncadd.s32 $0xFFFFE000  }
0x57: {  	v39 =	vld [tilespmem:s20+$0x109F0]  }
0x58: {  	v0 =	vld [tilespmem:s20+$0x9F0]  }
0x59: {  	v45 =	vld [tilespmem:s20+$0x89F0]  }
0x5a: {  	v46 =	vld [tilespmem:s20+$0x109B0]  }
0x5b: {  	v59 =	vld [tilespmem:s20+$0x109C0]  }
0x5c: {  	v17 =	vld [tilespmem:s20+$0x9E0]  }
0x5d: {  	v16 =	vld [tilespmem:s20+$0x89E0]  }
0x5e: {  	v48 =	vld [tilespmem:s20+$0x109A0]  }
0x5f: {  	v23 =	vld [tilespmem:s20+$0x9B0]  }
0x60: {  	v20 =	vld [tilespmem:s20+$0x89B0]  }
0x61: {  	v31 =	vld [tilespmem:s20+$0x9C0]  }
0x62: {  	v36 =	vld [tilespmem:s20+$0x89C0]  }
0x63: {  	v51 =	vld [tilespmem:s20+$0x9D0]  }
0x64: {  	v56 =	vld [tilespmem:s20+$0x89D0]  }
0x65: {  	v63 =	vld [tilespmem:s20+$0x10930]  }
0x66: {  	v58 =	vld [tilespmem:s20+$0x10960]  }
0x67: {  	v55 =	vld [tilespmem:s20+$0x970]  }
0x68: {  	v54 =	vld [tilespmem:s20+$0x8970]  }
0x69: {  	v12 =	vld [tilespmem:s20+$0x10980]  }
0x6a: {  	v13 =	vld [tilespmem:s20+$0x10990]  }
0x6b: {  	v15 =	vld [tilespmem:s20+$0x9A0]  }
0x6c: {  	v14 =	vld [tilespmem:s20+$0x89A0]  }
0x6d: {  	v1 =	vld [tilespmem:s20+$0x108F0]  }
0x6e: {  	v22 =	vld [tilespmem:s20+$0x930]  }
0x6f: {  	v19 =	vld [tilespmem:s20+$0x8930]  }
0x70: {  	v21 =	vld [tilespmem:s20+$0x960]  }
0x71: {  	v18 =	vld [tilespmem:s20+$0x8960]  }
0x72: {  	v3 =	vld [tilespmem:s20+$0x980]  }
0x73: {  	v29 =	vld [tilespmem:s20+$0x10820]  }
0x74: {  	v2 =	vld [tilespmem:s20+$0x8980]  }
0x75: {  	v27 =	vld [tilespmem:s20+$0x8990]  }
0x76: {  	v4 =	vld [tilespmem:s20+$0x108E0]  }
0x77: {  	v35 =	vld [tilespmem:s20+$0x8F0]  }
0x78: {  	[tilespmem:$0x1FB90] =	vst v29;
	v29 =	vld [tilespmem:s20+$0x10840]  }
0x79: {  	v28 =	vld [tilespmem:s20+$0x88F0]  }
0x7a: {  	v42 =	vld [tilespmem:s20+$0x10900]  }
0x7b: {  	v47 =	vld [tilespmem:s20+$0x10910]  }
0x7c: {  	v26 =	vld [tilespmem:s20+$0x920]  }
0x7d: {  	[tilespmem:$0x1FAB0] =	vst v29;
	v29 =	vld [tilespmem:s20+$0x10850]  }
0x7e: {  	v24 =	vld [tilespmem:s20+$0x8920]  }
0x7f: {  	v33 =	vld [tilespmem:s20+$0x940]  }
0x80: {  	v25 =	vld [tilespmem:s20+$0x8940]  }
0x81: {  	v50 =	vld [tilespmem:s20+$0x108C0]  }
0x82: {  	[tilespmem:$0x1FAE0] =	vst v29;
	v29 =	vld [tilespmem:s20+$0x860]  }
0x83: {  	v49 =	vld [tilespmem:s20+$0x108D0]  }
0x84: {  	v44 =	vld [tilespmem:s20+$0x8E0]  }
0x85: {  	v43 =	vld [tilespmem:s20+$0x88E0]  }
0x86: {  	[tilespmem:$0x1FA00] =	vst v4;
	v4 =	vld [tilespmem:s20+$0x950]  }
0x87: {  	[tilespmem:$0x1FA90] =	vst v29;
	v29 =	vld [tilespmem:s20+$0x8860]  }
0x88: {  	v5 =	vld [tilespmem:s20+$0x900]  }
0x89: {  	v7 =	vld [tilespmem:s20+$0x910]  }
0x8a: {  	v6 =	vld [tilespmem:s20+$0x8910]  }
0x8b: {  	[tilespmem:$0x1FA10] =	vst v4;
	v4 =	vld [tilespmem:s20+$0x8950]  }
0x8c: {  	[tilespmem:$0x1FAA0] =	vst v29;
	v29 =	vld [tilespmem:s20+$0x880]  }
0x8d: {  	v8 =	vld [tilespmem:s20+$0x10830]  }
0x8e: {  	v61 =	vld [tilespmem:s20+$0x870]  }
0x8f: {  	v57 =	vld [tilespmem:s20+$0x8870]  }
0x90: {  	[tilespmem:$0x1FA20] =	vst v4;
	v4 =	vld [tilespmem:s20+$0x10870]  }
0x91: {  	[tilespmem:$0x1FAC0] =	vst v29;
	v29 =	vld [tilespmem:s20+$0x8880]  }
0x92: {  	v60 =	vld [tilespmem:s20+$0x88A0]  }
0x93: {  	v11 =	vld [tilespmem:s20+$0x8C0]  }
0x94: {  	[tilespmem:$0x1FA80] =	vst v8;
	v8 =	vld [tilespmem:s20+$0x10860]  }
0x95: {  	[tilespmem:$0x1FA60] =	vst v4;
	v4 =	vld [tilespmem:s20+$0x108A0]  }
0x96: {  	[tilespmem:$0x1FAD0] =	vst v29;
	v29 =	vld [tilespmem:s20+$0x890]  }
0x97: {  	v10 =	vld [tilespmem:s20+$0x8D0]  }
0x98: {  	[tilespmem:$0x1F9D0] =	vst v1;
	v1 =	vld [tilespmem:s20+$0x10920]  }
0x99: {  	[tilespmem:$0x1FAF0] =	vst v8;
	v8 =	vld [tilespmem:s20+$0x10880]  }
0x9a: {  	[tilespmem:$0x1FA70] =	vst v4;
	v4 =	vld [tilespmem:s20+$0x8B0]  }
0x9b: {  	[tilespmem:$0x1FB10] =	vst v29;
	v29 =	vld [tilespmem:s20+$0x8890]  }
0x9c: {  	v9 =	vld [tilespmem:s20+$0x88D0]  }
0x9d: {  	[tilespmem:$0x1F9E0] =	vst v1;
	v1 =	vld [tilespmem:s20+$0x10940]  }
0x9e: {  	[tilespmem:$0x1FB00] =	vst v8;
	v8 =	vld [tilespmem:s20+$0x8A0]  }
0x9f: {  	[tilespmem:$0x1FA30] =	vst v4;
	v4 =	vld [tilespmem:s20+$0x88B0]  }
0xa0: {  	[tilespmem:$0x1FB20] =	vst v29;
	v29 =	vld [tilespmem:s20+$0x107B0]  }
0xa1: {  	v53 =	vld [tilespmem:s20+$0x830]  }
0xa2: {  	v52 =	vld [tilespmem:s20+$0x8830];
	[tilespmem:$0x1F9F0] =	vst v1  }
0xa3: {  	v1 =	vld [tilespmem:s20+$0x990];
	[tilespmem:$0x1FA50] =	vst v8  }
0xa4: {  	v8 =	vld [tilespmem:s20+$0x88C0];
	[tilespmem:$0x1FA40] =	vst v4  }
0xa5: {  	v4 =	vld [tilespmem:s20+$0x8900];
	[tilespmem:$0x1FC00] =	vst v29  }
0xa6: {  	v29 =	vld [tilespmem:s20+$0x107E0]  }
0xa7: {  	v32 =	vld [tilespmem:s20+$0x840]  }
0xa8: {  	v34 =	vld [tilespmem:s20+$0x850]  }
0xa9: {  	v0 =	vadd.f32 v45, v0;
	v2 =	vadd.f32 v2, v3;
	v30 =	vld [tilespmem:s20+$0x8850]  }
0xaa: {  	v1 =	vadd.f32 v27, v1;
	v37 =	vld [tilespmem:s20+$0x10770]  }
0xab: {  	v0 =	vsub.f32 v0, v39;
	v12 =	vsub.f32 v2, v12;
	v62 =	vld [tilespmem:s20+$0x107A0]  }
0xac: {  	v1 =	vsub.f32 v1, v13;
	v13 =	vadd.f32 v14, v15;
	v40 =	vld [tilespmem:s20+$0x7B0]  }
0xad: {  	v12 =	vand.u32 $0x7FFFFFFF, v12;
	v41 =	vld [tilespmem:s20+$0x87B0]  }
0xae: {  	v1 =	vand.u32 $0x7FFFFFFF, v1;
	v13 =	vsub.f32 v13, v48;
	[tilespmem:$0x1FCD0] =	vst v0;
	v0 =	vadd.f32 v20, v23;
	v38 =	vld [tilespmem:s20+$0x8810]  }
0xaf: {  	v1 =	vadd.f32 v1, v12;
	v45 =	vld [tilespmem:s20+$0x87C0]  }
0xb0: {  	v13 =	vand.u32 $0x7FFFFFFF, v13;
	v27 =	vld [tilespmem:s20+$0x7D0];
	v0 =	vsub.f32 v0, v46  }
0xb1: {  	v16 =	vadd.f32 v16, v17;
	v13 =	vadd.f32 v13, v1;
	v3 =	vld [tilespmem:s20+$0x87D0]  }
0xb2: {  	v2 =	vld [tilespmem:s20+$0x106F0];
	v0 =	vand.u32 $0x7FFFFFFF, v0  }
0xb3: {  	[tilespmem:$0x1FCB0] =	vst v16;
	v17 =	vld [tilespmem:s20+$0x10720];
	v16 =	vadd.f32 v0, v13;
	v0 =	vadd.f32 v4, v5  }
0xb4: {  	[tilespmem:$0x1FC10] =	vst v29;
	v29 =	vld [tilespmem:s20+$0x7F0]  }
0xb5: {  	v5 =	vadd.f32 v6, v7;
	v7 =	vsub.f32 v0, v42;
	v0 =	vld [tilespmem:$0x1F9D0]  }
0xb6: {  	v14 =	vadd.f32 v36, v31;
	v31 =	vld [tilespmem:s20+$0x730]  }
0xb7: {  	v36 =	vld [tilespmem:s20+$0x8730]  }
0xb8: {  	v39 =	vld [tilespmem:s20+$0x10740];
	v4 =	vadd.f32 v28, v35  }
0xb9: {  	v12 =	vsub.f32 v14, v59;
	[tilespmem:$0x1FB70] =	vst v29;
	v29 =	vld [tilespmem:s20+$0x87F0]  }
0xba: {  	v14 =	vadd.f32 v18, v21;
	v18 =	vsub.f32 v4, v0;
	v0 =	vld [tilespmem:$0x1F9E0]  }
0xbb: {  	v4 =	vld [tilespmem:$0x1F9F0]  }
0xbc: {  	v21 =	vld [tilespmem:s20+$0x760]  }
0xbd: {  	v48 =	vld [tilespmem:s20+$0x8760];
	v6 =	vadd.f32 v24, v26;
	v5 =	vsub.f32 v5, v47  }
0xbe: {  	v9 =	vadd.f32 v9, v10;
	v13 =	vadd.f32 v25, v33;
	[tilespmem:$0x1FB80] =	vst v29;
	v29 =	vld [tilespmem:s20+$0x10800]  }
0xbf: {  	v20 =	vld [tilespmem:s20+$0x780];
	v7 =	vand.u32 $0x7FFFFFFF, v7;
	v5 =	vand.u32 $0x7FFFFFFF, v5;
	v15 =	vsub.f32 v6, v0  }
0xc0: {  	v6 =	vsub.f32 v13, v4;
	v13 =	vadd.f32 v5, v7;
	v7 =	vld [tilespmem:$0x1FA00]  }
0xc1: {  	v8 =	vadd.f32 v8, v11;
	v10 =	vld [tilespmem:s20+$0x6F0]  }
0xc2: {  	v9 =	vsub.f32 v9, v49;
	[tilespmem:$0x1FCC0] =	vst v12;
	v12 =	vadd.f32 v19, v22;
	v19 =	vld [tilespmem:$0x1FA20]  }
0xc3: {  	v11 =	vadd.f32 v43, v44;
	v8 =	vsub.f32 v8, v50;
	[tilespmem:$0x1FB30] =	vst v29;
	v29 =	vld [tilespmem:s20+$0x10810]  }
0xc4: {  	v9 =	vand.u32 $0x7FFFFFFF, v9;
	v43 =	vld [tilespmem:s20+$0x8740];
	v15 =	vand.u32 $0x7FFFFFFF, v15  }
0xc5: {  	v44 =	vld [tilespmem:s20+$0x750];
	v13 =	vadd.f32 v15, v13;
	v15 =	vand.u32 $0x7FFFFFFF, v8;
	v11 =	vsub.f32 v11, v7  }
0xc6: {  	v49 =	vld [tilespmem:s20+$0x10630];
	v9 =	vadd.f32 v9, v15  }
0xc7: {  	v22 =	vld [tilespmem:$0x1FAA0];
	v11 =	vand.u32 $0x7FFFFFFF, v11  }
0xc8: {  	v11 =	vadd.f32 v11, v9;
	[tilespmem:$0x1FB40] =	vst v29;
	v29 =	vld [tilespmem:s20+$0x820]  }
0xc9: {  	v23 =	vld [tilespmem:$0x1FAD0];
	v18 =	vand.u32 $0x7FFFFFFF, v18  }
0xca: {  	v12 =	vsub.f32 v12, v63;
	v18 =	vadd.f32 v18, v11;
	v11 =	vld [tilespmem:$0x1FA80]  }
0xcb: {  	v1 =	vadd.f32 v54, v55;
	v55 =	vld [tilespmem:s20+$0x8700]  }
0xcc: {  	v46 =	vadd.f32 v56, v51;
	v56 =	vld [tilespmem:s20+$0x10750];
	v12 =	vand.u32 $0x7FFFFFFF, v12  }
0xcd: {  	v15 =	vadd.f32 v12, v13;
	v13 =	vadd.f32 v52, v53;
	[tilespmem:$0x1FB50] =	vst v29;
	v29 =	vld [tilespmem:s20+$0x8820]  }
0xce: {  	v51 =	vld [tilespmem:s20+$0x106C0]  }
0xcf: {  	v50 =	vsub.f32 v13, v11;
	v13 =	vld [tilespmem:$0x1FA90]  }
0xd0: {  	v7 =	vld [tilespmem:$0x1FA10]  }
0xd1: {  	v28 =	vld [tilespmem:s20+$0x8780]  }
0xd2: {  	[tilespmem:$0x1FB60] =	vst v29;
	v29 =	vld [tilespmem:s20+$0x8840]  }
0xd3: {  	v8 =	vld [tilespmem:$0x1FA30]  }
0xd4: {  	v13 =	vadd.f32 v22, v13;
	v22 =	vld [tilespmem:$0x1FAB0]  }
0xd5: {  	v7 =	vadd.f32 v19, v7;
	v19 =	vld [tilespmem:$0x1FA40]  }
0xd6: {  	[tilespmem:$0x1FC60] =	vst v62;
	v62 =	vld [tilespmem:s20+$0x107C0]  }
0xd7: {  	v9 =	vld [tilespmem:$0x1FA60];
	v11 =	vadd.f32 v29, v32  }
0xd8: {  	v24 =	vld [tilespmem:s20+$0x790]  }
0xd9: {  	v22 =	vsub.f32 v11, v22;
	v11 =	vld [tilespmem:$0x1FAC0]  }
0xda: {  	v12 =	vld [tilespmem:$0x1FA50];
	v8 =	vadd.f32 v19, v8;
	v19 =	vadd.f32 v57, v61  }
0xdb: {  	[tilespmem:$0x1FC70] =	vst v62;
	v62 =	vld [tilespmem:s20+$0x10760]  }
0xdc: {  	v19 =	vsub.f32 v19, v9;
	v9 =	vld [tilespmem:$0x1FA70]  }
0xdd: {  	v25 =	vld [tilespmem:s20+$0x8790]  }
0xde: {  	v11 =	vadd.f32 v23, v11;
	v23 =	vld [tilespmem:$0x1FAE0]  }
0xdf: {  	v26 =	vld [tilespmem:s20+$0x86F0];
	v12 =	vadd.f32 v60, v12  }
0xe0: {  	[tilespmem:$0x1FCA0] =	vst v62;
	v62 =	vld [tilespmem:s20+$0x770]  }
0xe1: {  	v33 =	vld [tilespmem:s20+$0x720];
	v9 =	vsub.f32 v12, v9;
	v12 =	vadd.f32 v30, v34  }
0xe2: {  	[tilespmem:$0x1FBA0] =	vst v40;
	v40 =	vld [tilespmem:s20+$0x7E0]  }
0xe3: {  	v12 =	vsub.f32 v12, v23;
	v23 =	vld [tilespmem:$0x1FAF0]  }
0xe4: {  	[tilespmem:$0x1FBB0] =	vst v41;
	v41 =	vld [tilespmem:s20+$0x87E0]  }
0xe5: {  	[tilespmem:$0x1FBE0] =	vst v62;
	v62 =	vld [tilespmem:s20+$0x8770]  }
0xe6: {  	[tilespmem:$0x1FC20] =	vst v37;
	v37 =	vld [tilespmem:s20+$0x8800]  }
0xe7: {  	v14 =	vsub.f32 v14, v58;
	v58 =	vand.u32 $0x7FFFFFFF, v12;
	v12 =	vld [tilespmem:$0x1FB10]  }
0xe8: {  	v57 =	vsub.f32 v13, v23;
	v23 =	vld [tilespmem:$0x1FB20]  }
0xe9: {  	[tilespmem:$0x1FBD0] =	vst v41;
	v41 =	vld [tilespmem:s20+$0x800]  }
0xea: {  	[tilespmem:$0x1FBF0] =	vst v62;
	v62 =	vld [tilespmem:s20+$0x10780]  }
0xeb: {  	v13 =	vld [tilespmem:$0x1FB00]  }
0xec: {  	v35 =	vld [tilespmem:s20+$0x8720]  }
0xed: {  	v12 =	vadd.f32 v23, v12;
	v23 =	vld [tilespmem:$0x1FB30]  }
0xee: {  	v31 =	vadd.f32 v36, v31;
	v36 =	vld [tilespmem:s20+$0x10600]  }
0xef: {  	[tilespmem:$0x1FBC0] =	vst v40;
	v40 =	vld [tilespmem:s20+$0x810]  }
0xf0: {  	[tilespmem:$0x1FC80] =	vst v62;
	v62 =	vld [tilespmem:s20+$0x10790];
	v11 =	vsub.f32 v11, v13;
	v13 =	vadd.f32 v37, v41  }
0xf1: {  	v42 =	vld [tilespmem:s20+$0x740]  }
0xf2: {  	v59 =	vsub.f32 v13, v23;
	v13 =	vld [tilespmem:$0x1FB40]  }
0xf3: {  	v47 =	vld [tilespmem:s20+$0x8750]  }
0xf4: {  	v28 =	vadd.f32 v28, v20;
	v20 =	vld [tilespmem:$0x1FC60]  }
0xf5: {  	v38 =	vadd.f32 v38, v40;
	[tilespmem:$0x1FC90] =	vst v62;
	v62 =	vld [tilespmem:s20+$0x7A0]  }
0xf6: {  	v23 =	vld [tilespmem:$0x1FB60]  }
0xf7: {  	v38 =	vsub.f32 v38, v13;
	v13 =	vld [tilespmem:$0x1FB50]  }
0xf8: {  	v10 =	vadd.f32 v26, v10;
	v26 =	vadd.f32 v35, v33;
	v33 =	vld [tilespmem:s20+$0x8620]  }
0xf9: {  	v35 =	vld [tilespmem:s20+$0x600]  }
0xfa: {  	v63 =	vld [tilespmem:$0x1FBD0]  }
0xfb: {  	[tilespmem:$0x1FC30] =	vst v62;
	v62 =	vld [tilespmem:s20+$0x87A0]  }
0xfc: {  	v22 =	vand.u32 $0x7FFFFFFF, v22;
	v60 =	vadd.f32 v23, v13;
	v13 =	vld [tilespmem:$0x1FB70]  }
0xfd: {  	v22 =	vadd.f32 v58, v22;
	v23 =	vld [tilespmem:$0x1FB80]  }
0xfe: {  	v42 =	vadd.f32 v43, v42;
	v43 =	vld [tilespmem:s20+$0x86A0];
	v34 =	vand.u32 $0x7FFFFFFF, v57  }
0xff: {  	v44 =	vadd.f32 v47, v44;
	v47 =	vld [tilespmem:s20+$0x6C0];
	v22 =	vadd.f32 v34, v22  }
0x100: {  	v19 =	vand.u32 $0x7FFFFFFF, v19;
	[tilespmem:$0x1FC40] =	vst v62;
	v62 =	vld [tilespmem:s20+$0x7C0]  }
0x101: {  	v22 =	vadd.f32 v19, v22;
	v19 =	vld [tilespmem:$0x1FBA0]  }
0x102: {  	v13 =	vadd.f32 v23, v13;
	v23 =	vld [tilespmem:$0x1FBB0]  }
0x103: {  	v2 =	vsub.f32 v10, v2;
	v10 =	vsub.f32 v26, v17;
	v26 =	vld [tilespmem:s20+$0x8660]  }
0x104: {  	v3 =	vadd.f32 v3, v27;
	v27 =	vsub.f32 v42, v39;
	v39 =	vld [tilespmem:s20+$0x86C0]  }
0x105: {  	v42 =	vsub.f32 v44, v56;
	v56 =	vld [tilespmem:s20+$0x6D0]  }
0x106: {  	[tilespmem:$0x1FC50] =	vst v62;
	v62 =	vld [tilespmem:$0x1FB90]  }
0x107: {  	v19 =	vadd.f32 v23, v19;
	v23 =	vld [tilespmem:$0x1FBC0]  }
0x108: {  	v40 =	vld [tilespmem:s20+$0x86E0]  }
0x109: {  	v0 =	vld [tilespmem:s20+$0x106B0]  }
0x10a: {  	v4 =	vld [tilespmem:s20+$0x106E0]  }
0x10b: {  	v54 =	vsub.f32 v60, v62;
	v60 =	vld [tilespmem:$0x1FBF0]  }
0x10c: {  	v58 =	vadd.f32 v63, v23;
	v23 =	vld [tilespmem:$0x1FBE0]  }
0x10d: {  	v5 =	vld [tilespmem:s20+$0x10700]  }
0x10e: {  	v21 =	vadd.f32 v48, v21;
	v27 =	vand.u32 $0x7FFFFFFF, v27;
	v42 =	vand.u32 $0x7FFFFFFF, v42;
	v48 =	vld [tilespmem:$0x1FCA0]  }
0x10f: {  	v27 =	vadd.f32 v42, v27;
	v42 =	vld [tilespmem:s20+$0x10610]  }
0x110: {  	v63 =	vld [tilespmem:$0x1FC40]  }
0x111: {  	v61 =	vand.u32 $0x7FFFFFFF, v59;
	v38 =	vand.u32 $0x7FFFFFFF, v38;
	v59 =	vadd.f32 v60, v23;
	v23 =	vld [tilespmem:$0x1FC30]  }
0x112: {  	v30 =	vld [tilespmem:s20+$0x6B0];
	v34 =	vadd.f32 v38, v61  }
0x113: {  	v32 =	vld [tilespmem:s20+$0x86B0];
	v54 =	vand.u32 $0x7FFFFFFF, v54  }
0x114: {  	v53 =	vld [tilespmem:s20+$0x700];
	v34 =	vadd.f32 v54, v34  }
0x115: {  	v52 =	vld [tilespmem:s20+$0x710];
	v21 =	vsub.f32 v21, v48;
	v50 =	vand.u32 $0x7FFFFFFF, v50  }
0x116: {  	v34 =	vadd.f32 v50, v34;
	v50 =	vadd.f32 v63, v23;
	v23 =	vld [tilespmem:$0x1FC50]  }
0x117: {  	v48 =	vld [tilespmem:s20+$0x620];
	v21 =	vand.u32 $0x7FFFFFFF, v21  }
0x118: {  	v21 =	vadd.f32 v21, v27;
	v29 =	vld [tilespmem:s20+$0x106A0];
	v27 =	vadd.f32 v32, v30  }
0x119: {  	v32 =	vld [tilespmem:s20+$0x8680]  }
0x11a: {  	v0 =	vsub.f32 v27, v0;
	v27 =	vld [tilespmem:s20+$0x8600]  }
0x11b: {  	v45 =	vadd.f32 v45, v23;
	v23 =	vld [tilespmem:$0x1FC80]  }
0x11c: {  	v61 =	vld [tilespmem:$0x1FC00]  }
0x11d: {  	v57 =	vld [tilespmem:s20+$0x10620]  }
0x11e: {  	v37 =	vld [tilespmem:s20+$0x106D0]  }
0x11f: {  	v62 =	vld [tilespmem:$0x1FC20]  }
0x120: {  	v28 =	vsub.f32 v28, v23;
	v23 =	vld [tilespmem:$0x1FC90]  }
0x121: {  	v54 =	vsub.f32 v19, v61;
	v19 =	vld [tilespmem:$0x1FC10]  }
0x122: {  	v41 =	vld [tilespmem:s20+$0x6E0]  }
0x123: {  	v24 =	vadd.f32 v25, v24;
	v38 =	vld [tilespmem:s20+$0x8710]  }
0x124: {  	v61 =	vld [tilespmem:s20+$0x8630]  }
0x125: {  	v60 =	vld [tilespmem:s20+$0x630];
	v24 =	vsub.f32 v24, v23  }
0x126: {  	v19 =	vsub.f32 v58, v19;
	v58 =	vsub.f32 v59, v62;
	v59 =	vld [tilespmem:s20+$0x670]  }
0x127: {  	v62 =	vld [tilespmem:s20+$0x8670];
	v28 =	vand.u32 $0x7FFFFFFF, v28;
	v24 =	vand.u32 $0x7FFFFFFF, v24  }
0x128: {  	v24 =	vadd.f32 v24, v28;
	v28 =	vld [tilespmem:s20+$0x86D0]  }
0x129: {  	v25 =	vsub.f32 v50, v20;
	v20 =	vld [tilespmem:$0x1FC70]  }
0x12a: {  	v30 =	vadd.f32 v39, v47;
	v27 =	vadd.f32 v27, v35;
	v17 =	vand.u32 $0x7FFFFFFF, v58;
	v58 =	vld [tilespmem:s20+$0x8690]  }
0x12b: {  	v17 =	vadd.f32 v17, v21;
	v21 =	vld [tilespmem:s20+$0x680]  }
0x12c: {  	v30 =	vsub.f32 v30, v51;
	v27 =	vsub.f32 v27, v36;
	v63 =	vld [tilespmem:s20+$0x10680]  }
0x12d: {  	v38 =	vadd.f32 v38, v52;
	v50 =	vld [tilespmem:s20+$0x10690];
	v25 =	vand.u32 $0x7FFFFFFF, v25;
	v28 =	vadd.f32 v28, v56  }
0x12e: {  	v20 =	vsub.f32 v45, v20;
	v45 =	vld [tilespmem:s20+$0x6A0];
	v24 =	vadd.f32 v25, v24  }
0x12f: {  	v25 =	vand.u32 $0x7FFFFFFF, v54;
	v54 =	vadd.f32 v40, v41;
	v40 =	vld [tilespmem:s20+$0x690];
	v28 =	vsub.f32 v28, v37  }
0x130: {  	v30 =	vand.u32 $0x7FFFFFFF, v30;
	v21 =	vadd.f32 v32, v21;
	v24 =	vadd.f32 v25, v24;
	v25 =	vld [tilespmem:s20+$0x660]  }
0x131: {  	v4 =	vsub.f32 v54, v4;
	v56 =	vadd.f32 v55, v53;
	v53 =	vld [tilespmem:s20+$0x8610];
	v28 =	vand.u32 $0x7FFFFFFF, v28  }
0x132: {  	v47 =	vadd.f32 v61, v60;
	v28 =	vadd.f32 v28, v30;
	v30 =	vld [tilespmem:s20+$0x610]  }
0x133: {  	v21 =	vsub.f32 v21, v63;
	v54 =	vadd.f32 v62, v59;
	v59 =	vld [tilespmem:s20+$0x8650];
	v4 =	vand.u32 $0x7FFFFFFF, v4  }
0x134: {  	v51 =	vadd.f32 v43, v45;
	v55 =	vld [tilespmem:s20+$0x8640];
	v4 =	vadd.f32 v4, v28  }
0x135: {  	v2 =	vand.u32 $0x7FFFFFFF, v2;
	v5 =	vsub.f32 v56, v5;
	v56 =	vld [tilespmem:s20+$0x650];
	v58 =	vadd.f32 v58, v40  }
0x136: {  	v28 =	vld [tilespmem:s20+$0x640];
	v2 =	vadd.f32 v2, v4;
	v4 =	vadd.f32 v33, v48  }
0x137: {  	v27 =	vand.u32 $0x7FFFFFFF, v27;
	v60 =	vld [tilespmem:s20+$0x10640];
	v33 =	vsub.f32 v58, v50;
	v30 =	vadd.f32 v53, v30  }
0x138: {  	v61 =	vld [tilespmem:s20+$0x10650];
	v39 =	vsub.f32 v47, v49;
	v21 =	vand.u32 $0x7FFFFFFF, v21;
	v29 =	vsub.f32 v51, v29  }
0x139: {  	v62 =	vld [tilespmem:s20+$0x10660];
	v25 =	vadd.f32 v26, v25;
	v33 =	vand.u32 $0x7FFFFFFF, v33;
	v30 =	vsub.f32 v30, v42  }
0x13a: {  	v29 =	vand.u32 $0x7FFFFFFF, v29;
	v4 =	vsub.f32 v4, v57;
	v21 =	vadd.f32 v33, v21  }
0x13b: {  	v63 =	vld [tilespmem:s20+$0x10710];
	v28 =	vadd.f32 v55, v28;
	v26 =	vand.u32 $0x7FFFFFFF, v30;
	v30 =	vadd.f32 v59, v56  }
0x13c: {  	(xrf2) =	vadd.scan.msk.f32 $0xffff, v16;
	v21 =	vadd.f32 v29, v21;
	v16 =	vadd.f32 v26, v27;
	v26 =	vld [tilespmem:s20+$0x10670]  }
0x13d: {  	(xrf2) =	vadd.scan.msk.f32 $0xffff, v15;
	v0 =	vand.u32 $0x7FFFFFFF, v0;
	v15 =	vsub.f32 v28, v60;
	v27 =	vsub.f32 v30, v61  }
0x13e: {  	(xrf2) =	vadd.scan.msk.f32 $0xffff, v18;
	v18 =	vsub.f32 v25, v62;
	v4 =	vand.u32 $0x7FFFFFFF, v4;
	v0 =	vadd.f32 v0, v21;
	v21 =	vld [tilespmem:s20+$0x107D0]  }
0x13f: {  	(xrf2) =	vadd.scan.msk.f32 $0xffff, v22;
	v22 =	vld [tilespmem:s20+$0x10730];
	v15 =	vand.u32 $0x7FFFFFFF, v15;
	v4 =	vadd.f32 v4, v16;
	v16 =	vand.u32 $0x7FFFFFFF, v27  }
0x140: {  	(xrf2) =	vadd.scan.msk.f32 $0xffff, v34;
	v25 =	vand.u32 $0x7FFFFFFF, v39;
	v15 =	vadd.f32 v16, v15;
	v16 =	vsub.f32 v38, v63  }
0x141: {  	(xrf2) =	vadd.scan.msk.f32 $0xffff, v24;
	v18 =	vand.u32 $0x7FFFFFFF, v18;
	v4 =	vadd.f32 v25, v4;
	v25 =	vld [tilespmem:s20+$0x10890];
	v24 =	vsub.f32 v54, v26  }
0x142: {  	(xrf2) =	vadd.scan.msk.f32 $0xffff, v17;
	v5 =	vand.u32 $0x7FFFFFFF, v5;
	v15 =	vadd.f32 v18, v15;
	v16 =	vand.u32 $0x7FFFFFFF, v16  }
0x143: {  	v17 =	vld [tilespmem:s20+$0x107F0];
	(xrf2) =	vadd.scan.msk.f32 $0xffff, v2;
	v3 =	vsub.f32 v3, v21;
	v2 =	vand.u32 $0x7FFFFFFF, v24;
	v5 =	vadd.f32 v16, v5  }
0x144: {  	(xrf2) =	vadd.scan.msk.f32 $0xffff, v0;
	v0 =	vadd.f32 v2, v15;
	v2 =	vand.u32 $0x7FFFFFFF, v10;
	v10 =	vsub.f32 v31, v22;
	v15 =	vld [tilespmem:s20+$0x10950]  }
0x145: {  	(xrf2) =	vadd.scan.msk.f32 $0xffff, v4;
	v4 =	vand.u32 $0x7FFFFFFF, v20;
	v3 =	vand.u32 $0x7FFFFFFF, v3;
	v2 =	vadd.f32 v2, v5;
	v5 =	vld [tilespmem:s20+$0x108B0]  }
0x146: {  	v3 =	vadd.f32 v3, v4;
	v4 =	vsub.f32 v12, v25;
	v10 =	vand.u32 $0x7FFFFFFF, v10  }
0x147: {  	v2 =	vadd.f32 v10, v2;
	v10 =	vand.u32 $0x7FFFFFFF, v19  }
0x148: {  	v4 =	vand.u32 $0x7FFFFFFF, v4;
	v3 =	vadd.f32 v10, v3;
	v10 =	vand.u32 $0x7FFFFFFF, v11  }
0x149: {  	v4 =	vadd.f32 v4, v10;
	v7 =	vsub.f32 v7, v15  }
0x14a: {  	v9 =	vand.u32 $0x7FFFFFFF, v9;
	v16, _, _ =	vpop (xrf2);
	v12 =	vsub.f32 v13, v17;
	(xrf2) =	vadd.scan.msk.f32 $0xffff, v0;
	v5 =	vsub.f32 v8, v5  }
0x14b: {  	v6 =	vand.u32 $0x7FFFFFFF, v6;
	v13 =	vld [tilespmem:s20+$0x109D0];
	v0, _, _ =	vpop (xrf2);
	v4 =	vadd.f32 v9, v4;
	v7 =	vand.u32 $0x7FFFFFFF, v7  }
0x14c: {  	v12 =	vand.u32 $0x7FFFFFFF, v12;
	v11 =	vld [tilespmem:s20+$0x10970];
	v17, _, _ =	vpop (xrf2);
	v5 =	vand.u32 $0x7FFFFFFF, v5;
	v6 =	vadd.f32 v7, v6  }
0x14d: {  	v10 =	vld [tilespmem:s20+$0x109E0];
	v18, _, _ =	vpop (xrf2);
	v3 =	vadd.f32 v12, v3;
	v4 =	vadd.f32 v5, v4;
	v5 =	vand.u32 $0x7FFFFFFF, v14  }
0x14e: {  	(xrf2) =	vadd.scan.msk.f32 $0xffff, v2;
	v2, _, _ =	vpop (xrf2);
	v5 =	vadd.f32 v5, v6;
	v6 =	vld [tilespmem:$0x1FCB0]  }
0x14f: {  	v12 =	vld [tilespmem:$0x1FCC0];
	v8, _, _ =	vpop (xrf2)  }
0x150: {  	v9, _, _ =	vpop (xrf2)  }
0x151: {  	(xrf2) =	vadd.scan.msk.f32 $0xffff, v3;
	v1 =	vsub.f32 v1, v11;
	v3, _, _ =	vpop (xrf2)  }
0x152: {  	v7 =	vsub.f32 v46, v13;
	v11, _, _ =	vpop (xrf2)  }
0x153: {  	v1 =	vand.u32 $0x7FFFFFFF, v1;
	v6 =	vsub.f32 v6, v10;
	v10, _, _ =	vpop (xrf2)  }
0x154: {  	v7 =	vand.u32 $0x7FFFFFFF, v7;
	v12 =	vand.u32 $0x7FFFFFFF, v12;
	v1 =	vadd.f32 v1, v5;
	v5, _, _ =	vpop (xrf2)  }
0x155: {  	(xrf2) =	vadd.scan.msk.f32 $0xffff, v4;
	v4 =	vadd.f32 v7, v12;
	v7 =	vbroadcast v10, $0xF;
	v5 =	vbroadcast v5, $0xF  }
0x156: {  	v6 =	vand.u32 $0x7FFFFFFF, v6  }
0x157: {  	(xrf2) =	vadd.scan.msk.f32 $0xffff, v1;
	v1 =	vsel vm0, v7, v5;
	v5 =	vld [tilespmem:$0x1FCD0];
	_ =	sdelay $0x1  }
0x158: {  	v4 =	vadd.f32 v6, v4;
	v6, _, _ =	vpop (xrf2)  }
0x159: {  	v10 =	vbroadcast v11, $0xF;
	v6 =	vbroadcast v6, $0xF  }
0x15a: {  	v3 =	vbroadcast v3, $0xF  }
0x15b: {  	v1 =	vsel vm1, v1, v10;
	v5 =	vand.u32 $0x7FFFFFFF, v5  }
0x15c: {  	v1 =	vsel vm2, v1, v3;
	v3 =	vbroadcast v9, $0xF;
	v4 =	vadd.f32 v5, v4  }
0x15d: {  	v1 =	vsel vm3, v1, v6;
	v5 =	vbroadcast v8, $0xF;
	v6, _, _ =	vpop (xrf2)  }
0x15e: {  	v1 =	vsel vm4, v1, v3;
	v3 =	vbroadcast v6, $0xF  }
0x15f: {  	v2 =	vbroadcast v2, $0xF;
	(xrf2) =	vadd.scan.msk.f32 $0xffff, v4;
	v1 =	vsel vm5, v1, v5  }
0x160: {  	v1 =	vsel vm6, v1, v3;
	v3 =	vbroadcast v18, $0xF;
	v4, _, _ =	vpop (xrf2)  }
0x161: {  	v1 =	vsel vm7, v1, v2;
	v2 =	vbroadcast v4, $0xF  }
0x162: {  	v1 =	vsel vm8, v1, v3;
	v3 =	vbroadcast v17, $0xF  }
0x163: {  	v0 =	vbroadcast v0, $0xF;
	v1 =	vsel vm9, v1, v2  }
0x164: {  	v1 =	vsel vm10, v1, v3  }
0x165: {  	v2, _, _ =	vpop (xrf2);
	v0 =	vsel vm11, v1, v0;
	v1 =	vbroadcast v16, $0xF  }
0x166: {  	v2 =	vbroadcast v2, $0xF;
	_ =	sdelay $0x1  }
0x167: {  	v0 =	vsel vm12, v0, v2  }
0x168: {  	v0 =	vsel vm13, v0, v1;
	v1, _, _ =	vpop (xrf2)  }
0x169: {  	v0 =	vsel vm14, v0, v1  }
0x16a: {  	v0 =	vsub.f32 $1.200000000e+01, v0;
	_ =	sdelay $0x1  }
0x16b: {  	s18 =	simm.s32 $0x400;
	[tilespmem:s16+$0x0] =	vst v0  }
0x16c: {  	v33 =	vld [tilespmem:s18+$0x109F0]  }
0x16d: {  	v30 =	vld [tilespmem:s18+$0x9F0]  }
0x16e: {  	v17 =	vld [tilespmem:s18+$0x89F0]  }
0x16f: {  	v42 =	vld [tilespmem:s18+$0x109B0]  }
0x170: {  	v54 =	vld [tilespmem:s18+$0x109C0]  }
0x171: {  	v18 =	vld [tilespmem:s18+$0x9E0]  }
0x172: {  	v26 =	vld [tilespmem:s18+$0x89E0]  }
0x173: {  	v45 =	vld [tilespmem:s18+$0x109A0]  }
0x174: {  	v47 =	vld [tilespmem:s18+$0x9B0]  }
0x175: {  	v51 =	vld [tilespmem:s18+$0x89B0]  }
0x176: {  	v56 =	vld [tilespmem:s18+$0x9C0]  }
0x177: {  	v57 =	vld [tilespmem:s18+$0x89C0]  }
0x178: {  	v58 =	vld [tilespmem:s18+$0x9D0]  }
0x179: {  	v59 =	vld [tilespmem:s18+$0x89D0]  }
0x17a: {  	v60 =	vld [tilespmem:s18+$0x10930]  }
0x17b: {  	v25 =	vld [tilespmem:s18+$0x10820]  }
0x17c: {  	v61 =	vld [tilespmem:s18+$0x10960]  }
0x17d: {  	v62 =	vld [tilespmem:s18+$0x970]  }
0x17e: {  	v63 =	vld [tilespmem:s18+$0x8970]  }
0x17f: {  	v11 =	vld [tilespmem:s18+$0x10980]  }
0x180: {  	[tilespmem:$0x1FEF0] =	vst v25;
	v25 =	vld [tilespmem:s18+$0x10840]  }
0x181: {  	v13 =	vld [tilespmem:s18+$0x10990]  }
0x182: {  	v14 =	vld [tilespmem:s18+$0x9A0]  }
0x183: {  	v12 =	vld [tilespmem:s18+$0x89A0]  }
0x184: {  	v0 =	vld [tilespmem:s18+$0x108F0]  }
0x185: {  	[tilespmem:$0x1FE10] =	vst v25;
	v25 =	vld [tilespmem:s18+$0x10850]  }
0x186: {  	v3 =	vld [tilespmem:s18+$0x108E0]  }
0x187: {  	v19 =	vld [tilespmem:s18+$0x930]  }
0x188: {  	v16 =	vld [tilespmem:s18+$0x8930]  }
0x189: {  	v20 =	vld [tilespmem:s18+$0x960]  }
0x18a: {  	[tilespmem:$0x1FE40] =	vst v25;
	v25 =	vld [tilespmem:s18+$0x860]  }
0x18b: {  	[tilespmem:$0x1FD60] =	vst v3;
	v3 =	vld [tilespmem:s18+$0x950]  }
0x18c: {  	v36 =	vld [tilespmem:s18+$0x980]  }
0x18d: {  	v2 =	vld [tilespmem:s18+$0x8980]  }
0x18e: {  	v1 =	vld [tilespmem:s18+$0x990]  }
0x18f: {  	[tilespmem:$0x1FDF0] =	vst v25;
	v25 =	vld [tilespmem:s18+$0x8860]  }
0x190: {  	[tilespmem:$0x1FD70] =	vst v3;
	v3 =	vld [tilespmem:s18+$0x8950]  }
0x191: {  	v32 =	vld [tilespmem:s18+$0x8F0]  }
0x192: {  	v24 =	vld [tilespmem:s18+$0x88F0]  }
0x193: {  	v39 =	vld [tilespmem:s18+$0x10900]  }
0x194: {  	[tilespmem:$0x1FE00] =	vst v25;
	v25 =	vld [tilespmem:s18+$0x880]  }
0x195: {  	[tilespmem:$0x1FD80] =	vst v3;
	v3 =	vld [tilespmem:s18+$0x10870]  }
0x196: {  	[tilespmem:$0x1FD30] =	vst v0;
	v0 =	vld [tilespmem:s18+$0x10920]  }
0x197: {  	v43 =	vld [tilespmem:s18+$0x10910]  }
0x198: {  	v23 =	vld [tilespmem:s18+$0x920]  }
0x199: {  	[tilespmem:$0x1FE20] =	vst v25;
	v25 =	vld [tilespmem:s18+$0x8880]  }
0x19a: {  	[tilespmem:$0x1FDC0] =	vst v3;
	v3 =	vld [tilespmem:s18+$0x108A0]  }
0x19b: {  	[tilespmem:$0x1FD40] =	vst v0;
	v0 =	vld [tilespmem:s18+$0x10940]  }
0x19c: {  	v7 =	vld [tilespmem:s18+$0x10830]  }
0x19d: {  	v40 =	vld [tilespmem:s18+$0x8E0]  }
0x19e: {  	[tilespmem:$0x1FE30] =	vst v25;
	v25 =	vld [tilespmem:s18+$0x890]  }
0x19f: {  	[tilespmem:$0x1FDD0] =	vst v3;
	v3 =	vld [tilespmem:s18+$0x8B0]  }
0x1a0: {  	[tilespmem:$0x1FD50] =	vst v0;
	v0 =	vld [tilespmem:s18+$0x8990]  }
0x1a1: {  	[tilespmem:$0x1FDE0] =	vst v7;
	v7 =	vld [tilespmem:s18+$0x10860]  }
0x1a2: {  	v4 =	vld [tilespmem:s18+$0x900]  }
0x1a3: {  	v17 =	vadd.f32 v17, v30;
	[tilespmem:$0x1FE70] =	vst v25;
	v25 =	vld [tilespmem:s18+$0x8890]  }
0x1a4: {  	v2 =	vadd.f32 v2, v36;
	[tilespmem:$0x1FD90] =	vst v3;
	v3 =	vld [tilespmem:s18+$0x88B0]  }
0x1a5: {  	v6 =	vld [tilespmem:s18+$0x910];
	v0 =	vadd.f32 v0, v1;
	v1 =	vsub.f32 v17, v33  }
0x1a6: {  	v5 =	vld [tilespmem:s18+$0x8910];
	v2 =	vsub.f32 v2, v11;
	[tilespmem:$0x1FE50] =	vst v7  }
0x1a7: {  	v11 =	vadd.f32 v12, v14;
	v7 =	vld [tilespmem:s18+$0x10880];
	[tilespmem:$0x1FCF0] =	vst v1;
	v0 =	vsub.f32 v0, v13  }
0x1a8: {  	v2 =	vand.u32 $0x7FFFFFFF, v2;
	v1 =	vadd.f32 v51, v47;
	[tilespmem:$0x1FE80] =	vst v25;
	v25 =	vld [tilespmem:s18+$0x107B0]  }
0x1a9: {  	v11 =	vsub.f32 v11, v45;
	v13 =	vadd.f32 v57, v56;
	v0 =	vand.u32 $0x7FFFFFFF, v0;
	[tilespmem:$0x1FDA0] =	vst v3;
	v3 =	vld [tilespmem:s18+$0x8900]  }
0x1aa: {  	v9 =	vld [tilespmem:s18+$0x8D0];
	v12 =	vsub.f32 v1, v42;
	v0 =	vadd.f32 v0, v2  }
0x1ab: {  	v8 =	vld [tilespmem:s18+$0x88D0];
	v11 =	vand.u32 $0x7FFFFFFF, v11;
	v2 =	vsub.f32 v13, v54;
	v13 =	vadd.f32 v16, v19  }
0x1ac: {  	v5 =	vadd.f32 v5, v6;
	[tilespmem:$0x1FE60] =	vst v7;
	v7 =	vld [tilespmem:s18+$0x8A0];
	v0 =	vadd.f32 v11, v0  }
0x1ad: {  	v12 =	vand.u32 $0x7FFFFFFF, v12;
	v11 =	vsub.f32 v13, v60;
	v13 =	vadd.f32 v63, v62;
	[tilespmem:$0x1FF60] =	vst v25;
	v25 =	vld [tilespmem:s18+$0x107E0]  }
0x1ae: {  	v35 =	vld [tilespmem:s18+$0x88E0];
	v16 =	vadd.f32 v12, v0;
	v0 =	vadd.f32 v3, v4  }
0x1af: {  	v10 =	vld [tilespmem:s18+$0x8C0]  }
0x1b0: {  	v5 =	vsub.f32 v5, v43;
	[tilespmem:$0x1FD20] =	vst v13;
	v13 =	vld [tilespmem:$0x1FD30];
	v12 =	vsub.f32 v0, v39  }
0x1b1: {  	[tilespmem:$0x1FDB0] =	vst v7;
	v7 =	vld [tilespmem:s18+$0x88C0]  }
0x1b2: {  	v8 =	vadd.f32 v8, v9;
	v5 =	vand.u32 $0x7FFFFFFF, v5;
	v9 =	vand.u32 $0x7FFFFFFF, v12;
	[tilespmem:$0x1FF70] =	vst v25;
	v25 =	vld [tilespmem:s18+$0x7F0]  }
0x1b3: {  	v4 =	vadd.f32 v24, v32;
	v5 =	vadd.f32 v5, v9;
	v9 =	vld [tilespmem:$0x1FD60]  }
0x1b4: {  	v21 =	vld [tilespmem:s18+$0x8920]  }
0x1b5: {  	v4 =	vsub.f32 v4, v13;
	v13 =	vld [tilespmem:$0x1FD40]  }
0x1b6: {  	v7 =	vadd.f32 v7, v10;
	v10 =	vadd.f32 v35, v40;
	v12 =	vld [tilespmem:$0x1FD80]  }
0x1b7: {  	[tilespmem:$0x1FED0] =	vst v25;
	v25 =	vld [tilespmem:s18+$0x87F0]  }
0x1b8: {  	v9 =	vsub.f32 v10, v9;
	v10 =	vld [tilespmem:$0x1FD70]  }
0x1b9: {  	v15 =	vld [tilespmem:s18+$0x8960]  }
0x1ba: {  	v44 =	vld [tilespmem:s18+$0x108C0];
	v6 =	vadd.f32 v21, v23  }
0x1bb: {  	v46 =	vld [tilespmem:s18+$0x108D0]  }
0x1bc: {  	v13 =	vsub.f32 v6, v13;
	[tilespmem:$0x1FEE0] =	vst v25;
	v25 =	vld [tilespmem:s18+$0x10800]  }
0x1bd: {  	v40 =	vadd.f32 v12, v10;
	v12 =	vld [tilespmem:$0x1FD90]  }
0x1be: {  	v10 =	vand.u32 $0x7FFFFFFF, v13;
	v13 =	vld [tilespmem:$0x1FDA0]  }
0x1bf: {  	v52 =	vld [tilespmem:s18+$0x870]  }
0x1c0: {  	v50 =	vld [tilespmem:s18+$0x8870];
	v8 =	vsub.f32 v8, v46  }
0x1c1: {  	v7 =	vsub.f32 v7, v44;
	[tilespmem:$0x1FEB0] =	vst v25;
	v25 =	vld [tilespmem:s18+$0x10810]  }
0x1c2: {  	v29 =	vld [tilespmem:s18+$0x940];
	v8 =	vand.u32 $0x7FFFFFFF, v8  }
0x1c3: {  	v7 =	vand.u32 $0x7FFFFFFF, v7;
	v5 =	vadd.f32 v10, v5;
	v45 =	vadd.f32 v13, v12;
	v12 =	vld [tilespmem:$0x1FDC0]  }
0x1c4: {  	v53 =	vld [tilespmem:s18+$0x88A0];
	v7 =	vadd.f32 v8, v7;
	v8 =	vand.u32 $0x7FFFFFFF, v11  }
0x1c5: {  	v39 =	vadd.f32 v8, v5;
	v8 =	vld [tilespmem:$0x1FDB0]  }
0x1c6: {  	v11 =	vadd.f32 v50, v52;
	[tilespmem:$0x1FEC0] =	vst v25;
	v25 =	vld [tilespmem:s18+$0x820]  }
0x1c7: {  	v22 =	vld [tilespmem:s18+$0x8940]  }
0x1c8: {  	v13 =	vsub.f32 v11, v12;
	v11 =	vld [tilespmem:$0x1FDD0]  }
0x1c9: {  	v49 =	vld [tilespmem:s18+$0x830]  }
0x1ca: {  	v48 =	vld [tilespmem:s18+$0x8830]  }
0x1cb: {  	v8 =	vadd.f32 v53, v8;
	[tilespmem:$0x1FE90] =	vst v25;
	v25 =	vld [tilespmem:s18+$0x8820]  }
0x1cc: {  	v5 =	vand.u32 $0x7FFFFFFF, v9;
	v12 =	vld [tilespmem:$0x1FE00]  }
0x1cd: {  	v5 =	vadd.f32 v5, v7;
	v60 =	vsub.f32 v8, v11;
	v8 =	vld [tilespmem:$0x1FDF0]  }
0x1ce: {  	v28 =	vld [tilespmem:s18+$0x840];
	v4 =	vand.u32 $0x7FFFFFFF, v4  }
0x1cf: {  	v21 =	vadd.f32 v4, v5;
	v5 =	vld [tilespmem:$0x1FDE0]  }
0x1d0: {  	[tilespmem:$0x1FEA0] =	vst v25;
	v25 =	vld [tilespmem:s18+$0x8840]  }
0x1d1: {  	v31 =	vld [tilespmem:s18+$0x850]  }
0x1d2: {  	v12 =	vadd.f32 v12, v8;
	v8 =	vld [tilespmem:$0x1FE10]  }
0x1d3: {  	v27 =	vld [tilespmem:s18+$0x8850];
	v7 =	vadd.f32 v48, v49  }
0x1d4: {  	v38 =	vld [tilespmem:s18+$0x10770]  }
0x1d5: {  	v41 =	vld [tilespmem:s18+$0x107A0];
	v5 =	vsub.f32 v7, v5;
	v7 =	vadd.f32 v25, v28  }
0x1d6: {  	v19 =	vld [tilespmem:$0x1FE30]  }
0x1d7: {  	v7 =	vsub.f32 v7, v8;
	v8 =	vld [tilespmem:$0x1FE20]  }
0x1d8: {  	v55 =	vld [tilespmem:s18+$0x7B0]  }
0x1d9: {  	v37 =	vld [tilespmem:s18+$0x87B0]  }
0x1da: {  	v34 =	vld [tilespmem:s18+$0x8810]  }
0x1db: {  	[tilespmem:$0x1FF80] =	vst v38;
	v38 =	vld [tilespmem:s18+$0x107C0]  }
0x1dc: {  	v19 =	vadd.f32 v19, v8;
	v8 =	vld [tilespmem:$0x1FE40]  }
0x1dd: {  	[tilespmem:$0x1FFB0] =	vst v41;
	v41 =	vld [tilespmem:s18+$0x7E0]  }
0x1de: {  	[tilespmem:$0x1FF00] =	vst v55;
	v55 =	vld [tilespmem:s18+$0x87E0]  }
0x1df: {  	[tilespmem:$0x1FF10] =	vst v37;
	v37 =	vld [tilespmem:s18+$0x8800];
	v11 =	vadd.f32 v27, v31  }
0x1e0: {  	v30 =	vld [tilespmem:s18+$0x7C0]  }
0x1e1: {  	v31 =	vsub.f32 v11, v8;
	v8 =	vld [tilespmem:$0x1FE50]  }
0x1e2: {  	v36 =	vld [tilespmem:s18+$0x87C0]  }
0x1e3: {  	[tilespmem:$0x1FF30] =	vst v55;
	v55 =	vld [tilespmem:s18+$0x10760]  }
0x1e4: {  	v18 =	vadd.f32 v26, v18;
	v26 =	vld [tilespmem:s18+$0x730]  }
0x1e5: {  	v23 =	vld [tilespmem:s18+$0x8780]  }
0x1e6: {  	v57 =	vsub.f32 v12, v8;
	v8 =	vld [tilespmem:$0x1FE60]  }
0x1e7: {  	[tilespmem:$0x1FF20] =	vst v41;
	v41 =	vld [tilespmem:s18+$0x800]  }
0x1e8: {  	[tilespmem:$0x1FFF0] =	vst v55;
	v55 =	vld [tilespmem:s18+$0x770];
	v7 =	vand.u32 $0x7FFFFFFF, v7;
	v31 =	vand.u32 $0x7FFFFFFF, v31  }
0x1e9: {  	v31 =	vadd.f32 v31, v7;
	v7 =	vld [tilespmem:$0x1FEB0]  }
0x1ea: {  	v12 =	vld [tilespmem:$0x1FE80]  }
0x1eb: {  	v11 =	vsub.f32 v19, v8;
	v8 =	vld [tilespmem:$0x1FE70]  }
0x1ec: {  	[tilespmem:$0x1FFC0] =	vst v38;
	v38 =	vld [tilespmem:s18+$0x810]  }
0x1ed: {  	[tilespmem:$0x1FF40] =	vst v55;
	v55 =	vld [tilespmem:s18+$0x8770];
	v19 =	vadd.f32 v37, v41  }
0x1ee: {  	v14 =	vadd.f32 v59, v58;
	v58 =	vld [tilespmem:$0x1FEA0]  }
0x1ef: {  	v19 =	vsub.f32 v19, v7;
	v7 =	vld [tilespmem:$0x1FEC0]  }
0x1f0: {  	v12 =	vadd.f32 v12, v8;
	v8 =	vld [tilespmem:$0x1FE90]  }
0x1f1: {  	[tilespmem:$0x1FCE0] =	vst v18;
	v18 =	vld [tilespmem:s18+$0x87D0]  }
0x1f2: {  	v43 =	vld [tilespmem:s18+$0x750];
	v34 =	vadd.f32 v34, v38  }
0x1f3: {  	[tilespmem:$0x1FF50] =	vst v55;
	v55 =	vld [tilespmem:s18+$0x10780]  }
0x1f4: {  	v34 =	vsub.f32 v34, v7;
	v7 =	vld [tilespmem:$0x1FED0]  }
0x1f5: {  	v38 =	vadd.f32 v58, v8;
	v8 =	vld [tilespmem:$0x1FEE0]  }
0x1f6: {  	[tilespmem:$0x1FD10] =	vst v14;
	v14 =	vadd.f32 v15, v20;
	v20 =	vld [tilespmem:s18+$0x760]  }
0x1f7: {  	v15 =	vld [tilespmem:s18+$0x780]  }
0x1f8: {  	[tilespmem:$0x1FFD0] =	vst v55;
	v55 =	vld [tilespmem:s18+$0x10790]  }
0x1f9: {  	v30 =	vadd.f32 v36, v30;
	v36 =	vld [tilespmem:s18+$0x8670]  }
0x1fa: {  	v8 =	vadd.f32 v8, v7;
	v7 =	vld [tilespmem:$0x1FEF0]  }
0x1fb: {  	v61 =	vsub.f32 v14, v61;
	v14 =	vld [tilespmem:s18+$0x10700];
	v44 =	vand.u32 $0x7FFFFFFF, v57  }
0x1fc: {  	v17 =	vld [tilespmem:s18+$0x7D0];
	v31 =	vadd.f32 v44, v31  }
0x1fd: {  	[tilespmem:$0x1FFE0] =	vst v55;
	v55 =	vld [tilespmem:s18+$0x7A0];
	v13 =	vand.u32 $0x7FFFFFFF, v13  }
0x1fe: {  	v31 =	vadd.f32 v13, v31;
	v13 =	vld [tilespmem:$0x1FF10]  }
0x1ff: {  	v38 =	vsub.f32 v38, v7;
	v7 =	vld [tilespmem:$0x1FF00]  }
0x200: {  	v33 =	vld [tilespmem:s18+$0x10720]  }
0x201: {  	v47 =	vld [tilespmem:s18+$0x10740]  }
0x202: {  	[tilespmem:$0x1FF90] =	vst v55;
	v55 =	vld [tilespmem:s18+$0x87A0];
	v19 =	vand.u32 $0x7FFFFFFF, v19;
	v34 =	vand.u32 $0x7FFFFFFF, v34  }
0x203: {  	v34 =	vadd.f32 v34, v19;
	v19 =	vld [tilespmem:$0x1FF30]  }
0x204: {  	v13 =	vadd.f32 v13, v7;
	v7 =	vld [tilespmem:$0x1FF20]  }
0x205: {  	v51 =	vld [tilespmem:s18+$0x10750]  }
0x206: {  	v1 =	vld [tilespmem:s18+$0x106F0]  }
0x207: {  	v42 =	vld [tilespmem:s18+$0x8740]  }
0x208: {  	v59 =	vld [tilespmem:$0x1FF50]  }
0x209: {  	[tilespmem:$0x1FFA0] =	vst v55;
	v55 =	vadd.f32 v19, v7;
	v7 =	vld [tilespmem:$0x1FF40]  }
0x20a: {  	v35 =	vld [tilespmem:s18+$0x8720]  }
0x20b: {  	[tilespmem:$0x1FD00] =	vst v2;
	v2 =	vld [tilespmem:s18+$0x8730]  }
0x20c: {  	v54 =	vld [tilespmem:s18+$0x8710]  }
0x20d: {  	v50 =	vld [tilespmem:s18+$0x86E0]  }
0x20e: {  	v63 =	vadd.f32 v59, v7;
	v7 =	vld [tilespmem:$0x1FF60]  }
0x20f: {  	v52 =	vld [tilespmem:s18+$0x700]  }
0x210: {  	v17 =	vadd.f32 v18, v17;
	v18 =	vadd.f32 v2, v26;
	v26 =	vld [tilespmem:s18+$0x86D0]  }
0x211: {  	v3 =	vld [tilespmem:s18+$0x8760]  }
0x212: {  	v24 =	vld [tilespmem:s18+$0x8790]  }
0x213: {  	v57 =	vsub.f32 v13, v7;
	v7 =	vld [tilespmem:$0x1FF70]  }
0x214: {  	v0 =	vadd.f32 v22, v29;
	v22 =	vld [tilespmem:s18+$0x790]  }
0x215: {  	v32 =	vld [tilespmem:s18+$0x86F0]  }
0x216: {  	v6 =	vld [tilespmem:$0x1FD50]  }
0x217: {  	v29 =	vld [tilespmem:s18+$0x6F0]  }
0x218: {  	v13 =	vsub.f32 v55, v7;
	v7 =	vld [tilespmem:$0x1FF80]  }
0x219: {  	v46 =	vadd.f32 v24, v22;
	v22 =	vld [tilespmem:s18+$0x10680];
	v38 =	vand.u32 $0x7FFFFFFF, v38  }
0x21a: {  	v24 =	vld [tilespmem:s18+$0x10690];
	v34 =	vadd.f32 v38, v34  }
0x21b: {  	v62 =	vsub.f32 v0, v6;
	v0 =	vld [tilespmem:s18+$0x106B0];
	v5 =	vand.u32 $0x7FFFFFFF, v5  }
0x21c: {  	v34 =	vadd.f32 v5, v34;
	v5 =	vld [tilespmem:$0x1FF90]  }
0x21d: {  	v56 =	vsub.f32 v63, v7;
	v7 =	vld [tilespmem:$0x1FFA0]  }
0x21e: {  	v6 =	vld [tilespmem:s18+$0x106E0]  }
0x21f: {  	v10 =	vld [tilespmem:s18+$0x720]  }
0x220: {  	v9 =	vld [tilespmem:s18+$0x740]  }
0x221: {  	v4 =	vld [tilespmem:s18+$0x8750]  }
0x222: {  	v5 =	vadd.f32 v7, v5;
	v7 =	vld [tilespmem:$0x1FFB0]  }
0x223: {  	v48 =	vld [tilespmem:s18+$0x86B0]  }
0x224: {  	v49 =	vld [tilespmem:s18+$0x106C0]  }
0x225: {  	v53 =	vld [tilespmem:s18+$0x710]  }
0x226: {  	v9 =	vadd.f32 v42, v9;
	v42 =	vld [tilespmem:s18+$0x86A0]  }
0x227: {  	v4 =	vadd.f32 v4, v43;
	v5 =	vsub.f32 v5, v7;
	v7 =	vld [tilespmem:$0x1FFC0]  }
0x228: {  	v43 =	vld [tilespmem:s18+$0x6C0]  }
0x229: {  	v4 =	vsub.f32 v4, v51;
	v51 =	vld [tilespmem:s18+$0x620]  }
0x22a: {  	v27 =	vld [tilespmem:s18+$0x6B0]  }
0x22b: {  	v25 =	vld [tilespmem:s18+$0x10630]  }
0x22c: {  	v23 =	vadd.f32 v23, v15;
	v15 =	vsub.f32 v30, v7;
	v7 =	vld [tilespmem:$0x1FFD0]  }
0x22d: {  	v28 =	vld [tilespmem:s18+$0x106A0]  }
0x22e: {  	v44 =	vld [tilespmem:s18+$0x8700]  }
0x22f: {  	v37 =	vld [tilespmem:s18+$0x106D0]  }
0x230: {  	v41 =	vld [tilespmem:s18+$0x6E0]  }
0x231: {  	v23 =	vsub.f32 v23, v7;
	v7 =	vld [tilespmem:$0x1FFE0]  }
0x232: {  	(xrf2) =	vadd.scan.msk.f32 $0xffff, v16;
	v59 =	vld [tilespmem:s18+$0x6A0]  }
0x233: {  	(xrf2) =	vadd.scan.msk.f32 $0xffff, v39;
	v63 =	vld [tilespmem:s18+$0x86C0]  }
0x234: {  	v3 =	vadd.f32 v3, v20;
	(xrf2) =	vadd.scan.msk.f32 $0xffff, v21;
	v20 =	vand.u32 $0x7FFFFFFF, v23;
	v23 =	vld [tilespmem:s18+$0x6D0]  }
0x235: {  	(xrf2) =	vadd.scan.msk.f32 $0xffff, v31;
	v31 =	vld [tilespmem:s18+$0x650]  }
0x236: {  	v9 =	vsub.f32 v9, v47;
	v30 =	vsub.f32 v46, v7;
	v7 =	vld [tilespmem:$0x1FFF0]  }
0x237: {  	v58 =	vld [tilespmem:s18+$0x670]  }
0x238: {  	v10 =	vadd.f32 v35, v10;
	v9 =	vand.u32 $0x7FFFFFFF, v9;
	v38 =	vld [tilespmem:s18+$0x630];
	v16 =	vadd.f32 v63, v43  }
0x239: {  	v19 =	vld [tilespmem:s18+$0x10620];
	v63 =	vadd.f32 v42, v59;
	v2 =	vand.u32 $0x7FFFFFFF, v30;
	v23 =	vadd.f32 v26, v23  }
0x23a: {  	v4 =	vand.u32 $0x7FFFFFFF, v4;
	v55 =	vld [tilespmem:s18+$0x8630];
	v26 =	vadd.f32 v50, v41;
	v2 =	vadd.f32 v2, v20  }
0x23b: {  	v5 =	vand.u32 $0x7FFFFFFF, v5;
	v50 =	vld [tilespmem:s18+$0x8680];
	v20 =	vadd.f32 v4, v9;
	v3 =	vsub.f32 v3, v7  }
0x23c: {  	v9 =	vld [tilespmem:s18+$0x10600];
	v2 =	vadd.f32 v5, v2;
	v5 =	vadd.f32 v32, v29  }
0x23d: {  	v16 =	vsub.f32 v16, v49;
	v4 =	vld [tilespmem:s18+$0x10610];
	v23 =	vsub.f32 v23, v37;
	v29 =	vand.u32 $0x7FFFFFFF, v57  }
0x23e: {  	v57 =	vld [tilespmem:s18+$0x8620];
	v32 =	vsub.f32 v63, v28;
	v3 =	vand.u32 $0x7FFFFFFF, v3;
	v46 =	vsub.f32 v5, v1  }
0x23f: {  	v28 =	vld [tilespmem:s18+$0x8640];
	v30 =	vadd.f32 v3, v20;
	v20 =	vsub.f32 v10, v33  }
0x240: {  	v1 =	vand.u32 $0x7FFFFFFF, v56;
	v56 =	vld [tilespmem:s18+$0x8690];
	v10 =	vadd.f32 v48, v27;
	v27 =	vadd.f32 v44, v52  }
0x241: {  	v26 =	vsub.f32 v26, v6;
	v6 =	vand.u32 $0x7FFFFFFF, v16;
	v2 =	vadd.f32 v29, v2;
	v29 =	vld [tilespmem:s18+$0x600]  }
0x242: {  	v48 =	vld [tilespmem:s18+$0x680];
	v10 =	vsub.f32 v10, v0;
	v0 =	vsub.f32 v27, v14;
	v14 =	vand.u32 $0x7FFFFFFF, v23  }
0x243: {  	v16 =	vadd.f32 v55, v38;
	v52 =	vld [tilespmem:s18+$0x690];
	v14 =	vadd.f32 v14, v6  }
0x244: {  	v26 =	vand.u32 $0x7FFFFFFF, v26;
	v33 =	vld [tilespmem:s18+$0x8610]  }
0x245: {  	v27 =	vld [tilespmem:s18+$0x8600];
	v23 =	vsub.f32 v16, v25;
	v16 =	vadd.f32 v26, v14  }
0x246: {  	v1 =	vadd.f32 v1, v30;
	v30 =	vld [tilespmem:s18+$0x610]  }
0x247: {  	v21 =	vadd.f32 v36, v58;
	v5 =	vld [tilespmem:s18+$0x8660];
	v6 =	vadd.f32 v54, v53  }
0x248: {  	v3 =	vld [tilespmem:s18+$0x660];
	v25 =	vand.u32 $0x7FFFFFFF, v46;
	v35 =	vadd.f32 v50, v48;
	v36 =	vadd.f32 v56, v52;
	v14, _, _ =	vpop (xrf2)  }
0x249: {  	s19 =	simm.s32 $0x18600;
	s20 =	simm.s32 $0x2000;
	v26 =	vld [tilespmem:s18+$0x640];
	v25 =	vadd.f32 v25, v16;
	(xrf2) =	vadd.scan.msk.f32 $0xffff, v34;
	v34 =	vadd.f32 v57, v51;
	v16, _, _ =	vpop (xrf2)  }
.LBB2_2:
0x24a: {  	v27 =	vadd.f32 v27, v29  }
0x24b: {  	v29 =	vld [tilespmem:s18+$0x8650];
	v22 =	vsub.f32 v35, v22;
	v30 =	vadd.f32 v33, v30  }
0x24c: {  	v63 =	vld [tilespmem:s18+$0x10640];
	v24 =	vsub.f32 v36, v24;
	v19 =	vsub.f32 v34, v19  }
0x24d: {  	v3 =	vadd.f32 v5, v3;
	v9 =	vsub.f32 v27, v9;
	v27 =	vld [tilespmem:s18+$0x10650]  }
0x24e: {  	v4 =	vsub.f32 v30, v4;
	v30 =	vld [tilespmem:s18+$0x10660];
	v22 =	vand.u32 $0x7FFFFFFF, v22;
	v24 =	vand.u32 $0x7FFFFFFF, v24  }
0x24f: {  	(xrf2) =	vadd.scan.msk.f32 $0xffff, v2;
	v32 =	vand.u32 $0x7FFFFFFF, v32;
	v5 =	vadd.f32 v24, v22;
	v22 =	vadd.f32 v28, v26  }
0x250: {  	v26 =	vld [tilespmem:s18+$0x10710];
	v9 =	vand.u32 $0x7FFFFFFF, v9;
	v4 =	vand.u32 $0x7FFFFFFF, v4;
	v24 =	vadd.f32 v29, v31  }
0x251: {  	v4 =	vadd.f32 v4, v9;
	v9 =	vld [tilespmem:s18+$0x10670];
	v5 =	vadd.f32 v32, v5  }
0x252: {  	v10 =	vand.u32 $0x7FFFFFFF, v10;
	v2, _, _ =	vpop (xrf2);
	(xrf2) =	vadd.scan.msk.f32 $0xffff, v1;
	v22 =	vsub.f32 v22, v63;
	v24 =	vsub.f32 v24, v27  }
0x253: {  	v19 =	vand.u32 $0x7FFFFFFF, v19;
	v3 =	vsub.f32 v3, v30;
	v5 =	vadd.f32 v10, v5;
	v10 =	vld [tilespmem:s18+$0x107D0]  }
0x254: {  	v4 =	vadd.f32 v19, v4;
	v19 =	vand.u32 $0x7FFFFFFF, v22;
	v22 =	vand.u32 $0x7FFFFFFF, v24;
	v24 =	vld [tilespmem:s18+$0x10730]  }
0x255: {  	v23 =	vand.u32 $0x7FFFFFFF, v23;
	v1, _, _ =	vpop (xrf2);
	(xrf2) =	vadd.scan.msk.f32 $0xffff, v25;
	v6 =	vsub.f32 v6, v26;
	v19 =	vadd.f32 v22, v19  }
0x256: {  	v0 =	vand.u32 $0x7FFFFFFF, v0;
	v25, _, _ =	vpop (xrf2);
	(xrf2) =	vadd.scan.msk.f32 $0xffff, v5;
	v3 =	vand.u32 $0x7FFFFFFF, v3;
	v5 =	vsub.f32 v21, v9;
	v9 =	vld [tilespmem:s18+$0x10890]  }
0x257: {  	v4 =	vadd.f32 v23, v4;
	v6 =	vand.u32 $0x7FFFFFFF, v6;
	v3 =	vadd.f32 v3, v19;
	v19 =	vld [tilespmem:s18+$0x107F0]  }
0x258: {  	v0 =	vadd.f32 v6, v0;
	v5 =	vand.u32 $0x7FFFFFFF, v5;
	v6 =	vsub.f32 v17, v10  }
0x259: {  	v21, _, _ =	vpop (xrf2);
	(xrf2) =	vadd.scan.msk.f32 $0xffff, v4;
	v4 =	vand.u32 $0x7FFFFFFF, v20;
	v10 =	vld [tilespmem:s18+$0x10950];
	v3 =	vadd.f32 v5, v3;
	v5 =	vsub.f32 v18, v24  }
0x25a: {  	v0 =	vadd.f32 v4, v0;
	v4 =	vand.u32 $0x7FFFFFFF, v15;
	v15 =	vld [tilespmem:s18+$0x108B0];
	v6 =	vand.u32 $0x7FFFFFFF, v6  }
0x25b: {  	v4 =	vadd.f32 v6, v4;
	v6 =	vsub.f32 v12, v9;
	v5 =	vand.u32 $0x7FFFFFFF, v5  }
0x25c: {  	v17, _, _ =	vpop (xrf2);
	(xrf2) =	vadd.scan.msk.f32 $0xffff, v3;
	v3 =	vand.u32 $0x7FFFFFFF, v13;
	v0 =	vadd.f32 v5, v0;
	v5 =	vsub.f32 v8, v19  }
0x25d: {  	v3 =	vadd.f32 v3, v4;
	v4 =	vand.u32 $0x7FFFFFFF, v11;
	v6 =	vand.u32 $0x7FFFFFFF, v6  }
0x25e: {  	v4 =	vadd.f32 v6, v4;
	v6 =	vsub.f32 v40, v10;
	v5 =	vand.u32 $0x7FFFFFFF, v5  }
0x25f: {  	v9, _, _ =	vpop (xrf2);
	(xrf2) =	vadd.scan.msk.f32 $0xffff, v0;
	v0 =	vadd.f32 v5, v3;
	v3 =	vand.u32 $0x7FFFFFFF, v60;
	v5 =	vsub.f32 v45, v15  }
0x260: {  	v6 =	vand.u32 $0x7FFFFFFF, v6;
	v3 =	vadd.f32 v3, v4;
	v4 =	vand.u32 $0x7FFFFFFF, v62  }
0x261: {  	v7 =	vld [tilespmem:s18+$0x109D0];
	v5 =	vand.u32 $0x7FFFFFFF, v5;
	v4 =	vadd.f32 v6, v4  }
0x262: {  	v10 =	vld [tilespmem:s18+$0x109E0];
	v8, _, _ =	vpop (xrf2);
	(xrf2) =	vadd.scan.msk.f32 $0xffff, v0;
	v0 =	vadd.f32 v5, v3;
	v3 =	vand.u32 $0x7FFFFFFF, v61  }
0x263: {  	v3 =	vadd.f32 v3, v4;
	v4 =	vld [tilespmem:$0x1FCE0]  }
0x264: {  	v11 =	vld [tilespmem:s18+$0x10970]  }
0x265: {  	v6 =	vld [tilespmem:$0x1FD10]  }
0x266: {  	v5 =	vld [tilespmem:$0x1FD20];
	_ =	sdelay $0x1  }
0x267: {  	v4 =	vsub.f32 v4, v10;
	v10 =	vld [tilespmem:$0x1FD00];
	_ =	sdelay $0x1  }
0x268: {  	v6 =	vsub.f32 v6, v7  }
0x269: {  	v7, _, _ =	vpop (xrf2);
	v12 =	vsub.f32 v5, v11  }
0x26a: {  	v5, _, _ =	vpop (xrf2);
	v6 =	vand.u32 $0x7FFFFFFF, v6  }
0x26b: {  	v5 =	vbroadcast v5, $0xF;
	v11 =	vand.u32 $0x7FFFFFFF, v12;
	v10 =	vand.u32 $0x7FFFFFFF, v10  }
0x26c: {  	(xrf2) =	vadd.scan.msk.f32 $0xffff, v0;
	v0 =	vadd.f32 v11, v3;
	v3 =	vadd.f32 v6, v10;
	v10 =	vbroadcast v7, $0xF;
	_ =	sdelay $0x1  }
0x26d: {  	(xrf2) =	vadd.scan.msk.f32 $0xffff, v0;
	v0 =	vsel vm0, v10, v5;
	v5 =	vld [tilespmem:$0x1FCF0];
	_ =	sdelay $0x2  }
0x26e: {  	v4 =	vand.u32 $0x7FFFFFFF, v4  }
0x26f: {  	v7 =	vbroadcast v8, $0xF;
	v3 =	vadd.f32 v4, v3  }
0x270: {  	v6, _, _ =	vpop (xrf2);
	v4 =	vbroadcast v9, $0xF;
	v5 =	vand.u32 $0x7FFFFFFF, v5  }
0x271: {  	v0 =	vsel vm1, v0, v7;
	v7 =	vbroadcast v6, $0xF;
	v3 =	vadd.f32 v5, v3  }
0x272: {  	v0 =	vsel vm2, v0, v4;
	v4 =	vbroadcast v17, $0xF  }
0x273: {  	v6, _, _ =	vpop (xrf2);
	v0 =	vsel vm3, v0, v7;
	v5 =	vbroadcast v21, $0xF;
	(xrf2) =	vadd.scan.msk.f32 $0xffff, v3  }
0x274: {  	v6 =	vbroadcast v6, $0xF;
	v0 =	vsel vm4, v0, v4  }
0x275: {  	v4 =	vbroadcast v25, $0xF;
	v0 =	vsel vm5, v0, v5  }
0x276: {  	v1 =	vbroadcast v1, $0xF;
	v0 =	vsel vm6, v0, v6;
	v3, _, _ =	vpop (xrf2)  }
0x277: {  	v0 =	vsel vm7, v0, v4;
	v4 =	vbroadcast v3, $0xF  }
0x278: {  	v0 =	vsel vm8, v0, v1;
	v1 =	vbroadcast v2, $0xF  }
0x279: {  	v2 =	vbroadcast v16, $0xF;
	v3, _, _ =	vpop (xrf2);
	v0 =	vsel vm9, v0, v4  }
0x27a: {  	v3 =	vbroadcast v3, $0xF;
	v0 =	vsel vm10, v0, v1  }
0x27b: {  	v0 =	vsel vm11, v0, v2;
	v2 =	vbroadcast v14, $0xF  }
0x27c: {  	v0 =	vsel vm12, v0, v3  }
0x27d: {  	v0 =	vsel vm13, v0, v2;
	v1, _, _ =	vpop (xrf2)  }
0x27e: {  	v0 =	vsel vm14, v0, v1  }
0x27f: {  	v0 =	vsub.f32 $1.200000000e+01, v0  }
0x280: {  	s19 =	sadd.s32 $0x10, s19  }
0x281: {  	s18 =	sshra.s32 s20, $0x2;
	[tilespmem:s19+$0x0] =	vst v0  }
0x282: {  	v0 =	vld [tilespmem:s18+$0x109F0];
	_ =	sdelay $0x4  }
0x283: {  	[tilespmem:$0x1F6B0] =	vst v0;
	v0 =	vld [tilespmem:s18+$0x9F0];
	_ =	sdelay $0x4  }
0x284: {  	[tilespmem:$0x1F680] =	vst v0;
	v0 =	vld [tilespmem:s18+$0x109B0];
	_ =	sdelay $0x4  }
0x285: {  	[tilespmem:$0x1F6E0] =	vst v0;
	v0 =	vld [tilespmem:s18+$0x109C0];
	_ =	sdelay $0x4  }
0x286: {  	[tilespmem:$0x1F720] =	vst v0;
	v0 =	vld [tilespmem:s18+$0x9E0];
	_ =	sdelay $0x4  }
0x287: {  	[tilespmem:$0x1F690] =	vst v0;
	v0 =	vld [tilespmem:s18+$0x89E0];
	_ =	sdelay $0x4  }
0x288: {  	[tilespmem:$0x1F6A0] =	vst v0;
	v0 =	vld [tilespmem:s18+$0x109A0];
	_ =	sdelay $0x4  }
0x289: {  	[tilespmem:$0x1F710] =	vst v0;
	v0 =	vld [tilespmem:s18+$0x9B0];
	_ =	sdelay $0x4  }
0x28a: {  	[tilespmem:$0x1F6C0] =	vst v0;
	v0 =	vld [tilespmem:s18+$0x89B0];
	_ =	sdelay $0x4  }
0x28b: {  	[tilespmem:$0x1F6D0] =	vst v0;
	v0 =	vld [tilespmem:s18+$0x9C0];
	_ =	sdelay $0x4  }
0x28c: {  	[tilespmem:$0x1F6F0] =	vst v0;
	v0 =	vld [tilespmem:s18+$0x89C0];
	_ =	sdelay $0x4  }
0x28d: {  	[tilespmem:$0x1F700] =	vst v0;
	v0 =	vld [tilespmem:s18+$0x9D0];
	_ =	sdelay $0x4  }
0x28e: {  	[tilespmem:$0x1F740] =	vst v0;
	v0 =	vld [tilespmem:s18+$0x89D0];
	_ =	sdelay $0x4  }
0x28f: {  	[tilespmem:$0x1F750] =	vst v0;
	v0 =	vld [tilespmem:s18+$0x10930];
	_ =	sdelay $0x4  }
0x290: {  	[tilespmem:$0x1F760] =	vst v0;
	v0 =	vld [tilespmem:s18+$0x970];
	_ =	sdelay $0x4  }
0x291: {  	[tilespmem:$0x1F770] =	vst v0;
	v0 =	vld [tilespmem:s18+$0x8970];
	_ =	sdelay $0x4  }
0x292: {  	[tilespmem:$0x1F780] =	vst v0;
	v0 =	vld [tilespmem:s18+$0x108F0];
	_ =	sdelay $0x4  }
0x293: {  	[tilespmem:$0x1F7A0] =	vst v0;
	v0 =	vld [tilespmem:s18+$0x10920];
	_ =	sdelay $0x4  }
0x294: {  	[tilespmem:$0x1F7C0] =	vst v0;
	v0 =	vld [tilespmem:s18+$0x930];
	_ =	sdelay $0x4  }
0x295: {  	[tilespmem:$0x1F730] =	vst v0;
	v0 =	vld [tilespmem:s18+$0x10940];
	_ =	sdelay $0x4  }
0x296: {  	[tilespmem:$0x1F7D0] =	vst v0;
	v0 =	vld [tilespmem:s18+$0x108E0];
	_ =	sdelay $0x4  }
0x297: {  	[tilespmem:$0x1F7F0] =	vst v0;
	v0 =	vld [tilespmem:s18+$0x10900];
	_ =	sdelay $0x4  }
0x298: {  	[tilespmem:$0x1F790] =	vst v0;
	v0 =	vld [tilespmem:s18+$0x10910];
	_ =	sdelay $0x4  }
0x299: {  	[tilespmem:$0x1F7B0] =	vst v0;
	v0 =	vld [tilespmem:s18+$0x950];
	_ =	sdelay $0x4  }
0x29a: {  	[tilespmem:$0x1F800] =	vst v0;
	v0 =	vld [tilespmem:s18+$0x8950];
	_ =	sdelay $0x4  }
0x29b: {  	[tilespmem:$0x1F810] =	vst v0;
	v0 =	vld [tilespmem:s18+$0x10870];
	_ =	sdelay $0x4  }
0x29c: {  	[tilespmem:$0x1F840] =	vst v0;
	v0 =	vld [tilespmem:s18+$0x108A0];
	_ =	sdelay $0x4  }
0x29d: {  	[tilespmem:$0x1F850] =	vst v0;
	v0 =	vld [tilespmem:s18+$0x8B0];
	_ =	sdelay $0x4  }
0x29e: {  	[tilespmem:$0x1F820] =	vst v0;
	v0 =	vld [tilespmem:s18+$0x88B0];
	_ =	sdelay $0x4  }
0x29f: {  	[tilespmem:$0x1F830] =	vst v0;
	v0 =	vld [tilespmem:s18+$0x108C0];
	_ =	sdelay $0x4  }
0x2a0: {  	[tilespmem:$0x1F7E0] =	vst v0;
	v0 =	vld [tilespmem:s18+$0x10830];
	_ =	sdelay $0x4  }
0x2a1: {  	[tilespmem:$0x1F860] =	vst v0;
	v0 =	vld [tilespmem:s18+$0x10860];
	_ =	sdelay $0x4  }
0x2a2: {  	[tilespmem:$0x1F890] =	vst v0;
	v0 =	vld [tilespmem:s18+$0x10880];
	_ =	sdelay $0x4  }
0x2a3: {  	[tilespmem:$0x1F8A0] =	vst v0;
	v0 =	vld [tilespmem:s18+$0x10820];
	_ =	sdelay $0x4  }
0x2a4: {  	[tilespmem:$0x1F8F0] =	vst v0;
	v0 =	vld [tilespmem:s18+$0x10840];
	_ =	sdelay $0x4  }
0x2a5: {  	[tilespmem:$0x1F870] =	vst v0;
	v0 =	vld [tilespmem:s18+$0x10850];
	_ =	sdelay $0x4  }
0x2a6: {  	[tilespmem:$0x1F880] =	vst v0;
	v0 =	vld [tilespmem:s18+$0x890];
	_ =	sdelay $0x4  }
0x2a7: {  	[tilespmem:$0x1F8B0] =	vst v0;
	v0 =	vld [tilespmem:s18+$0x107B0];
	_ =	sdelay $0x4  }
0x2a8: {  	[tilespmem:$0x1F900] =	vst v0;
	v0 =	vld [tilespmem:s18+$0x107E0];
	_ =	sdelay $0x4  }
0x2a9: {  	[tilespmem:$0x1F910] =	vst v0;
	v0 =	vld [tilespmem:s18+$0x7F0];
	_ =	sdelay $0x4  }
0x2aa: {  	[tilespmem:$0x1F8D0] =	vst v0;
	v0 =	vld [tilespmem:s18+$0x87F0];
	_ =	sdelay $0x4  }
0x2ab: {  	[tilespmem:$0x1F8E0] =	vst v0;
	v0 =	vld [tilespmem:s18+$0x10800];
	_ =	sdelay $0x4  }
0x2ac: {  	[tilespmem:$0x1F8C0] =	vst v0;
	v0 =	vld [tilespmem:s18+$0x10770];
	_ =	sdelay $0x4  }
0x2ad: {  	[tilespmem:$0x1F920] =	vst v0;
	v0 =	vld [tilespmem:s18+$0x107A0];
	_ =	sdelay $0x4  }
0x2ae: {  	[tilespmem:$0x1F930] =	vst v0;
	v0 =	vld [tilespmem:s18+$0x107C0];
	_ =	sdelay $0x4  }
0x2af: {  	[tilespmem:$0x1F940] =	vst v0;
	v0 =	vld [tilespmem:s18+$0x10760];
	_ =	sdelay $0x4  }
0x2b0: {  	[tilespmem:$0x1F990] =	vst v0;
	v0 =	vld [tilespmem:s18+$0x10780];
	_ =	sdelay $0x3  }
0x2b1: {  	v7 =	vld [tilespmem:s18+$0x7D0]  }
0x2b2: {  	[tilespmem:$0x1F950] =	vst v0;
	v0 =	vld [tilespmem:s18+$0x10790];
	_ =	sdelay $0x2  }
0x2b3: {  	v49 =	vld [tilespmem:s18+$0x89F0]  }
0x2b4: {  	[tilespmem:$0x1F970] =	vst v7;
	v7 =	vld [tilespmem:s18+$0x87D0]  }
0x2b5: {  	[tilespmem:$0x1F960] =	vst v0;
	v0 =	vld [tilespmem:$0x1F680];
	_ =	sdelay $0x3  }
0x2b6: {  	[tilespmem:$0x1F980] =	vst v7;
	v7 =	vld [tilespmem:$0x1F6A0]  }
0x2b7: {  	v0 =	vadd.f32 v49, v0;
	v49 =	vld [tilespmem:$0x1F690];
	_ =	sdelay $0x4  }
0x2b8: {  	v49 =	vadd.f32 v7, v49  }
0x2b9: {  	v14 =	vld [tilespmem:s18+$0x990]  }
0x2ba: {  	[tilespmem:$0x1FCE0] =	vst v49;
	v49 =	vld [tilespmem:$0x1F6B0]  }
0x2bb: {  	v10 =	vld [tilespmem:s18+$0x8990];
	_ =	sdelay $0x2  }
0x2bc: {  	v19 =	vld [tilespmem:s18+$0x980]  }
0x2bd: {  	v18 =	vld [tilespmem:s18+$0x8980];
	v0 =	vsub.f32 v0, v49  }
0x2be: {  	v10 =	vadd.f32 v10, v14;
	v14 =	vld [tilespmem:s18+$0x10720]  }
0x2bf: {  	[tilespmem:$0x1FCF0] =	vst v0;
	v0 =	vld [tilespmem:s18+$0x106F0]  }
0x2c0: {  	v27 =	vld [tilespmem:s18+$0x9A0]  }
0x2c1: {  	v25 =	vld [tilespmem:s18+$0x89A0];
	_ =	sdelay $0x1  }
0x2c2: {  	[tilespmem:$0x1F9B0] =	vst v14;
	v14 =	vld [tilespmem:$0x1F6C0]  }
0x2c3: {  	[tilespmem:$0x1F9A0] =	vst v0;
	v0 =	vadd.f32 v18, v19;
	v18 =	vld [tilespmem:$0x1F6D0]  }
0x2c4: {  	v36 =	vld [tilespmem:s18+$0x10980]  }
0x2c5: {  	v19 =	vadd.f32 v25, v27;
	v27 =	vld [tilespmem:$0x1F6E0];
	_ =	sdelay $0x2  }
0x2c6: {  	v34 =	vld [tilespmem:s18+$0x10990];
	v25 =	vadd.f32 v18, v14  }
0x2c7: {  	v0 =	vsub.f32 v0, v36;
	v36 =	vld [tilespmem:$0x1F700]  }
0x2c8: {  	v25 =	vsub.f32 v25, v27;
	v27 =	vld [tilespmem:$0x1F6F0];
	_ =	sdelay $0x1  }
0x2c9: {  	v7 =	vld [tilespmem:$0x1F720];
	_ =	sdelay $0x1  }
0x2ca: {  	v10 =	vsub.f32 v10, v34  }
0x2cb: {  	v36 =	vadd.f32 v36, v27  }
0x2cc: {  	v59 =	vld [tilespmem:s18+$0x8930];
	v10 =	vand.u32 $0x7FFFFFFF, v10;
	v0 =	vand.u32 $0x7FFFFFFF, v0  }
0x2cd: {  	v0 =	vadd.f32 v10, v0;
	v10 =	vsub.f32 v36, v7;
	v7 =	vld [tilespmem:$0x1F730];
	_ =	sdelay $0x3  }
0x2ce: {  	v49 =	vld [tilespmem:$0x1F710]  }
0x2cf: {  	[tilespmem:$0x1FD00] =	vst v10;
	v10 =	vadd.f32 v59, v7;
	v7 =	vld [tilespmem:$0x1F740]  }
0x2d0: {  	v59 =	vld [tilespmem:$0x1F750];
	_ =	sdelay $0x4  }
0x2d1: {  	v19 =	vsub.f32 v19, v49;
	v49 =	vadd.f32 v59, v7;
	v7 =	vld [tilespmem:$0x1F760];
	_ =	sdelay $0x3  }
0x2d2: {  	v19 =	vand.u32 $0x7FFFFFFF, v19  }
0x2d3: {  	v0 =	vadd.f32 v19, v0;
	v19 =	vsub.f32 v10, v7;
	v7 =	vld [tilespmem:$0x1F770]  }
0x2d4: {  	v10 =	vld [tilespmem:$0x1F780];
	_ =	sdelay $0x4  }
0x2d5: {  	v7 =	vadd.f32 v10, v7;
	_ =	sdelay $0x1  }
0x2d6: {  	[tilespmem:$0x1FD20] =	vst v7;
	v7 =	vld [tilespmem:s18+$0x106B0]  }
0x2d7: {  	v54 =	vld [tilespmem:s18+$0x960]  }
0x2d8: {  	v17 =	vld [tilespmem:s18+$0x900]  }
0x2d9: {  	v11 =	vld [tilespmem:s18+$0x8900]  }
0x2da: {  	v62 =	vld [tilespmem:s18+$0x8960]  }
0x2db: {  	[tilespmem:$0x1F9C0] =	vst v7;
	v7 =	vld [tilespmem:$0x1F790]  }
0x2dc: {  	v61 =	vld [tilespmem:s18+$0x10960]  }
0x2dd: {  	v58 =	vld [tilespmem:s18+$0x8F0]  }
0x2de: {  	v48 =	vld [tilespmem:s18+$0x88F0];
	v11 =	vadd.f32 v11, v17;
	_ =	sdelay $0x1  }
0x2df: {  	v54 =	vadd.f32 v62, v54;
	v11 =	vsub.f32 v11, v7;
	v7 =	vld [tilespmem:$0x1F7A0];
	_ =	sdelay $0x1  }
0x2e0: {  	v16 =	vld [tilespmem:s18+$0x910];
	v61 =	vsub.f32 v54, v61;
	v25 =	vand.u32 $0x7FFFFFFF, v25  }
0x2e1: {  	v8 =	vld [tilespmem:s18+$0x8910];
	v54 =	vadd.f32 v25, v0;
	v25 =	vadd.f32 v48, v58;
	_ =	sdelay $0x1  }
0x2e2: {  	v25 =	vsub.f32 v25, v7;
	v7 =	vld [tilespmem:$0x1F7B0];
	_ =	sdelay $0x1  }
0x2e3: {  	v45 =	vld [tilespmem:s18+$0x920]  }
0x2e4: {  	v37 =	vld [tilespmem:s18+$0x8920];
	v8 =	vadd.f32 v8, v16;
	_ =	sdelay $0x1  }
0x2e5: {  	v8 =	vsub.f32 v8, v7;
	v7 =	vld [tilespmem:$0x1F7C0];
	_ =	sdelay $0x1  }
0x2e6: {  	v46 =	vld [tilespmem:s18+$0x940]  }
0x2e7: {  	v41 =	vld [tilespmem:s18+$0x8940];
	v16 =	vadd.f32 v37, v45;
	_ =	sdelay $0x1  }
0x2e8: {  	v48 =	vsub.f32 v16, v7;
	v7 =	vld [tilespmem:$0x1F7D0]  }
0x2e9: {  	v53 =	vld [tilespmem:s18+$0x108D0]  }
0x2ea: {  	v13 =	vld [tilespmem:s18+$0x8C0]  }
0x2eb: {  	v6 =	vld [tilespmem:s18+$0x88C0];
	v62 =	vadd.f32 v41, v46  }
0x2ec: {  	v3 =	vld [tilespmem:s18+$0x8D0]  }
0x2ed: {  	v62 =	vsub.f32 v62, v7;
	v7 =	vld [tilespmem:$0x1F7E0]  }
0x2ee: {  	v1 =	vld [tilespmem:s18+$0x88D0]  }
0x2ef: {  	v40 =	vld [tilespmem:s18+$0x8E0]  }
0x2f0: {  	v28 =	vld [tilespmem:s18+$0x88E0];
	v6 =	vadd.f32 v6, v13  }
0x2f1: {  	v51 =	vld [tilespmem:s18+$0x870]  }
0x2f2: {  	v6 =	vsub.f32 v6, v7;
	v7 =	vld [tilespmem:$0x1F7F0]  }
0x2f3: {  	v60 =	vld [tilespmem:s18+$0x8870];
	v3 =	vadd.f32 v1, v3  }
0x2f4: {  	v57 =	vld [tilespmem:s18+$0x8A0]  }
0x2f5: {  	v47 =	vld [tilespmem:s18+$0x88A0];
	v13 =	vsub.f32 v3, v53;
	v1 =	vand.u32 $0x7FFFFFFF, v8;
	v8 =	vadd.f32 v28, v40  }
0x2f6: {  	v30 =	vld [tilespmem:s18+$0x830]  }
0x2f7: {  	v29 =	vld [tilespmem:s18+$0x8830];
	v13 =	vand.u32 $0x7FFFFFFF, v13;
	v6 =	vand.u32 $0x7FFFFFFF, v6;
	v8 =	vsub.f32 v8, v7  }
0x2f8: {  	v43 =	vld [tilespmem:s18+$0x860];
	v6 =	vadd.f32 v13, v6  }
0x2f9: {  	v39 =	vld [tilespmem:s18+$0x8860];
	v11 =	vand.u32 $0x7FFFFFFF, v11;
	v8 =	vand.u32 $0x7FFFFFFF, v8  }
0x2fa: {  	v11 =	vadd.f32 v1, v11;
	v6 =	vadd.f32 v8, v6;
	v8 =	vld [tilespmem:$0x1F840]  }
0x2fb: {  	v28 =	vand.u32 $0x7FFFFFFF, v48;
	v48 =	vld [tilespmem:$0x1F830]  }
0x2fc: {  	v11 =	vadd.f32 v28, v11;
	v28 =	vld [tilespmem:$0x1F820]  }
0x2fd: {  	v44 =	vld [tilespmem:s18+$0x880];
	v13 =	vand.u32 $0x7FFFFFFF, v19;
	v19 =	vadd.f32 v60, v51  }
0x2fe: {  	v38 =	vld [tilespmem:s18+$0x8880]  }
0x2ff: {  	v19 =	vsub.f32 v19, v8;
	v8 =	vld [tilespmem:$0x1F850]  }
0x300: {  	v52 =	vld [tilespmem:s18+$0x8890]  }
0x301: {  	v56 =	vld [tilespmem:s18+$0x10810];
	v45 =	vadd.f32 v48, v28  }
0x302: {  	v35 =	vld [tilespmem:s18+$0x820];
	v48 =	vadd.f32 v13, v11;
	v11 =	vadd.f32 v47, v57  }
0x303: {  	v32 =	vld [tilespmem:s18+$0x8820]  }
0x304: {  	v60 =	vsub.f32 v11, v8;
	v8 =	vld [tilespmem:$0x1F860]  }
0x305: {  	v15 =	vld [tilespmem:s18+$0x840]  }
0x306: {  	v9 =	vld [tilespmem:s18+$0x8840]  }
0x307: {  	v12 =	vld [tilespmem:s18+$0x850];
	v13 =	vadd.f32 v29, v30  }
0x308: {  	v5 =	vld [tilespmem:s18+$0x8850]  }
0x309: {  	v47 =	vsub.f32 v13, v8;
	v8 =	vld [tilespmem:$0x1F870]  }
0x30a: {  	v55 =	vld [tilespmem:s18+$0x7B0]  }
0x30b: {  	v63 =	vld [tilespmem:s18+$0x87B0]  }
0x30c: {  	v42 =	vld [tilespmem:s18+$0x7E0];
	v9 =	vadd.f32 v9, v15  }
0x30d: {  	v33 =	vld [tilespmem:s18+$0x87E0]  }
0x30e: {  	v9 =	vsub.f32 v9, v8;
	v8 =	vld [tilespmem:$0x1F880]  }
0x30f: {  	v50 =	vld [tilespmem:s18+$0x800]  }
0x310: {  	v4 =	vld [tilespmem:s18+$0x8800]  }
0x311: {  	v2 =	vld [tilespmem:s18+$0x810];
	v5 =	vadd.f32 v5, v12  }
0x312: {  	v24 =	vld [tilespmem:s18+$0x8810]  }
0x313: {  	v5 =	vsub.f32 v5, v8;
	v8 =	vld [tilespmem:$0x1F890]  }
0x314: {  	v22 =	vld [tilespmem:s18+$0x770]  }
0x315: {  	v20 =	vld [tilespmem:s18+$0x8770]  }
0x316: {  	v31 =	vld [tilespmem:s18+$0x7A0];
	v11 =	vadd.f32 v39, v43  }
0x317: {  	v26 =	vld [tilespmem:s18+$0x87A0]  }
0x318: {  	v13 =	vsub.f32 v11, v8;
	v8 =	vld [tilespmem:$0x1F8A0]  }
0x319: {  	v23 =	vld [tilespmem:s18+$0x7C0]  }
0x31a: {  	v21 =	vld [tilespmem:s18+$0x87C0]  }
0x31b: {  	v17 =	vld [tilespmem:s18+$0x8790];
	v12 =	vadd.f32 v38, v44  }
0x31c: {  	v41 =	vld [tilespmem:s18+$0x6F0]  }
0x31d: {  	v11 =	vsub.f32 v12, v8;
	v8 =	vld [tilespmem:$0x1F8B0]  }
0x31e: {  	v37 =	vld [tilespmem:s18+$0x10700]  }
0x31f: {  	v38 =	vld [tilespmem:s18+$0x106D0]  }
0x320: {  	v44 =	vld [tilespmem:s18+$0x700]  }
0x321: {  	v15 =	vadd.f32 v32, v35;
	v32 =	vld [tilespmem:s18+$0x8700]  }
0x322: {  	v12 =	vadd.f32 v52, v8;
	v8 =	vld [tilespmem:$0x1F8C0]  }
0x323: {  	v35 =	vld [tilespmem:s18+$0x710]  }
0x324: {  	v4 =	vadd.f32 v4, v50;
	v50 =	vld [tilespmem:s18+$0x8710]  }
0x325: {  	v2 =	vadd.f32 v24, v2;
	v24 =	vld [tilespmem:s18+$0x10690];
	v9 =	vand.u32 $0x7FFFFFFF, v9;
	v5 =	vand.u32 $0x7FFFFFFF, v5  }
0x326: {  	v5 =	vadd.f32 v5, v9;
	v9 =	vand.u32 $0x7FFFFFFF, v13;
	v13 =	vld [tilespmem:$0x1F8E0]  }
0x327: {  	v4 =	vsub.f32 v4, v8;
	v8 =	vld [tilespmem:$0x1F8D0]  }
0x328: {  	v34 =	vld [tilespmem:s18+$0x10750]  }
0x329: {  	v3 =	vld [tilespmem:s18+$0x8720]  }
0x32a: {  	v53 =	vld [tilespmem:s18+$0x740]  }
0x32b: {  	v2 =	vsub.f32 v2, v56;
	v56 =	vld [tilespmem:s18+$0x630]  }
0x32c: {  	v8 =	vadd.f32 v13, v8;
	v13 =	vld [tilespmem:$0x1F8F0]  }
0x32d: {  	v46 =	vld [tilespmem:$0x1F810]  }
0x32e: {  	v18 =	vld [tilespmem:s18+$0x730]  }
0x32f: {  	v14 =	vld [tilespmem:s18+$0x8730]  }
0x330: {  	v2 =	vand.u32 $0x7FFFFFFF, v2;
	v0 =	vld [tilespmem:s18+$0x790]  }
0x331: {  	v58 =	vld [tilespmem:s18+$0x106E0];
	v5 =	vadd.f32 v9, v5;
	v4 =	vand.u32 $0x7FFFFFFF, v4;
	v13 =	vsub.f32 v15, v13  }
0x332: {  	v27 =	vld [tilespmem:s18+$0x10740];
	v9 =	vand.u32 $0x7FFFFFFF, v19;
	v2 =	vadd.f32 v2, v4  }
0x333: {  	v36 =	vld [tilespmem:s18+$0x760];
	v52 =	vadd.f32 v9, v5;
	v9 =	vand.u32 $0x7FFFFFFF, v13  }
0x334: {  	v2 =	vadd.f32 v9, v2;
	v9 =	vld [tilespmem:$0x1F900]  }
0x335: {  	v59 =	vld [tilespmem:s18+$0x8760]  }
0x336: {  	[tilespmem:$0x1FD10] =	vst v49;
	v49 =	vld [tilespmem:s18+$0x780]  }
0x337: {  	v10 =	vld [tilespmem:s18+$0x8780];
	v4 =	vadd.f32 v63, v55  }
0x338: {  	(xrf2) =	vadd.scan.msk.f32 $0xffff, v54;
	v54 =	vld [tilespmem:s18+$0x690]  }
0x339: {  	v15 =	vadd.f32 v20, v22;
	v20 =	vsub.f32 v4, v9;
	v4 =	vld [tilespmem:$0x1F910]  }
0x33a: {  	v0 =	vadd.f32 v17, v0;
	v17 =	vld [tilespmem:$0x1F970]  }
0x33b: {  	v36 =	vadd.f32 v59, v36;
	v59 =	vld [tilespmem:s18+$0x6D0]  }
0x33c: {  	v5 =	vadd.f32 v33, v42;
	v9 =	vadd.f32 v10, v49;
	v10 =	vld [tilespmem:$0x1F930]  }
0x33d: {  	v40 =	vld [tilespmem:s18+$0x8740]  }
0x33e: {  	v1 =	vld [tilespmem:s18+$0x720];
	v13 =	vsub.f32 v5, v4;
	v4 =	vand.u32 $0x7FFFFFFF, v47  }
0x33f: {  	v16 =	vld [tilespmem:s18+$0x86F0];
	v55 =	vadd.f32 v4, v2;
	v2 =	vadd.f32 v26, v31  }
0x340: {  	v5 =	vld [tilespmem:$0x1F920]  }
0x341: {  	v2 =	vsub.f32 v2, v10;
	v10 =	vld [tilespmem:$0x1F940]  }
0x342: {  	v28 =	vld [tilespmem:s18+$0x10630]  }
0x343: {  	v51 =	vld [tilespmem:s18+$0x8750]  }
0x344: {  	v7 =	vld [tilespmem:$0x1F800];
	v4 =	vadd.f32 v21, v23  }
0x345: {  	v29 =	vand.u32 $0x7FFFFFFF, v25;
	v25 =	vld [tilespmem:s18+$0x106A0]  }
0x346: {  	v5 =	vsub.f32 v15, v5;
	v15 =	vsub.f32 v4, v10;
	v4 =	vld [tilespmem:$0x1F950]  }
0x347: {  	v57 =	vld [tilespmem:s18+$0x86B0]  }
0x348: {  	v30 =	vld [tilespmem:s18+$0x106C0]  }
0x349: {  	v7 =	vadd.f32 v46, v7;
	v46 =	vld [tilespmem:s18+$0x750]  }
0x34a: {  	v6 =	vadd.f32 v29, v6;
	v29 =	vld [tilespmem:s18+$0x6B0]  }
0x34b: {  	v4 =	vsub.f32 v9, v4;
	v9 =	vld [tilespmem:$0x1F960]  }
0x34c: {  	v39 =	vld [tilespmem:s18+$0x6E0]  }
0x34d: {  	v43 =	vld [tilespmem:s18+$0x86E0]  }
0x34e: {  	v19 =	vld [tilespmem:s18+$0x10620]  }
0x34f: {  	v33 =	vld [tilespmem:s18+$0x8630]  }
0x350: {  	v42 =	vld [tilespmem:s18+$0x670];
	v0 =	vsub.f32 v0, v9  }
0x351: {  	v63 =	vld [tilespmem:s18+$0x86D0]  }
0x352: {  	v22 =	vld [tilespmem:s18+$0x10680];
	v4 =	vand.u32 $0x7FFFFFFF, v4;
	v0 =	vand.u32 $0x7FFFFFFF, v0  }
0x353: {  	v49 =	vld [tilespmem:s18+$0x620];
	v0 =	vadd.f32 v0, v4  }
0x354: {  	v47 =	vld [tilespmem:s18+$0x8670];
	v2 =	vand.u32 $0x7FFFFFFF, v2  }
0x355: {  	v21 =	vld [tilespmem:s18+$0x6A0];
	v0 =	vadd.f32 v2, v0  }
0x356: {  	v23 =	vld [tilespmem:s18+$0x86A0];
	v2 =	vand.u32 $0x7FFFFFFF, v20  }
0x357: {  	v2 =	vadd.f32 v2, v0;
	v0 =	vld [tilespmem:$0x1F9A0]  }
0x358: {  	v4 =	vld [tilespmem:$0x1F990]  }
0x359: {  	v26 =	vadd.f32 v51, v46;
	v31 =	vld [tilespmem:s18+$0x86C0];
	v9 =	vadd.f32 v40, v53  }
0x35a: {  	v16 =	vadd.f32 v16, v41;
	v51 =	vld [tilespmem:s18+$0x8620]  }
0x35b: {  	v26 =	vsub.f32 v26, v34;
	v53 =	vld [tilespmem:$0x1F980];
	v27 =	vsub.f32 v9, v27  }
0x35c: {  	v18 =	vadd.f32 v14, v18;
	v16 =	vsub.f32 v16, v0;
	v0 =	vld [tilespmem:$0x1F9B0]  }
0x35d: {  	v26 =	vand.u32 $0x7FFFFFFF, v26;
	v10 =	vld [tilespmem:s18+$0x6C0];
	v14 =	vand.u32 $0x7FFFFFFF, v27;
	v27 =	vsub.f32 v36, v4  }
0x35e: {  	v40 =	vmov v7;
	v7 =	vld [tilespmem:$0x1F9C0];
	v14 =	vadd.f32 v26, v14  }
0x35f: {  	v1 =	vadd.f32 v3, v1;
	v26 =	vadd.f32 v57, v29;
	v57 =	vld [tilespmem:s18+$0x8690];
	v3 =	vand.u32 $0x7FFFFFFF, v27  }
0x360: {  	v34 =	vadd.f32 v51, v49;
	v9 =	vld [tilespmem:s18+$0x10600];
	v14 =	vadd.f32 v3, v14  }
0x361: {  	v17 =	vadd.f32 v53, v17;
	v53 =	vld [tilespmem:s18+$0x680];
	v20 =	vsub.f32 v1, v0;
	v0 =	vand.u32 $0x7FFFFFFF, v5  }
0x362: {  	(xrf2) =	vadd.scan.msk.f32 $0xffff, v48;
	v29 =	vadd.f32 v32, v44;
	v4 =	vld [tilespmem:s18+$0x10610];
	v1 =	vadd.f32 v0, v14  }
0x363: {  	v27 =	vld [tilespmem:s18+$0x8600];
	v0 =	vadd.f32 v31, v10;
	v10 =	vadd.f32 v63, v59  }
0x364: {  	v36 =	vadd.f32 v57, v54;
	v3 =	vld [tilespmem:s18+$0x660];
	v14 =	vadd.f32 v43, v39  }
0x365: {  	v5 =	vld [tilespmem:s18+$0x8660];
	v0 =	vsub.f32 v0, v30;
	v30 =	vsub.f32 v10, v38  }
0x366: {  	v31 =	vld [tilespmem:s18+$0x8680];
	v10 =	vsub.f32 v26, v7;
	v14 =	vsub.f32 v14, v58  }
0x367: {  	p0 =	sne.s32 s20, $0x1F000;
	(xrf2) =	vadd.scan.msk.f32 $0xffff, v6;
	v58 =	vadd.f32 v33, v56;
	v33 =	vld [tilespmem:s18+$0x8610];
	v6 =	vand.u32 $0x7FFFFFFF, v0;
	v26 =	vand.u32 $0x7FFFFFFF, v30  }
.Ltmp0:
0x368: {  	v0 =	vsub.f32 v29, v37;
	v29 =	vld [tilespmem:s18+$0x600];
	v26 =	vadd.f32 v26, v6;
	(pc) =	sbr.rel @p0 .LBB2_2-.Ltmp0, $4  }
0x369: {  	v59 =	vadd.f32 v23, v21;
	v21 =	vadd.f32 v47, v42;
	v30 =	vld [tilespmem:s18+$0x610];
	v7 =	vand.u32 $0x7FFFFFFF, v14  }
0x36a: {  	v23 =	vsub.f32 v58, v28;
	v28 =	vld [tilespmem:s18+$0x8640];
	v63 =	vadd.f32 v7, v26  }
0x36b: {  	(xrf2) =	vadd.scan.msk.f32 $0xffff, v52;
	v6 =	vadd.f32 v50, v35;
	v35 =	vadd.f32 v31, v53;
	v31 =	vld [tilespmem:s18+$0x650];
	v14, _, _ =	vpop (xrf2);
	v7 =	vand.u32 $0x7FFFFFFF, v16  }
0x36c: {  	s20 =	sadd.s32 $0x1000, s20;
	v32 =	vsub.f32 v59, v25;
	(xrf2) =	vadd.scan.msk.f32 $0xffff, v55;
	v26 =	vld [tilespmem:s18+$0x640];
	v16, _, _ =	vpop (xrf2);
	v25 =	vadd.f32 v7, v63  }
0x36d: {  	v27 =	vadd.f32 v27, v29;
	v39 =	vld [tilespmem:s18+$0x8650];
	v22 =	vsub.f32 v35, v22  }
0x36e: {  	v41 =	vld [tilespmem:s18+$0x10640];
	v24 =	vsub.f32 v36, v24;
	v19 =	vsub.f32 v34, v19  }
0x36f: {  	v42 =	vld [tilespmem:s18+$0x10650];
	v3 =	vadd.f32 v5, v3;
	v30 =	vadd.f32 v33, v30  }
0x370: {  	v43 =	vld [tilespmem:s18+$0x10660];
	v9 =	vsub.f32 v27, v9;
	v22 =	vand.u32 $0x7FFFFFFF, v22;
	v24 =	vand.u32 $0x7FFFFFFF, v24  }
0x371: {  	v48 =	vld [tilespmem:s18+$0x10710];
	v10 =	vand.u32 $0x7FFFFFFF, v10;
	v4 =	vsub.f32 v30, v4;
	v44 =	vadd.f32 v24, v22  }
0x372: {  	v49 =	vld [tilespmem:s18+$0x10670];
	v32 =	vand.u32 $0x7FFFFFFF, v32;
	v46 =	vadd.f32 v28, v26;
	v47 =	vadd.f32 v39, v31  }
0x373: {  	v50 =	vld [tilespmem:s18+$0x107D0];
	v23 =	vand.u32 $0x7FFFFFFF, v23;
	v9 =	vand.u32 $0x7FFFFFFF, v9;
	v5 =	vadd.f32 v32, v44  }
0x374: {  	v4 =	vand.u32 $0x7FFFFFFF, v4;
	v22 =	vsub.f32 v46, v41;
	v24 =	vsub.f32 v47, v42  }
0x375: {  	v19 =	vand.u32 $0x7FFFFFFF, v19;
	v3 =	vsub.f32 v3, v43;
	v4 =	vadd.f32 v4, v9  }
0x376: {  	v53 =	vld [tilespmem:s18+$0x10730];
	v6 =	vsub.f32 v6, v48;
	v51 =	vand.u32 $0x7FFFFFFF, v22;
	v52 =	vand.u32 $0x7FFFFFFF, v24  }
0x377: {  	v56 =	vld [tilespmem:s18+$0x10890];
	v0 =	vand.u32 $0x7FFFFFFF, v0;
	v4 =	vadd.f32 v19, v4;
	v19 =	vadd.f32 v52, v51  }
0x378: {  	(xrf2) =	vadd.scan.msk.f32 $0xffff, v2;
	v59 =	vld [tilespmem:s18+$0x107F0];
	v55 =	vsub.f32 v21, v49;
	v63 =	vsub.f32 v17, v50;
	v3 =	vand.u32 $0x7FFFFFFF, v3  }
0x379: {  	v36 =	vld [tilespmem:$0x1FD10];
	(xrf2) =	vadd.scan.msk.f32 $0xffff, v1;
	v5 =	vadd.f32 v10, v5;
	v58 =	vand.u32 $0x7FFFFFFF, v6;
	v57 =	vadd.f32 v3, v19  }
0x37a: {  	(xrf2) =	vadd.scan.msk.f32 $0xffff, v25;
	v25 =	vld [tilespmem:s18+$0x109D0];
	v0 =	vadd.f32 v58, v0;
	v54 =	vadd.f32 v23, v4;
	v4 =	vand.u32 $0x7FFFFFFF, v55  }
0x37b: {  	v17 =	vand.u32 $0x7FFFFFFF, v20;
	v18 =	vsub.f32 v18, v53;
	(xrf2) =	vadd.scan.msk.f32 $0xffff, v5;
	v19 =	vld [tilespmem:s18+$0x10950];
	v1 =	vadd.f32 v4, v57  }
0x37c: {  	v20 =	vand.u32 $0x7FFFFFFF, v15;
	v21 =	vld [tilespmem:s18+$0x108B0];
	v0 =	vadd.f32 v17, v0;
	(xrf2) =	vadd.scan.msk.f32 $0xffff, v54;
	v3 =	vand.u32 $0x7FFFFFFF, v63  }
0x37d: {  	v27 =	vld [tilespmem:s18+$0x10970];
	v22 =	vsub.f32 v12, v56;
	v5 =	vand.u32 $0x7FFFFFFF, v18;
	v2 =	vadd.f32 v3, v20;
	(xrf2) =	vadd.scan.msk.f32 $0xffff, v1  }
0x37e: {  	v39 =	vld [tilespmem:$0x1FD20];
	v24 =	vsub.f32 v8, v59;
	v23 =	vand.u32 $0x7FFFFFFF, v13;
	v0 =	vadd.f32 v5, v0  }
0x37f: {  	v30 =	vld [tilespmem:s18+$0x109E0];
	v7, _, _ =	vpop (xrf2);
	v26 =	vand.u32 $0x7FFFFFFF, v11;
	v3 =	vand.u32 $0x7FFFFFFF, v22;
	v1 =	vadd.f32 v23, v2  }
0x380: {  	v43 =	vld [tilespmem:$0x1FD00];
	v28, _, _ =	vpop (xrf2);
	v5 =	vand.u32 $0x7FFFFFFF, v24;
	v2 =	vadd.f32 v3, v26;
	v29 =	vsub.f32 v40, v19;
	(xrf2) =	vadd.scan.msk.f32 $0xffff, v0  }
0x381: {  	v32 =	vand.u32 $0x7FFFFFFF, v60;
	v41 =	vld [tilespmem:$0x1FCE0];
	v31, _, _ =	vpop (xrf2);
	v4 =	vsub.f32 v45, v21;
	v1 =	vadd.f32 v5, v1  }
0x382: {  	v34 =	vand.u32 $0x7FFFFFFF, v62;
	v33, _, _ =	vpop (xrf2);
	v2 =	vadd.f32 v32, v2;
	v3 =	vand.u32 $0x7FFFFFFF, v29  }
0x383: {  	v6 =	vsub.f32 v39, v27;
	v35, _, _ =	vpop (xrf2);
	v4 =	vand.u32 $0x7FFFFFFF, v4;
	v3 =	vadd.f32 v3, v34;
	(xrf2) =	vadd.scan.msk.f32 $0xffff, v1  }
0x384: {  	v38 =	vand.u32 $0x7FFFFFFF, v61;
	v37, _, _ =	vpop (xrf2);
	v5 =	vsub.f32 v36, v25;
	v2 =	vadd.f32 v4, v2  }
0x385: {  	v49 =	vld [tilespmem:$0x1FCF0];
	v13 =	vand.u32 $0x7FFFFFFF, v43;
	v40, _, _ =	vpop (xrf2);
	v3 =	vadd.f32 v38, v3  }
0x386: {  	v6 =	vand.u32 $0x7FFFFFFF, v6;
	v4 =	vsub.f32 v41, v30;
	v5 =	vand.u32 $0x7FFFFFFF, v5;
	v42, _, _ =	vpop (xrf2);
	(xrf2) =	vadd.scan.msk.f32 $0xffff, v2  }
0x387: {  	v45 =	vadd.f32 v5, v13;
	v44 =	vadd.f32 v6, v3;
	v46, _, _ =	vpop (xrf2)  }
0x388: {  	v4 =	vand.u32 $0x7FFFFFFF, v4;
	v47 =	vbroadcast v42, $0xF;
	v5 =	vbroadcast v46, $0xF  }
0x389: {  	v9 =	vbroadcast v40, $0xF;
	v3 =	vadd.f32 v4, v45;
	(xrf2) =	vadd.scan.msk.f32 $0xffff, v44  }
0x38a: {  	v1 =	vbroadcast v37, $0xF;
	v4 =	vand.u32 $0x7FFFFFFF, v49;
	v50, _, _ =	vpop (xrf2);
	v48 =	vsel vm0, v47, v5  }
0x38b: {  	v3 =	vadd.f32 v4, v3;
	v5 =	vbroadcast v50, $0xF;
	v2 =	vsel vm1, v48, v9  }
0x38c: {  	v51 =	vbroadcast v35, $0xF;
	v1 =	vsel vm2, v2, v1  }
0x38d: {  	v52 =	vbroadcast v33, $0xF;
	v53, _, _ =	vpop (xrf2);
	(xrf2) =	vadd.scan.msk.f32 $0xffff, v3;
	v1 =	vsel vm3, v1, v5  }
0x38e: {  	v54 =	vbroadcast v53, $0xF;
	v1 =	vsel vm4, v1, v51  }
0x38f: {  	v0 =	vbroadcast v31, $0xF;
	v1 =	vsel vm5, v1, v52  }
0x390: {  	v55 =	vbroadcast v28, $0xF;
	v56, _, _ =	vpop (xrf2);
	v1 =	vsel vm6, v1, v54  }
0x391: {  	v57 =	vbroadcast v56, $0xF;
	v0 =	vsel vm7, v1, v0  }
0x392: {  	v58 =	vbroadcast v7, $0xF;
	v0 =	vsel vm8, v0, v55  }
0x393: {  	v59 =	vbroadcast v16, $0xF;
	v60, _, _ =	vpop (xrf2);
	v0 =	vsel vm9, v0, v57  }
0x394: {  	v61 =	vbroadcast v60, $0xF;
	v0 =	vsel vm10, v0, v58  }
0x395: {  	v62 =	vbroadcast v14, $0xF;
	v0 =	vsel vm11, v0, v59  }
0x396: {  	v0 =	vsel vm12, v0, v61  }
0x397: {  	v63, _, _ =	vpop (xrf2);
	v0 =	vsel vm13, v0, v62  }
0x398: {  	v0 =	vsel vm14, v0, v63  }
0x399: {  	s17 =	sadd.s32 $0x1, s17;
	v0 =	vsub.f32 $1.200000000e+01, v0  }
0x39a: {  	s20 =	sadd.s32 $0x10, s19;
	p0 =	sne.s32 s17, s9  }
.Ltmp1:
0x39b: {  	[tilespmem:s20+$0x0] =	vst v0;
	(pc) =	sbr.rel @p0 .LBB2_1-.Ltmp1, $4  }
0x39c: {  	[hbm4b:s8+s2] =	stream.linear.scatter [tilespmem:s16], [sflag:$0x2], $0x200, $0x38;
	[tilespmem:$0x18800] =	vst v63  }
0x39d: {  	_ =	swait.ge [sflag:s10], $0x200  }
0x39e: {  	[sflag:s10] =	ssyncset.done $0x0  }
0x39f: {  	[sflag:s10] =	ssyncadd.s32 $0xFFFFFE00  }
0x3a0: {  	_ =	sfence.sel $0x180000  }
0x3a1: {  	[bflag:$0x0] =	sbarrier.arrive $0xFFFF  }
0x3a2: {  	_ =	strace $0x90000047  }
0x3a3: {  	s0 =	stileid.u32;
	[bflag:$0x2] =	sbarrier.arrive $0xFFFF  }
0x3a4: {  	p0 =	sne.s32 s0, $0x0;
	s0 =	rddreg [dreg:$0x2]  }
0x3a5: {  	s0 =	sadd.s32 @!p0 $0x100000, s0  }
0x3a6: {  	[sflag:s0] =	ssyncadd.tile.s32 @!p0 $0x1;
	_ =	shalt  }
.Lfunc_end2:
_tile_overlayer_lowered:
.L_overlay_start_2:
0x3a7: {  	(tag) =	ssettag $0x2  }
0x3a8: {  	s0 =	rddreg [dreg:$0x0];
	s2 =	stileid.u32  }
0x3a9: {  	s1 =	rddreg [dreg:$0x1];
	p0 =	sne.s32 s2, $0x0  }
0x3aa: {  	s3 =	rddreg [dreg:$0x2];
	[bflag:$0x3] =	sbarrier.arrive $0xFFFF;
	s2 =	simm.s32 @!p0 $0x1C02  }
0x3ab: {  	[timem:s3], [sflag:s2] =	dma.local @!p0 [hbm:s0], s1  }
0x3ac: {  	s0 =	simm.s32 @!p0 $0x2  }
0x3ad: {  	_ =	swait.ge @!p0 [sflag:s0], s1  }
0x3ae: {  	s1 =	ssub.s32 @!p0 $0x0, s1;
	[sflag:s0] =	ssyncset.done @!p0 $0x0  }
0x3af: {  	[sflag:s0] =	ssyncadd.s32 @!p0 s1  }
0x3b0: {  	[bflag:$0x3] =	sbarrier.arrive $0xFFFF  }
0x3b1: {  	_ =	shalt  }

</sc_bundles>
